<compile_context>
chip_gen: v7x
topology: tpu7x:2x2x1
jax: 0.10.2.dev20260603
libtpu: 0.0.44.dev20260713+nightly
codegen_flags: <defaults>
</compile_context>

<pallas_src>
import functools

import jax
import jax.numpy as jnp
from jax import lax
from jax.experimental import pallas as pl
from jax.experimental.pallas import tpu as pltpu
from jax.experimental.pallas import tpu_sc as plsc

N = 10000
D = 128
H = 128
G4 = 4 * H
CO = 64
E = 320000

NC = 2
NS = 16
NW = NC * NS
EPW = E // NW
KCH = 80
NCHUNK = EPW // KCH
NPAIR = NCHUNK // 2
KDEG = 80
NDCH = EPW // KDEG
NDPAIR = NDCH // 2
HH = H // 2
RA = 624
TAIL = N - NS * RA
TAIL_OFF = NS * RA

def _sc_degrees_body(src_hbm, dst_hbm, z_hbm, mska_hbm, mskb_hbm, out_hbm,
                     siA, diA, siB, diB, mska_v, mskb_v, acc_sh, semA, semB):
    c = lax.axis_index("c")
    s = lax.axis_index("s")
    wid = s * NC + c
    base = wid * EPW
    pltpu.sync_copy(mska_hbm, mska_v)
    pltpu.sync_copy(mskb_hbm, mskb_v)
    pltpu.sync_copy(z_hbm.at[pl.ds(0, RA)], acc_sh.at[pl.ds(s * RA, RA)])

    @pl.when(s == NS - 1)
    def _ztail():
        pltpu.sync_copy(z_hbm.at[pl.ds(0, TAIL)],
                        acc_sh.at[pl.ds(TAIL_OFF, TAIL)])

    plsc.subcore_barrier()

    pltpu.async_copy(src_hbm.at[pl.ds(base, KDEG)], siA, semA)
    pltpu.async_copy(dst_hbm.at[pl.ds(base, KDEG)], diA, semA)

    def body(it, carry):
        offb = base + (2 * it + 1) * KDEG
        pltpu.async_copy(src_hbm.at[pl.ds(offb, KDEG)], siB, semB)
        pltpu.async_copy(dst_hbm.at[pl.ds(offb, KDEG)], diB, semB)

        pltpu.make_async_copy(src_hbm.at[pl.ds(base, KDEG)], siA, semA).wait()
        pltpu.make_async_copy(dst_hbm.at[pl.ds(base, KDEG)], diA, semA).wait()
        pltpu.sync_copy(mska_v, acc_sh.at[siA], add=True)
        pltpu.sync_copy(mskb_v, acc_sh.at[diA], add=True)

        @pl.when(it < NDPAIR - 1)
        def _next_a():
            offa = base + (2 * it + 2) * KDEG
            pltpu.async_copy(src_hbm.at[pl.ds(offa, KDEG)], siA, semA)
            pltpu.async_copy(dst_hbm.at[pl.ds(offa, KDEG)], diA, semA)

        pltpu.make_async_copy(src_hbm.at[pl.ds(base, KDEG)], siB, semB).wait()
        pltpu.make_async_copy(dst_hbm.at[pl.ds(base, KDEG)], diB, semB).wait()
        pltpu.sync_copy(mska_v, acc_sh.at[siB], add=True)
        pltpu.sync_copy(mskb_v, acc_sh.at[diB], add=True)
        return carry

    lax.fori_loop(0, NDPAIR, body, 0)
    offt = base + 2 * NDPAIR * KDEG
    pltpu.sync_copy(src_hbm.at[pl.ds(offt, KDEG)], siA)
    pltpu.sync_copy(dst_hbm.at[pl.ds(offt, KDEG)], diA)
    pltpu.sync_copy(mska_v, acc_sh.at[siA], add=True)
    pltpu.sync_copy(mskb_v, acc_sh.at[diA], add=True)
    plsc.subcore_barrier()
    pltpu.sync_copy(acc_sh.at[pl.ds(s * RA, RA)],
                    out_hbm.at[c, pl.ds(s * RA, RA)])

    @pl.when(s == NS - 1)
    def _otail():
        pltpu.sync_copy(acc_sh.at[pl.ds(TAIL_OFF, TAIL)],
                        out_hbm.at[c, pl.ds(TAIL_OFF, TAIL)])


def _sc_edge_agg_body(src_hbm, dst_hbm, table_hbm, z_hbm, out_hbm,
                      si0, di0, r0, si1, di1, r1, acc_sh,
                      sem0, sem1, semiA, semiB, semS):
    c = lax.axis_index("c")
    s = lax.axis_index("s")
    wid = s * NC + c
    base = wid * EPW
    pltpu.sync_copy(z_hbm.at[pl.ds(0, RA)], acc_sh.at[pl.ds(s * RA, RA)])

    @pl.when(s == NS - 1)
    def _ztail():
        pltpu.sync_copy(z_hbm.at[pl.ds(0, TAIL)],
                        acc_sh.at[pl.ds(TAIL_OFF, TAIL)])

    plsc.subcore_barrier()

    pltpu.sync_copy(src_hbm.at[pl.ds(base, KCH)], si0)
    pltpu.sync_copy(dst_hbm.at[pl.ds(base, KCH)], di0)
    pltpu.async_copy(table_hbm.at[si0], r0, sem0)
    off1 = base + KCH
    pltpu.async_copy(src_hbm.at[pl.ds(off1, KCH)], si1, semiB)
    pltpu.async_copy(dst_hbm.at[pl.ds(off1, KCH)], di1, semiB)

    def body(it, carry):
        pltpu.make_async_copy(src_hbm.at[pl.ds(base, KCH)], si1, semiB).wait()
        pltpu.make_async_copy(dst_hbm.at[pl.ds(base, KCH)], di1, semiB).wait()
        pltpu.async_copy(table_hbm.at[si1], r1, sem1)

        pltpu.make_async_copy(table_hbm.at[si0], r0, sem0).wait()
        pltpu.sync_copy(r0, acc_sh.at[di0], add=True)

        @pl.when(it < NPAIR - 1)
        def _idx_a():
            offa = base + (2 * it + 2) * KCH
            pltpu.async_copy(src_hbm.at[pl.ds(offa, KCH)], si0, semiA)
            pltpu.async_copy(dst_hbm.at[pl.ds(offa, KCH)], di0, semiA)

        pltpu.make_async_copy(table_hbm.at[si1], r1, sem1).wait()
        pltpu.async_copy(r1, acc_sh.at[di1], semS, add=True)

        @pl.when(it < NPAIR - 1)
        def _gather_a():
            pltpu.make_async_copy(src_hbm.at[pl.ds(base, KCH)], si0,
                                  semiA).wait()
            pltpu.make_async_copy(dst_hbm.at[pl.ds(base, KCH)], di0,
                                  semiA).wait()
            pltpu.async_copy(table_hbm.at[si0], r0, sem0)

        pltpu.make_async_copy(z_hbm.at[pl.ds(0, KCH)], r1, semS).wait()

        @pl.when(it < NPAIR - 1)
        def _idx_b():
            offb = base + (2 * it + 3) * KCH
            pltpu.async_copy(src_hbm.at[pl.ds(offb, KCH)], si1, semiB)
            pltpu.async_copy(dst_hbm.at[pl.ds(offb, KCH)], di1, semiB)

        return carry

    lax.fori_loop(0, NPAIR, body, 0)
    offt = base + 2 * NPAIR * KCH
    pltpu.sync_copy(src_hbm.at[pl.ds(offt, KCH)], si1)
    pltpu.sync_copy(dst_hbm.at[pl.ds(offt, KCH)], di1)
    pltpu.async_copy(table_hbm.at[si1], r1, sem1).wait()
    pltpu.sync_copy(r1, acc_sh.at[di1], add=True)
    plsc.subcore_barrier()
    pltpu.sync_copy(acc_sh.at[pl.ds(s * RA, RA)],
                    out_hbm.at[c, pl.ds(s * RA, RA)])

    @pl.when(s == NS - 1)
    def _otail():
        pltpu.sync_copy(acc_sh.at[pl.ds(TAIL_OFF, TAIL)],
                        out_hbm.at[c, pl.ds(TAIL_OFF, TAIL)])


@functools.lru_cache(maxsize=None)
def _sc_kernels():
    mesh = plsc.VectorSubcoreMesh(core_axis_name="c", subcore_axis_name="s",
                                  num_cores=NC, num_subcores=NS)
    degrees = pl.kernel(
        _sc_degrees_body,
        out_type=jax.ShapeDtypeStruct((NC, N, H), jnp.float32),
        mesh=mesh,
        scratch_types=[
            pltpu.VMEM((KDEG,), jnp.int32),
            pltpu.VMEM((KDEG,), jnp.int32),
            pltpu.VMEM((KDEG,), jnp.int32),
            pltpu.VMEM((KDEG,), jnp.int32),
            pltpu.VMEM((KDEG, H), jnp.float32),
            pltpu.VMEM((KDEG, H), jnp.float32),
            pltpu.VMEM_SHARED((N, H), jnp.float32),
            pltpu.SemaphoreType.DMA,
            pltpu.SemaphoreType.DMA,
        ],
    )
    edge_agg = pl.kernel(
        _sc_edge_agg_body,
        out_type=jax.ShapeDtypeStruct((NC, N, H), jnp.float32),
        mesh=mesh,
        scratch_types=[
            pltpu.VMEM((KCH,), jnp.int32),
            pltpu.VMEM((KCH,), jnp.int32),
            pltpu.VMEM((KCH, H), jnp.float32),
            pltpu.VMEM((KCH,), jnp.int32),
            pltpu.VMEM((KCH,), jnp.int32),
            pltpu.VMEM((KCH, H), jnp.float32),
            pltpu.VMEM_SHARED((N, H), jnp.float32),
            pltpu.SemaphoreType.DMA,
            pltpu.SemaphoreType.DMA,
            pltpu.SemaphoreType.DMA,
            pltpu.SemaphoreType.DMA,
            pltpu.SemaphoreType.DMA,
        ],
    )
    return degrees, edge_agg


_TBN = 2000


def _tc_norms_body(degp_ref, out_ref):
    dp = jnp.sum(degp_ref[...], axis=0)
    deg_s = jnp.sum(dp[:, 0:HH], axis=1) * (1.0 / HH)
    deg_d = jnp.sum(dp[:, HH:H], axis=1) * (1.0 / HH)
    deg = jnp.stack([deg_s, deg_d], axis=0)
    nrm = jnp.where(deg > 0.0, lax.rsqrt(jnp.maximum(deg, 1e-30)), 0.0)
    out_ref[...] = nrm.reshape(1, 2, _TBN)


def _tc_norms(degp):
    nb = N // _TBN
    out = pl.pallas_call(
        _tc_norms_body,
        grid=(nb,),
        in_specs=[pl.BlockSpec((NC, _TBN, H), lambda i: (0, i, 0))],
        out_specs=pl.BlockSpec((1, 2, _TBN), lambda i: (i, 0, 0)),
        out_shape=jax.ShapeDtypeStruct((nb, 2, _TBN), jnp.float32),
    )(degp)
    return jnp.transpose(out, (1, 0, 2)).reshape(2, N)


_TBM = 1000


def _tc_mm_body(x_ref, w_ref, out_ref):
    out_ref[...] = jnp.dot(x_ref[...], w_ref[...],
                           preferred_element_type=jnp.float32)


def _tc_mm(x, w):
    return pl.pallas_call(
        _tc_mm_body,
        grid=(N // _TBM,),
        in_specs=[
            pl.BlockSpec((_TBM, D), lambda i: (i, 0)),
            pl.BlockSpec((D, H), lambda i: (0, 0)),
        ],
        out_specs=pl.BlockSpec((_TBM, H), lambda i: (i, 0)),
        out_shape=jax.ShapeDtypeStruct((N, H), jnp.float32),
    )(x, w)


def _tc_scale_body(xw_ref, nsrc_ref, out_ref):
    out_ref[...] = xw_ref[...] * nsrc_ref[...]


def _tc_scale(xw, nsrc_col):
    return pl.pallas_call(
        _tc_scale_body,
        grid=(N // _TBM,),
        in_specs=[
            pl.BlockSpec((_TBM, H), lambda i: (i, 0)),
            pl.BlockSpec((_TBM, 1), lambda i: (i, 0)),
        ],
        out_specs=pl.BlockSpec((_TBM, H), lambda i: (i, 0)),
        out_shape=jax.ShapeDtypeStruct((N, H), jnp.float32),
    )(xw, nsrc_col)


def _tc_combine_body(parts_ref, ndst_ref, b_ref, w2_ref, nsrc_ref, out_ref):
    agg = (parts_ref[0] + parts_ref[1]) * ndst_ref[...] + b_ref[...]
    h1 = jnp.maximum(agg, 0.0)
    hw = jnp.dot(h1, w2_ref[...], preferred_element_type=jnp.float32)
    out_ref[...] = hw * nsrc_ref[...]


def _tc_combine(parts, ndst_col, b_row, w2, nsrc_col):
    return pl.pallas_call(
        _tc_combine_body,
        grid=(N // _TBM,),
        in_specs=[
            pl.BlockSpec((NC, _TBM, H), lambda i: (0, i, 0)),
            pl.BlockSpec((_TBM, 1), lambda i: (i, 0)),
            pl.BlockSpec((1, H), lambda i: (0, 0)),
            pl.BlockSpec((H, H), lambda i: (0, 0)),
            pl.BlockSpec((_TBM, 1), lambda i: (i, 0)),
        ],
        out_specs=pl.BlockSpec((_TBM, H), lambda i: (i, 0)),
        out_shape=jax.ShapeDtypeStruct((N, H), jnp.float32),
    )(parts, ndst_col, b_row, w2, nsrc_col)


def _tc_proj_body(parts_ref, ndst_ref, b2_ref, wihT_ref, bsum_ref, out_ref):
    agg = (parts_ref[0] + parts_ref[1]) * ndst_ref[...] + b2_ref[...]
    h2b = jnp.maximum(agg, 0.0)
    out_ref[...] = jnp.dot(h2b, wihT_ref[...],
                           preferred_element_type=jnp.float32) + bsum_ref[...]


def _tc_proj(parts, ndst_col, b2_row, wihT, bsum_row):
    return pl.pallas_call(
        _tc_proj_body,
        grid=(N // _TBM,),
        in_specs=[
            pl.BlockSpec((NC, _TBM, H), lambda i: (0, i, 0)),
            pl.BlockSpec((_TBM, 1), lambda i: (i, 0)),
            pl.BlockSpec((1, H), lambda i: (0, 0)),
            pl.BlockSpec((H, G4), lambda i: (0, 0)),
            pl.BlockSpec((1, G4), lambda i: (0, 0)),
        ],
        out_specs=pl.BlockSpec((_TBM, G4), lambda i: (i, 0)),
        out_shape=jax.ShapeDtypeStruct((N, G4), jnp.float32),
    )(parts, ndst_col, b2_row, wihT, bsum_row)


_TBL = 2000
_NGB = N // _TBL
_UNR = 16
H3 = 3 * H


def _tc_lstm_body(p_ref, whhT_ref, fcWT_ref, fcb_ref, out_ref, h_scr, c_scr):
    pid = pl.program_id(0)

    @pl.when(pid == 0)
    def _init():
        h_scr[...] = jnp.zeros_like(h_scr)
        c_scr[...] = jnp.zeros_like(c_scr)

    def step8(j, carry):
        h, cc = carry
        p8 = p_ref[pl.ds(j * _UNR, _UNR), :]
        for k in range(_UNR):
            u = jnp.sum(whhT_ref[...] * h.reshape(H, 1), axis=0,
                        keepdims=True)
            gates = p8[k:k + 1, :] + u
            s = jnp.tanh(gates[:, 0:H3]) * 0.5 + 0.5
            g_g = jnp.tanh(gates[:, H3:G4])
            cc = s[:, H:2 * H] * cc + s[:, 0:H] * g_g
            h = s[:, 2 * H:H3] * jnp.tanh(cc)
        return (h, cc)

    hN, cN = lax.fori_loop(0, _TBL // _UNR, step8, (h_scr[...], c_scr[...]))
    h_scr[...] = hN
    c_scr[...] = cN

    @pl.when(pid == _NGB - 1)
    def _fin():
        out_ref[...] = jnp.dot(hN, fcWT_ref[...],
                               preferred_element_type=jnp.float32) + fcb_ref[...]


def _tc_lstm(p_all, whhT, fcWT, fcb_row):
    return pl.pallas_call(
        _tc_lstm_body,
        grid=(_NGB,),
        in_specs=[
            pl.BlockSpec((_TBL, G4), lambda i: (i, 0)),
            pl.BlockSpec((H, G4), lambda i: (0, 0)),
            pl.BlockSpec((H, CO), lambda i: (0, 0)),
            pl.BlockSpec((1, CO), lambda i: (0, 0)),
        ],
        out_specs=pl.BlockSpec((1, CO), lambda i: (0, 0)),
        out_shape=jax.ShapeDtypeStruct((1, CO), jnp.float32),
        scratch_shapes=[
            pltpu.VMEM((1, H), jnp.float32),
            pltpu.VMEM((1, H), jnp.float32),
        ],
        compiler_params=pltpu.CompilerParams(
            dimension_semantics=("arbitrary",)),
    )(p_all, whhT, fcWT, fcb_row)


def kernel(features, edge_index, W1, b1, W2, b2, W_ih, W_hh, b_ih, b_hh,
           fc_W, fc_b):
    src = edge_index[0]
    dst = edge_index[1]
    zrows = jnp.zeros((RA, H), jnp.float32)
    lane = lax.broadcasted_iota(jnp.int32, (KDEG, H), 1)
    mska = jnp.where(lane < HH, 1.0, 0.0).astype(jnp.float32)
    mskb = 1.0 - mska
    _sc_degrees, _sc_edge_agg = _sc_kernels()

    xw = _tc_mm(features, W1)
    degp = _sc_degrees(src, dst, zrows, mska, mskb)
    norms = _tc_norms(degp)
    nsrc_col = norms[0].reshape(N, 1)
    ndst_col = norms[1].reshape(N, 1)

    hs1 = _tc_scale(xw, nsrc_col)
    parts1 = _sc_edge_agg(src, dst, hs1, zrows)
    hs2 = _tc_combine(parts1, ndst_col, b1.reshape(1, H), W2, nsrc_col)
    parts2 = _sc_edge_agg(src, dst, hs2, zrows)

    perm = jnp.concatenate([jnp.arange(0, 2 * H), jnp.arange(3 * H, 4 * H),
                            jnp.arange(2 * H, 3 * H)])
    scal = jnp.where(jnp.arange(G4) < H3, 0.5, 1.0)[:, None]
    wihT_p = (W_ih[perm] * scal).T
    whhT_p = (W_hh[perm] * scal).T
    bsum_p = ((b_ih + b_hh)[perm] * scal[:, 0]).reshape(1, G4)

    p_all = _tc_proj(parts2, ndst_col, b2.reshape(1, H), wihT_p, bsum_p)
    out = _tc_lstm(p_all, whhT_p, fc_W.T, fc_b.reshape(1, CO))
    return out

# --- scband reference (transcript-rebuilt; emitter-appended) ---
"""Pipeline reference for scband-gnnlstmmodel-62869731278849 (READ-ONLY COPY).

The authoritative reference and input builder live on the scoring server;
editing this copy changes nothing except your own understanding.
"""

import jax, jax.numpy as jnp
import numpy as np

N = 10000
D = 128
H = 128
C = 64
E = 320000

def setup_inputs(seed: int = 0) -> dict:
    key = jax.random.key(seed)
    ks = jax.random.split(key, 14)
    features = jax.random.normal(ks[0], (N, D), dtype=jnp.float32)
    edge_index = jax.random.randint(ks[1], (2, E), 0, N, dtype=jnp.int32)
    s_in = 1.0 / np.sqrt(D)
    s_h = 1.0 / np.sqrt(H)
    W1 = jax.random.normal(ks[2], (D, H), dtype=jnp.float32) * s_in
    b1 = jnp.zeros((H,), dtype=jnp.float32)
    W2 = jax.random.normal(ks[3], (H, H), dtype=jnp.float32) * s_h
    b2 = jnp.zeros((H,), dtype=jnp.float32)
    W_ih = jax.random.normal(ks[4], (4 * H, H), dtype=jnp.float32) * s_h
    W_hh = jax.random.normal(ks[5], (4 * H, H), dtype=jnp.float32) * s_h
    b_ih = jax.random.normal(ks[6], (4 * H,), dtype=jnp.float32) * s_h
    b_hh = jax.random.normal(ks[7], (4 * H,), dtype=jnp.float32) * s_h
    fc_W = jax.random.normal(ks[8], (C, H), dtype=jnp.float32) * s_h
    fc_b = jnp.zeros((C,), dtype=jnp.float32)
    return {"features": features, "edge_index": edge_index, "W1": W1, "b1": b1,
            "W2": W2, "b2": b2, "W_ih": W_ih, "W_hh": W_hh, "b_ih": b_ih,
            "b_hh": b_hh, "fc_W": fc_W, "fc_b": fc_b}

def graph_conv(x, edge_index, W, b):
    # DGL-style GraphConv with symmetric normalization: D_out^-1/2 A D_in^-1/2 X W + b
    src = edge_index[0]
    dst = edge_index[1]
    deg_out = jnp.zeros((N,), jnp.float32).at[src].add(1.0)
    deg_in = jnp.zeros((N,), jnp.float32).at[dst].add(1.0)
    norm_src = jnp.where(deg_out > 0, deg_out ** -0.5, 0.0)
    norm_dst = jnp.where(deg_in > 0, deg_in ** -0.5, 0.0)
    h = x @ W
    h = h * norm_src[:, None]
    msg = h[src]
    agg = jnp.zeros((N, W.shape[1]), x.dtype).at[dst].add(msg)
    return agg * norm_dst[:, None] + b

def lstm_last_hidden(seq, W_ih, W_hh, b_ih, b_hh):
    def step(carry, x):
        h, c = carry
        gates = W_ih @ x + W_hh @ h + b_ih + b_hh
        i, f, g, o = jnp.split(gates, 4)
        i = jax.nn.sigmoid(i)
        f = jax.nn.sigmoid(f)
        g = jnp.tanh(g)
        o = jax.nn.sigmoid(o)
        c_new = f * c + i * g
        h_new = o * jnp.tanh(c_new)
        return (h_new, c_new), None
    h0 = jnp.zeros((H,), jnp.float32)
    c0 = jnp.zeros((H,), jnp.float32)
    (hn, cn), _ = jax.lax.scan(step, (h0, c0), seq)
    return hn

def reference(features, edge_index, W1, b1, W2, b2, W_ih, W_hh, b_ih, b_hh, fc_W, fc_b):
    h = jax.nn.relu(graph_conv(features, edge_index, W1, b1))
    h = jax.nn.relu(graph_conv(h, edge_index, W2, b2))
    # h.unsqueeze(0) -> batch 1, seq_len N, batch_first LSTM; hn[-1] is [1, H]
    hn = lstm_last_hidden(h, W_ih, W_hh, b_ih, b_hh)
    out = hn @ fc_W.T + fc_b
    return out[None, :]

if __name__ == "__main__":
    import jax
    _d = setup_inputs()
    print(jax.jit(kernel)(*tuple(_d.values())))

</pallas_src>

<mosaic_0001>
#map = affine_map<(d0, d1) -> (0)>
#map1 = affine_map<(d0, d1) -> (0, 0)>
#map2 = affine_map<(d0, d1) -> (0, 0, 0)>
module attributes {stable_mosaic.version = 14 : i64} {
  func.func @_sc_degrees_body(%arg0: i32, %arg1: i32, %arg2: memref<320000xi32, #tpu.memory_space<hbm>>, %arg3: memref<320000xi32, #tpu.memory_space<hbm>>, %arg4: memref<624x128xf32, #tpu.memory_space<hbm>>, %arg5: memref<80x128xf32, #tpu.memory_space<hbm>>, %arg6: memref<80x128xf32, #tpu.memory_space<hbm>>, %arg7: memref<2x10000x128xf32, #tpu.memory_space<hbm>>, %arg8: memref<80xi32, #tpu.memory_space<vmem>>, %arg9: memref<80xi32, #tpu.memory_space<vmem>>, %arg10: memref<80xi32, #tpu.memory_space<vmem>>, %arg11: memref<80xi32, #tpu.memory_space<vmem>>, %arg12: memref<80x128xf32, #tpu.memory_space<vmem>>, %arg13: memref<80x128xf32, #tpu.memory_space<vmem>>, %arg14: memref<10000x128xf32, #tpu.memory_space<vmem_shared>>, %arg15: memref<!tpu.dma_semaphore, #tpu.memory_space<semaphore_mem>>, %arg16: memref<!tpu.dma_semaphore, #tpu.memory_space<semaphore_mem>>) attributes {dimension_semantics = [#tpu.dimension_semantics<core_parallel>, #tpu.dimension_semantics<subcore_parallel>], iteration_bounds = array<i64: 2, 16>, scalar_prefetch = 0 : i64, scratch_operands = 9 : i64, tpu.core_type = #tpu.core_type<sc_vector_subcore>, window_params = [{transform_indices = #map}, {transform_indices = #map}, {transform_indices = #map1}, {transform_indices = #map1}, {transform_indices = #map1}, {transform_indices = #map2}]} {
    %mul3A = arith.constant 2 : i32
    %mul3A_0 = arith.muli %arg1, %mul3A : i32
    %add3A = arith.addi %mul3A_0, %arg0 : i32
    %mul3A_1 = arith.constant 10000 : i32
    %mul3A_2 = arith.muli %add3A, %mul3A_1 : i32
    "tpu.region"() ({
      %run_scoped3A = tpu.sem_alloc : memref<!tpu.dma_semaphore, #tpu.memory_space<semaphore_mem>>
      tpu.enqueue_dma source(%arg5 : memref<80x128xf32, #tpu.memory_space<hbm>>) target(%arg12 : memref<80x128xf32, #tpu.memory_space<vmem>>) target_semaphore(%run_scoped3A : memref<!tpu.dma_semaphore, #tpu.memory_space<semaphore_mem>>)
      tpu.wait_dma2 semaphore(%run_scoped3A : memref<!tpu.dma_semaphore, #tpu.memory_space<semaphore_mem>>) src(%arg5 : memref<80x128xf32, #tpu.memory_space<hbm>>) dst(%arg12 : memref<80x128xf32, #tpu.memory_space<vmem>>)
      tpu.yield
    }) : () -> ()
    "tpu.region"() ({
      %run_scoped3A = tpu.sem_alloc : memref<!tpu.dma_semaphore, #tpu.memory_space<semaphore_mem>>
      tpu.enqueue_dma source(%arg6 : memref<80x128xf32, #tpu.memory_space<hbm>>) target(%arg13 : memref<80x128xf32, #tpu.memory_space<vmem>>) target_semaphore(%run_scoped3A : memref<!tpu.dma_semaphore, #tpu.memory_space<semaphore_mem>>)
      tpu.wait_dma2 semaphore(%run_scoped3A : memref<!tpu.dma_semaphore, #tpu.memory_space<semaphore_mem>>) src(%arg6 : memref<80x128xf32, #tpu.memory_space<hbm>>) dst(%arg13 : memref<80x128xf32, #tpu.memory_space<vmem>>)
      tpu.yield
    }) : () -> ()
    %mul3A_3 = arith.constant 624 : i32
    %mul3A_4 = arith.muli %arg1, %mul3A_3 : i32
    "tpu.region"() ({
      %run_scoped3A = tpu.sem_alloc : memref<!tpu.dma_semaphore, #tpu.memory_space<semaphore_mem>>
      %dma_start3A_27 = arith.constant 0 : i32
      %dma_start3A_28 = tpu.memref_slice %arg14[%mul3A_4, %dma_start3A_27] : memref<10000x128xf32, #tpu.memory_space<vmem_shared>> -> memref<624x128xf32, #tpu.memory_space<vmem_shared>>
      %dma_start3A_29 = arith.constant 0 : i32
      %dma_start3A_30 = arith.constant 0 : i32
      %dma_start3A_31 = tpu.memref_slice %arg4[%dma_start3A_29, %dma_start3A_30] : memref<624x128xf32, #tpu.memory_space<hbm>> -> memref<624x128xf32, #tpu.memory_space<hbm>>
      tpu.enqueue_dma source(%dma_start3A_31 : memref<624x128xf32, #tpu.memory_space<hbm>>) target(%dma_start3A_28 : memref<624x128xf32, #tpu.memory_space<vmem_shared>>) target_semaphore(%run_scoped3A : memref<!tpu.dma_semaphore, #tpu.memory_space<semaphore_mem>>)
      %dma_wait3A = arith.constant 0 : i32
      %dma_wait3A_32 = tpu.memref_slice %arg14[%mul3A_4, %dma_wait3A] : memref<10000x128xf32, #tpu.memory_space<vmem_shared>> -> memref<624x128xf32, #tpu.memory_space<vmem_shared>>
      %dma_wait3A_33 = arith.constant 0 : i32
      %dma_wait3A_34 = arith.constant 0 : i32
      %dma_wait3A_35 = tpu.memref_slice %arg4[%dma_wait3A_33, %dma_wait3A_34] : memref<624x128xf32, #tpu.memory_space<hbm>> -> memref<624x128xf32, #tpu.memory_space<hbm>>
      tpu.wait_dma2 semaphore(%run_scoped3A : memref<!tpu.dma_semaphore, #tpu.memory_space<semaphore_mem>>) src(%dma_wait3A_35 : memref<624x128xf32, #tpu.memory_space<hbm>>) dst(%dma_wait3A_32 : memref<624x128xf32, #tpu.memory_space<vmem_shared>>)
      tpu.yield
    }) : () -> ()
    %eq3A = arith.constant 15 : i32
    %eq3A_5 = arith.cmpi eq, %arg1, %eq3A : i32
    %convert_element_type3A = arith.extui %eq3A_5 : i1 to i32
    %cond3A = arith.constant 0 : i32
    %cond3A_6 = arith.cmpi ne, %convert_element_type3A, %cond3A : i32
    scf.if %cond3A_6 {
      "tpu.region"() ({
        %run_scoped3A = tpu.sem_alloc : memref<!tpu.dma_semaphore, #tpu.memory_space<semaphore_mem>>
        %dma_start3A_27 = arith.constant 9984 : i32
        %dma_start3A_28 = arith.constant 0 : i32
        %dma_start3A_29 = tpu.memref_slice %arg14[%dma_start3A_27, %dma_start3A_28] : memref<10000x128xf32, #tpu.memory_space<vmem_shared>> -> memref<16x128xf32, #tpu.memory_space<vmem_shared>>
        %dma_start3A_30 = arith.constant 0 : i32
        %dma_start3A_31 = arith.constant 0 : i32
        %dma_start3A_32 = tpu.memref_slice %arg4[%dma_start3A_30, %dma_start3A_31] : memref<624x128xf32, #tpu.memory_space<hbm>> -> memref<16x128xf32, #tpu.memory_space<hbm>>
        tpu.enqueue_dma source(%dma_start3A_32 : memref<16x128xf32, #tpu.memory_space<hbm>>) target(%dma_start3A_29 : memref<16x128xf32, #tpu.memory_space<vmem_shared>>) target_semaphore(%run_scoped3A : memref<!tpu.dma_semaphore, #tpu.memory_space<semaphore_mem>>)
        %dma_wait3A = arith.constant 9984 : i32
        %dma_wait3A_33 = arith.constant 0 : i32
        %dma_wait3A_34 = tpu.memref_slice %arg14[%dma_wait3A, %dma_wait3A_33] : memref<10000x128xf32, #tpu.memory_space<vmem_shared>> -> memref<16x128xf32, #tpu.memory_space<vmem_shared>>
        %dma_wait3A_35 = arith.constant 0 : i32
        %dma_wait3A_36 = arith.constant 0 : i32
        %dma_wait3A_37 = tpu.memref_slice %arg4[%dma_wait3A_35, %dma_wait3A_36] : memref<624x128xf32, #tpu.memory_space<hbm>> -> memref<16x128xf32, #tpu.memory_space<hbm>>
        tpu.wait_dma2 semaphore(%run_scoped3A : memref<!tpu.dma_semaphore, #tpu.memory_space<semaphore_mem>>) src(%dma_wait3A_37 : memref<16x128xf32, #tpu.memory_space<hbm>>) dst(%dma_wait3A_34 : memref<16x128xf32, #tpu.memory_space<vmem_shared>>)
        tpu.yield
      }) : () -> ()
    } else {
    }
    %barrier3A = arith.constant 0 : index
    tpu.barrier barrier_id(%barrier3A)
    %dma_start3A = tpu.memref_slice %arg2[%mul3A_2] : memref<320000xi32, #tpu.memory_space<hbm>> -> memref<80xi32, #tpu.memory_space<hbm>>
    %dma_start3A_7 = tpu.memref_slice %arg2[%mul3A_2] : memref<320000xi32, #tpu.memory_space<hbm>> -> memref<80xi32, #tpu.memory_space<hbm>>
    tpu.enqueue_dma source(%dma_start3A_7 : memref<80xi32, #tpu.memory_space<hbm>>) target(%arg8 : memref<80xi32, #tpu.memory_space<vmem>>) target_semaphore(%arg15 : memref<!tpu.dma_semaphore, #tpu.memory_space<semaphore_mem>>)
    %dma_start3A_8 = tpu.memref_slice %arg3[%mul3A_2] : memref<320000xi32, #tpu.memory_space<hbm>> -> memref<80xi32, #tpu.memory_space<hbm>>
    %dma_start3A_9 = tpu.memref_slice %arg3[%mul3A_2] : memref<320000xi32, #tpu.memory_space<hbm>> -> memref<80xi32, #tpu.memory_space<hbm>>
    tpu.enqueue_dma source(%dma_start3A_9 : memref<80xi32, #tpu.memory_space<hbm>>) target(%arg9 : memref<80xi32, #tpu.memory_space<vmem>>) target_semaphore(%arg15 : memref<!tpu.dma_semaphore, #tpu.memory_space<semaphore_mem>>)
    %scan3A = arith.constant 0 : i32
    %scan3A_10 = arith.constant 0 : i32
    %scan3A_11 = arith.constant 62 : i32
    %scan3A_12 = arith.addi %scan3A_10, %scan3A_11 : i32
    %scan3A_13 = arith.constant 1 : i32
    scf.for %scan3A_27 = %scan3A_10 to %scan3A_12 step %scan3A_13  : i32 {
      %mul3A_28 = arith.constant 2 : i32
      %mul3A_29 = arith.muli %mul3A_28, %scan3A_27 : i32
      %add3A_30 = arith.constant 1 : i32
      %add3A_31 = arith.addi %mul3A_29, %add3A_30 : i32
      %mul3A_32 = arith.constant 80 : i32
      %mul3A_33 = arith.muli %add3A_31, %mul3A_32 : i32
      %add3A_34 = arith.addi %mul3A_2, %mul3A_33 : i32
      %dma_start3A_35 = tpu.memref_slice %arg2[%add3A_34] : memref<320000xi32, #tpu.memory_space<hbm>> -> memref<80xi32, #tpu.memory_space<hbm>>
      %dma_start3A_36 = tpu.memref_slice %arg2[%add3A_34] : memref<320000xi32, #tpu.memory_space<hbm>> -> memref<80xi32, #tpu.memory_space<hbm>>
      tpu.enqueue_dma source(%dma_start3A_36 : memref<80xi32, #tpu.memory_space<hbm>>) target(%arg10 : memref<80xi32, #tpu.memory_space<vmem>>) target_semaphore(%arg16 : memref<!tpu.dma_semaphore, #tpu.memory_space<semaphore_mem>>)
      %dma_start3A_37 = tpu.memref_slice %arg3[%add3A_34] : memref<320000xi32, #tpu.memory_space<hbm>> -> memref<80xi32, #tpu.memory_space<hbm>>
      %dma_start3A_38 = tpu.memref_slice %arg3[%add3A_34] : memref<320000xi32, #tpu.memory_space<hbm>> -> memref<80xi32, #tpu.memory_space<hbm>>
      tpu.enqueue_dma source(%dma_start3A_38 : memref<80xi32, #tpu.memory_space<hbm>>) target(%arg11 : memref<80xi32, #tpu.memory_space<vmem>>) target_semaphore(%arg16 : memref<!tpu.dma_semaphore, #tpu.memory_space<semaphore_mem>>)
      %dma_wait3A = tpu.memref_slice %arg2[%mul3A_2] : memref<320000xi32, #tpu.memory_space<hbm>> -> memref<80xi32, #tpu.memory_space<hbm>>
      %dma_wait3A_39 = tpu.memref_slice %arg2[%mul3A_2] : memref<320000xi32, #tpu.memory_space<hbm>> -> memref<80xi32, #tpu.memory_space<hbm>>
      tpu.wait_dma2 semaphore(%arg15 : memref<!tpu.dma_semaphore, #tpu.memory_space<semaphore_mem>>) src(%dma_wait3A_39 : memref<80xi32, #tpu.memory_space<hbm>>) dst(%arg8 : memref<80xi32, #tpu.memory_space<vmem>>)
      %dma_wait3A_40 = tpu.memref_slice %arg3[%mul3A_2] : memref<320000xi32, #tpu.memory_space<hbm>> -> memref<80xi32, #tpu.memory_space<hbm>>
      %dma_wait3A_41 = tpu.memref_slice %arg3[%mul3A_2] : memref<320000xi32, #tpu.memory_space<hbm>> -> memref<80xi32, #tpu.memory_space<hbm>>
      tpu.wait_dma2 semaphore(%arg15 : memref<!tpu.dma_semaphore, #tpu.memory_space<semaphore_mem>>) src(%dma_wait3A_41 : memref<80xi32, #tpu.memory_space<hbm>>) dst(%arg9 : memref<80xi32, #tpu.memory_space<vmem>>)
      "tpu.region"() ({
        %run_scoped3A = tpu.sem_alloc : memref<!tpu.dma_semaphore, #tpu.memory_space<semaphore_mem>>
        %dma_start3A_50 = arith.constant 0 : i32
        %dma_start3A_51 = arith.constant 0 : i32
        %dma_start3A_52 = tpu.memref_slice %arg14[%dma_start3A_50, %dma_start3A_51] : memref<10000x128xf32, #tpu.memory_space<vmem_shared>> -> memref<10000x128xf32, #tpu.memory_space<vmem_shared>>
        tpu.enqueue_indirect_dma source(%arg12 : memref<80x128xf32, #tpu.memory_space<vmem>>) target(%dma_start3A_52 : memref<10000x128xf32, #tpu.memory_space<vmem_shared>>) offsets(%arg8 : memref<80xi32, #tpu.memory_space<vmem>>) semaphore(%run_scoped3A : memref<!tpu.dma_semaphore, #tpu.memory_space<semaphore_mem>>) {add = true}
        %dma_wait3A_53 = arith.constant 0 : i32
        %dma_wait3A_54 = arith.constant 0 : i32
        %dma_wait3A_55 = tpu.memref_slice %arg14[%dma_wait3A_53, %dma_wait3A_54] : memref<10000x128xf32, #tpu.memory_space<vmem_shared>> -> memref<10000x128xf32, #tpu.memory_space<vmem_shared>>
        tpu.wait_indirect_dma semaphore(%run_scoped3A : memref<!tpu.dma_semaphore, #tpu.memory_space<semaphore_mem>>) src(%arg12 : memref<80x128xf32, #tpu.memory_space<vmem>>) dst(%dma_wait3A_55 : memref<10000x128xf32, #tpu.memory_space<vmem_shared>>)
        tpu.yield
      }) : () -> ()
      "tpu.region"() ({
        %run_scoped3A = tpu.sem_alloc : memref<!tpu.dma_semaphore, #tpu.memory_space<semaphore_mem>>
        %dma_start3A_50 = arith.constant 0 : i32
        %dma_start3A_51 = arith.constant 0 : i32
        %dma_start3A_52 = tpu.memref_slice %arg14[%dma_start3A_50, %dma_start3A_51] : memref<10000x128xf32, #tpu.memory_space<vmem_shared>> -> memref<10000x128xf32, #tpu.memory_space<vmem_shared>>
        tpu.enqueue_indirect_dma source(%arg13 : memref<80x128xf32, #tpu.memory_space<vmem>>) target(%dma_start3A_52 : memref<10000x128xf32, #tpu.memory_space<vmem_shared>>) offsets(%arg9 : memref<80xi32, #tpu.memory_space<vmem>>) semaphore(%run_scoped3A : memref<!tpu.dma_semaphore, #tpu.memory_space<semaphore_mem>>) {add = true}
        %dma_wait3A_53 = arith.constant 0 : i32
        %dma_wait3A_54 = arith.constant 0 : i32
        %dma_wait3A_55 = tpu.memref_slice %arg14[%dma_wait3A_53, %dma_wait3A_54] : memref<10000x128xf32, #tpu.memory_space<vmem_shared>> -> memref<10000x128xf32, #tpu.memory_space<vmem_shared>>
        tpu.wait_indirect_dma semaphore(%run_scoped3A : memref<!tpu.dma_semaphore, #tpu.memory_space<semaphore_mem>>) src(%arg13 : memref<80x128xf32, #tpu.memory_space<vmem>>) dst(%dma_wait3A_55 : memref<10000x128xf32, #tpu.memory_space<vmem_shared>>)
        tpu.yield
      }) : () -> ()
      %lt3A = arith.constant 61 : i32
      %lt3A_42 = arith.cmpi slt, %scan3A_27, %lt3A : i32
      %convert_element_type3A_43 = arith.extui %lt3A_42 : i1 to i32
      %cond3A_44 = arith.constant 0 : i32
      %cond3A_45 = arith.cmpi ne, %convert_element_type3A_43, %cond3A_44 : i32
      scf.if %cond3A_45 {
        %mul3A_50 = arith.constant 2 : i32
        %mul3A_51 = arith.muli %mul3A_50, %scan3A_27 : i32
        %add3A_52 = arith.constant 2 : i32
        %add3A_53 = arith.addi %mul3A_51, %add3A_52 : i32
        %mul3A_54 = arith.constant 80 : i32
        %mul3A_55 = arith.muli %add3A_53, %mul3A_54 : i32
        %add3A_56 = arith.addi %mul3A_2, %mul3A_55 : i32
        %dma_start3A_57 = tpu.memref_slice %arg2[%add3A_56] : memref<320000xi32, #tpu.memory_space<hbm>> -> memref<80xi32, #tpu.memory_space<hbm>>
        %dma_start3A_58 = tpu.memref_slice %arg2[%add3A_56] : memref<320000xi32, #tpu.memory_space<hbm>> -> memref<80xi32, #tpu.memory_space<hbm>>
        tpu.enqueue_dma source(%dma_start3A_58 : memref<80xi32, #tpu.memory_space<hbm>>) target(%arg8 : memref<80xi32, #tpu.memory_space<vmem>>) target_semaphore(%arg15 : memref<!tpu.dma_semaphore, #tpu.memory_space<semaphore_mem>>)
        %dma_start3A_59 = tpu.memref_slice %arg3[%add3A_56] : memref<320000xi32, #tpu.memory_space<hbm>> -> memref<80xi32, #tpu.memory_space<hbm>>
        %dma_start3A_60 = tpu.memref_slice %arg3[%add3A_56] : memref<320000xi32, #tpu.memory_space<hbm>> -> memref<80xi32, #tpu.memory_space<hbm>>
        tpu.enqueue_dma source(%dma_start3A_60 : memref<80xi32, #tpu.memory_space<hbm>>) target(%arg9 : memref<80xi32, #tpu.memory_space<vmem>>) target_semaphore(%arg15 : memref<!tpu.dma_semaphore, #tpu.memory_space<semaphore_mem>>)
      } else {
      }
      %dma_wait3A_46 = tpu.memref_slice %arg2[%mul3A_2] : memref<320000xi32, #tpu.memory_space<hbm>> -> memref<80xi32, #tpu.memory_space<hbm>>
      %dma_wait3A_47 = tpu.memref_slice %arg2[%mul3A_2] : memref<320000xi32, #tpu.memory_space<hbm>> -> memref<80xi32, #tpu.memory_space<hbm>>
      tpu.wait_dma2 semaphore(%arg16 : memref<!tpu.dma_semaphore, #tpu.memory_space<semaphore_mem>>) src(%dma_wait3A_47 : memref<80xi32, #tpu.memory_space<hbm>>) dst(%arg10 : memref<80xi32, #tpu.memory_space<vmem>>)
      %dma_wait3A_48 = tpu.memref_slice %arg3[%mul3A_2] : memref<320000xi32, #tpu.memory_space<hbm>> -> memref<80xi32, #tpu.memory_space<hbm>>
      %dma_wait3A_49 = tpu.memref_slice %arg3[%mul3A_2] : memref<320000xi32, #tpu.memory_space<hbm>> -> memref<80xi32, #tpu.memory_space<hbm>>
      tpu.wait_dma2 semaphore(%arg16 : memref<!tpu.dma_semaphore, #tpu.memory_space<semaphore_mem>>) src(%dma_wait3A_49 : memref<80xi32, #tpu.memory_space<hbm>>) dst(%arg11 : memref<80xi32, #tpu.memory_space<vmem>>)
      "tpu.region"() ({
        %run_scoped3A = tpu.sem_alloc : memref<!tpu.dma_semaphore, #tpu.memory_space<semaphore_mem>>
        %dma_start3A_50 = arith.constant 0 : i32
        %dma_start3A_51 = arith.constant 0 : i32
        %dma_start3A_52 = tpu.memref_slice %arg14[%dma_start3A_50, %dma_start3A_51] : memref<10000x128xf32, #tpu.memory_space<vmem_shared>> -> memref<10000x128xf32, #tpu.memory_space<vmem_shared>>
        tpu.enqueue_indirect_dma source(%arg12 : memref<80x128xf32, #tpu.memory_space<vmem>>) target(%dma_start3A_52 : memref<10000x128xf32, #tpu.memory_space<vmem_shared>>) offsets(%arg10 : memref<80xi32, #tpu.memory_space<vmem>>) semaphore(%run_scoped3A : memref<!tpu.dma_semaphore, #tpu.memory_space<semaphore_mem>>) {add = true}
        %dma_wait3A_53 = arith.constant 0 : i32
        %dma_wait3A_54 = arith.constant 0 : i32
        %dma_wait3A_55 = tpu.memref_slice %arg14[%dma_wait3A_53, %dma_wait3A_54] : memref<10000x128xf32, #tpu.memory_space<vmem_shared>> -> memref<10000x128xf32, #tpu.memory_space<vmem_shared>>
        tpu.wait_indirect_dma semaphore(%run_scoped3A : memref<!tpu.dma_semaphore, #tpu.memory_space<semaphore_mem>>) src(%arg12 : memref<80x128xf32, #tpu.memory_space<vmem>>) dst(%dma_wait3A_55 : memref<10000x128xf32, #tpu.memory_space<vmem_shared>>)
        tpu.yield
      }) : () -> ()
      "tpu.region"() ({
        %run_scoped3A = tpu.sem_alloc : memref<!tpu.dma_semaphore, #tpu.memory_space<semaphore_mem>>
        %dma_start3A_50 = arith.constant 0 : i32
        %dma_start3A_51 = arith.constant 0 : i32
        %dma_start3A_52 = tpu.memref_slice %arg14[%dma_start3A_50, %dma_start3A_51] : memref<10000x128xf32, #tpu.memory_space<vmem_shared>> -> memref<10000x128xf32, #tpu.memory_space<vmem_shared>>
        tpu.enqueue_indirect_dma source(%arg13 : memref<80x128xf32, #tpu.memory_space<vmem>>) target(%dma_start3A_52 : memref<10000x128xf32, #tpu.memory_space<vmem_shared>>) offsets(%arg11 : memref<80xi32, #tpu.memory_space<vmem>>) semaphore(%run_scoped3A : memref<!tpu.dma_semaphore, #tpu.memory_space<semaphore_mem>>) {add = true}
        %dma_wait3A_53 = arith.constant 0 : i32
        %dma_wait3A_54 = arith.constant 0 : i32
        %dma_wait3A_55 = tpu.memref_slice %arg14[%dma_wait3A_53, %dma_wait3A_54] : memref<10000x128xf32, #tpu.memory_space<vmem_shared>> -> memref<10000x128xf32, #tpu.memory_space<vmem_shared>>
        tpu.wait_indirect_dma semaphore(%run_scoped3A : memref<!tpu.dma_semaphore, #tpu.memory_space<semaphore_mem>>) src(%arg13 : memref<80x128xf32, #tpu.memory_space<vmem>>) dst(%dma_wait3A_55 : memref<10000x128xf32, #tpu.memory_space<vmem_shared>>)
        tpu.yield
      }) : () -> ()
    }
    %scan3A_14 = arith.constant 62 : i32
    %add3A_15 = arith.constant 9920 : i32
    %add3A_16 = arith.addi %mul3A_2, %add3A_15 : i32
    "tpu.region"() ({
      %run_scoped3A = tpu.sem_alloc : memref<!tpu.dma_semaphore, #tpu.memory_space<semaphore_mem>>
      %dma_start3A_27 = tpu.memref_slice %arg2[%add3A_16] : memref<320000xi32, #tpu.memory_space<hbm>> -> memref<80xi32, #tpu.memory_space<hbm>>
      %dma_start3A_28 = tpu.memref_slice %arg2[%add3A_16] : memref<320000xi32, #tpu.memory_space<hbm>> -> memref<80xi32, #tpu.memory_space<hbm>>
      tpu.enqueue_dma source(%dma_start3A_28 : memref<80xi32, #tpu.memory_space<hbm>>) target(%arg8 : memref<80xi32, #tpu.memory_space<vmem>>) target_semaphore(%run_scoped3A : memref<!tpu.dma_semaphore, #tpu.memory_space<semaphore_mem>>)
      %dma_wait3A = tpu.memref_slice %arg2[%add3A_16] : memref<320000xi32, #tpu.memory_space<hbm>> -> memref<80xi32, #tpu.memory_space<hbm>>
      %dma_wait3A_29 = tpu.memref_slice %arg2[%add3A_16] : memref<320000xi32, #tpu.memory_space<hbm>> -> memref<80xi32, #tpu.memory_space<hbm>>
      tpu.wait_dma2 semaphore(%run_scoped3A : memref<!tpu.dma_semaphore, #tpu.memory_space<semaphore_mem>>) src(%dma_wait3A_29 : memref<80xi32, #tpu.memory_space<hbm>>) dst(%arg8 : memref<80xi32, #tpu.memory_space<vmem>>)
      tpu.yield
    }) : () -> ()
    "tpu.region"() ({
      %run_scoped3A = tpu.sem_alloc : memref<!tpu.dma_semaphore, #tpu.memory_space<semaphore_mem>>
      %dma_start3A_27 = tpu.memref_slice %arg3[%add3A_16] : memref<320000xi32, #tpu.memory_space<hbm>> -> memref<80xi32, #tpu.memory_space<hbm>>
      %dma_start3A_28 = tpu.memref_slice %arg3[%add3A_16] : memref<320000xi32, #tpu.memory_space<hbm>> -> memref<80xi32, #tpu.memory_space<hbm>>
      tpu.enqueue_dma source(%dma_start3A_28 : memref<80xi32, #tpu.memory_space<hbm>>) target(%arg9 : memref<80xi32, #tpu.memory_space<vmem>>) target_semaphore(%run_scoped3A : memref<!tpu.dma_semaphore, #tpu.memory_space<semaphore_mem>>)
      %dma_wait3A = tpu.memref_slice %arg3[%add3A_16] : memref<320000xi32, #tpu.memory_space<hbm>> -> memref<80xi32, #tpu.memory_space<hbm>>
      %dma_wait3A_29 = tpu.memref_slice %arg3[%add3A_16] : memref<320000xi32, #tpu.memory_space<hbm>> -> memref<80xi32, #tpu.memory_space<hbm>>
      tpu.wait_dma2 semaphore(%run_scoped3A : memref<!tpu.dma_semaphore, #tpu.memory_space<semaphore_mem>>) src(%dma_wait3A_29 : memref<80xi32, #tpu.memory_space<hbm>>) dst(%arg9 : memref<80xi32, #tpu.memory_space<vmem>>)
      tpu.yield
    }) : () -> ()
    "tpu.region"() ({
      %run_scoped3A = tpu.sem_alloc : memref<!tpu.dma_semaphore, #tpu.memory_space<semaphore_mem>>
      %dma_start3A_27 = arith.constant 0 : i32
      %dma_start3A_28 = arith.constant 0 : i32
      %dma_start3A_29 = tpu.memref_slice %arg14[%dma_start3A_27, %dma_start3A_28] : memref<10000x128xf32, #tpu.memory_space<vmem_shared>> -> memref<10000x128xf32, #tpu.memory_space<vmem_shared>>
      tpu.enqueue_indirect_dma source(%arg12 : memref<80x128xf32, #tpu.memory_space<vmem>>) target(%dma_start3A_29 : memref<10000x128xf32, #tpu.memory_space<vmem_shared>>) offsets(%arg8 : memref<80xi32, #tpu.memory_space<vmem>>) semaphore(%run_scoped3A : memref<!tpu.dma_semaphore, #tpu.memory_space<semaphore_mem>>) {add = true}
      %dma_wait3A = arith.constant 0 : i32
      %dma_wait3A_30 = arith.constant 0 : i32
      %dma_wait3A_31 = tpu.memref_slice %arg14[%dma_wait3A, %dma_wait3A_30] : memref<10000x128xf32, #tpu.memory_space<vmem_shared>> -> memref<10000x128xf32, #tpu.memory_space<vmem_shared>>
      tpu.wait_indirect_dma semaphore(%run_scoped3A : memref<!tpu.dma_semaphore, #tpu.memory_space<semaphore_mem>>) src(%arg12 : memref<80x128xf32, #tpu.memory_space<vmem>>) dst(%dma_wait3A_31 : memref<10000x128xf32, #tpu.memory_space<vmem_shared>>)
      tpu.yield
    }) : () -> ()
    "tpu.region"() ({
      %run_scoped3A = tpu.sem_alloc : memref<!tpu.dma_semaphore, #tpu.memory_space<semaphore_mem>>
      %dma_start3A_27 = arith.constant 0 : i32
      %dma_start3A_28 = arith.constant 0 : i32
      %dma_start3A_29 = tpu.memref_slice %arg14[%dma_start3A_27, %dma_start3A_28] : memref<10000x128xf32, #tpu.memory_space<vmem_shared>> -> memref<10000x128xf32, #tpu.memory_space<vmem_shared>>
      tpu.enqueue_indirect_dma source(%arg13 : memref<80x128xf32, #tpu.memory_space<vmem>>) target(%dma_start3A_29 : memref<10000x128xf32, #tpu.memory_space<vmem_shared>>) offsets(%arg9 : memref<80xi32, #tpu.memory_space<vmem>>) semaphore(%run_scoped3A : memref<!tpu.dma_semaphore, #tpu.memory_space<semaphore_mem>>) {add = true}
      %dma_wait3A = arith.constant 0 : i32
      %dma_wait3A_30 = arith.constant 0 : i32
      %dma_wait3A_31 = tpu.memref_slice %arg14[%dma_wait3A, %dma_wait3A_30] : memref<10000x128xf32, #tpu.memory_space<vmem_shared>> -> memref<10000x128xf32, #tpu.memory_space<vmem_shared>>
      tpu.wait_indirect_dma semaphore(%run_scoped3A : memref<!tpu.dma_semaphore, #tpu.memory_space<semaphore_mem>>) src(%arg13 : memref<80x128xf32, #tpu.memory_space<vmem>>) dst(%dma_wait3A_31 : memref<10000x128xf32, #tpu.memory_space<vmem_shared>>)
      tpu.yield
    }) : () -> ()
    %barrier3A_17 = arith.constant 0 : index
    tpu.barrier barrier_id(%barrier3A_17)
    %mul3A_18 = arith.constant 624 : i32
    %mul3A_19 = arith.muli %arg1, %mul3A_18 : i32
    %mul3A_20 = arith.constant 624 : i32
    %mul3A_21 = arith.muli %arg1, %mul3A_20 : i32
    "tpu.region"() ({
      %run_scoped3A = tpu.sem_alloc : memref<!tpu.dma_semaphore, #tpu.memory_space<semaphore_mem>>
      %dma_start3A_27 = arith.constant 0 : i32
      %dma_start3A_28 = tpu.memref_slice %arg7[%arg0, %mul3A_21, %dma_start3A_27] : memref<2x10000x128xf32, #tpu.memory_space<hbm>> -> memref<1x624x128xf32, #tpu.memory_space<hbm>>
      %dma_start3A_29 = tpu.memref_squeeze %dma_start3A_28 : memref<1x624x128xf32, #tpu.memory_space<hbm>> -> memref<624x128xf32, #tpu.memory_space<hbm>>
      %dma_start3A_30 = arith.constant 0 : i32
      %dma_start3A_31 = tpu.memref_slice %arg14[%mul3A_19, %dma_start3A_30] : memref<10000x128xf32, #tpu.memory_space<vmem_shared>> -> memref<624x128xf32, #tpu.memory_space<vmem_shared>>
      tpu.enqueue_dma source(%dma_start3A_31 : memref<624x128xf32, #tpu.memory_space<vmem_shared>>) target(%dma_start3A_29 : memref<624x128xf32, #tpu.memory_space<hbm>>) target_semaphore(%run_scoped3A : memref<!tpu.dma_semaphore, #tpu.memory_space<semaphore_mem>>)
      %dma_wait3A = arith.constant 0 : i32
      %dma_wait3A_32 = tpu.memref_slice %arg7[%arg0, %mul3A_21, %dma_wait3A] : memref<2x10000x128xf32, #tpu.memory_space<hbm>> -> memref<1x624x128xf32, #tpu.memory_space<hbm>>
      %dma_wait3A_33 = tpu.memref_squeeze %dma_wait3A_32 : memref<1x624x128xf32, #tpu.memory_space<hbm>> -> memref<624x128xf32, #tpu.memory_space<hbm>>
      %dma_wait3A_34 = arith.constant 0 : i32
      %dma_wait3A_35 = tpu.memref_slice %arg14[%mul3A_19, %dma_wait3A_34] : memref<10000x128xf32, #tpu.memory_space<vmem_shared>> -> memref<624x128xf32, #tpu.memory_space<vmem_shared>>
      tpu.wait_dma2 semaphore(%run_scoped3A : memref<!tpu.dma_semaphore, #tpu.memory_space<semaphore_mem>>) src(%dma_wait3A_35 : memref<624x128xf32, #tpu.memory_space<vmem_shared>>) dst(%dma_wait3A_33 : memref<624x128xf32, #tpu.memory_space<hbm>>)
      tpu.yield
    }) : () -> ()
    %eq3A_22 = arith.constant 15 : i32
    %eq3A_23 = arith.cmpi eq, %arg1, %eq3A_22 : i32
    %convert_element_type3A_24 = arith.extui %eq3A_23 : i1 to i32
    %cond3A_25 = arith.constant 0 : i32
    %cond3A_26 = arith.cmpi ne, %convert_element_type3A_24, %cond3A_25 : i32
    scf.if %cond3A_26 {
      "tpu.region"() ({
        %run_scoped3A = tpu.sem_alloc : memref<!tpu.dma_semaphore, #tpu.memory_space<semaphore_mem>>
        %dma_start3A_27 = arith.constant 9984 : i32
        %dma_start3A_28 = arith.constant 0 : i32
        %dma_start3A_29 = tpu.memref_slice %arg7[%arg0, %dma_start3A_27, %dma_start3A_28] : memref<2x10000x128xf32, #tpu.memory_space<hbm>> -> memref<1x16x128xf32, #tpu.memory_space<hbm>>
        %dma_start3A_30 = tpu.memref_squeeze %dma_start3A_29 : memref<1x16x128xf32, #tpu.memory_space<hbm>> -> memref<16x128xf32, #tpu.memory_space<hbm>>
        %dma_start3A_31 = arith.constant 9984 : i32
        %dma_start3A_32 = arith.constant 0 : i32
        %dma_start3A_33 = tpu.memref_slice %arg14[%dma_start3A_31, %dma_start3A_32] : memref<10000x128xf32, #tpu.memory_space<vmem_shared>> -> memref<16x128xf32, #tpu.memory_space<vmem_shared>>
        tpu.enqueue_dma source(%dma_start3A_33 : memref<16x128xf32, #tpu.memory_space<vmem_shared>>) target(%dma_start3A_30 : memref<16x128xf32, #tpu.memory_space<hbm>>) target_semaphore(%run_scoped3A : memref<!tpu.dma_semaphore, #tpu.memory_space<semaphore_mem>>)
        %dma_wait3A = arith.constant 9984 : i32
        %dma_wait3A_34 = arith.constant 0 : i32
        %dma_wait3A_35 = tpu.memref_slice %arg7[%arg0, %dma_wait3A, %dma_wait3A_34] : memref<2x10000x128xf32, #tpu.memory_space<hbm>> -> memref<1x16x128xf32, #tpu.memory_space<hbm>>
        %dma_wait3A_36 = tpu.memref_squeeze %dma_wait3A_35 : memref<1x16x128xf32, #tpu.memory_space<hbm>> -> memref<16x128xf32, #tpu.memory_space<hbm>>
        %dma_wait3A_37 = arith.constant 9984 : i32
        %dma_wait3A_38 = arith.constant 0 : i32
        %dma_wait3A_39 = tpu.memref_slice %arg14[%dma_wait3A_37, %dma_wait3A_38] : memref<10000x128xf32, #tpu.memory_space<vmem_shared>> -> memref<16x128xf32, #tpu.memory_space<vmem_shared>>
        tpu.wait_dma2 semaphore(%run_scoped3A : memref<!tpu.dma_semaphore, #tpu.memory_space<semaphore_mem>>) src(%dma_wait3A_39 : memref<16x128xf32, #tpu.memory_space<vmem_shared>>) dst(%dma_wait3A_36 : memref<16x128xf32, #tpu.memory_space<hbm>>)
        tpu.yield
      }) : () -> ()
    } else {
    }
    return
  }
}

#map = affine_map<(d0, d1) -> (0)>
#map1 = affine_map<(d0, d1) -> (0, 0)>
#map2 = affine_map<(d0, d1) -> (0, 0, 0)>
module attributes {stable_mosaic.version = 14 : i64} {
  func.func @_sc_edge_agg_body(%arg0: i32, %arg1: i32, %arg2: memref<320000xi32, #tpu.memory_space<hbm>>, %arg3: memref<320000xi32, #tpu.memory_space<hbm>>, %arg4: memref<10000x128xf32, #tpu.memory_space<hbm>>, %arg5: memref<624x128xf32, #tpu.memory_space<hbm>>, %arg6: memref<2x10000x128xf32, #tpu.memory_space<hbm>>, %arg7: memref<80xi32, #tpu.memory_space<vmem>>, %arg8: memref<80xi32, #tpu.memory_space<vmem>>, %arg9: memref<80x128xf32, #tpu.memory_space<vmem>>, %arg10: memref<80xi32, #tpu.memory_space<vmem>>, %arg11: memref<80xi32, #tpu.memory_space<vmem>>, %arg12: memref<80x128xf32, #tpu.memory_space<vmem>>, %arg13: memref<10000x128xf32, #tpu.memory_space<vmem_shared>>, %arg14: memref<!tpu.dma_semaphore, #tpu.memory_space<semaphore_mem>>, %arg15: memref<!tpu.dma_semaphore, #tpu.memory_space<semaphore_mem>>, %arg16: memref<!tpu.dma_semaphore, #tpu.memory_space<semaphore_mem>>, %arg17: memref<!tpu.dma_semaphore, #tpu.memory_space<semaphore_mem>>, %arg18: memref<!tpu.dma_semaphore, #tpu.memory_space<semaphore_mem>>) attributes {dimension_semantics = [#tpu.dimension_semantics<core_parallel>, #tpu.dimension_semantics<subcore_parallel>], iteration_bounds = array<i64: 2, 16>, scalar_prefetch = 0 : i64, scratch_operands = 12 : i64, tpu.core_type = #tpu.core_type<sc_vector_subcore>, window_params = [{transform_indices = #map}, {transform_indices = #map}, {transform_indices = #map1}, {transform_indices = #map1}, {transform_indices = #map2}]} {
    %mul3A = arith.constant 2 : i32
    %mul3A_0 = arith.muli %arg1, %mul3A : i32
    %add3A = arith.addi %mul3A_0, %arg0 : i32
    %mul3A_1 = arith.constant 10000 : i32
    %mul3A_2 = arith.muli %add3A, %mul3A_1 : i32
    %mul3A_3 = arith.constant 624 : i32
    %mul3A_4 = arith.muli %arg1, %mul3A_3 : i32
    "tpu.region"() ({
      %run_scoped3A = tpu.sem_alloc : memref<!tpu.dma_semaphore, #tpu.memory_space<semaphore_mem>>
      %dma_start3A_37 = arith.constant 0 : i32
      %dma_start3A_38 = tpu.memref_slice %arg13[%mul3A_4, %dma_start3A_37] : memref<10000x128xf32, #tpu.memory_space<vmem_shared>> -> memref<624x128xf32, #tpu.memory_space<vmem_shared>>
      %dma_start3A_39 = arith.constant 0 : i32
      %dma_start3A_40 = arith.constant 0 : i32
      %dma_start3A_41 = tpu.memref_slice %arg5[%dma_start3A_39, %dma_start3A_40] : memref<624x128xf32, #tpu.memory_space<hbm>> -> memref<624x128xf32, #tpu.memory_space<hbm>>
      tpu.enqueue_dma source(%dma_start3A_41 : memref<624x128xf32, #tpu.memory_space<hbm>>) target(%dma_start3A_38 : memref<624x128xf32, #tpu.memory_space<vmem_shared>>) target_semaphore(%run_scoped3A : memref<!tpu.dma_semaphore, #tpu.memory_space<semaphore_mem>>)
      %dma_wait3A_42 = arith.constant 0 : i32
      %dma_wait3A_43 = tpu.memref_slice %arg13[%mul3A_4, %dma_wait3A_42] : memref<10000x128xf32, #tpu.memory_space<vmem_shared>> -> memref<624x128xf32, #tpu.memory_space<vmem_shared>>
      %dma_wait3A_44 = arith.constant 0 : i32
      %dma_wait3A_45 = arith.constant 0 : i32
      %dma_wait3A_46 = tpu.memref_slice %arg5[%dma_wait3A_44, %dma_wait3A_45] : memref<624x128xf32, #tpu.memory_space<hbm>> -> memref<624x128xf32, #tpu.memory_space<hbm>>
      tpu.wait_dma2 semaphore(%run_scoped3A : memref<!tpu.dma_semaphore, #tpu.memory_space<semaphore_mem>>) src(%dma_wait3A_46 : memref<624x128xf32, #tpu.memory_space<hbm>>) dst(%dma_wait3A_43 : memref<624x128xf32, #tpu.memory_space<vmem_shared>>)
      tpu.yield
    }) : () -> ()
    %eq3A = arith.constant 15 : i32
    %eq3A_5 = arith.cmpi eq, %arg1, %eq3A : i32
    %convert_element_type3A = arith.extui %eq3A_5 : i1 to i32
    %cond3A = arith.constant 0 : i32
    %cond3A_6 = arith.cmpi ne, %convert_element_type3A, %cond3A : i32
    scf.if %cond3A_6 {
      "tpu.region"() ({
        %run_scoped3A = tpu.sem_alloc : memref<!tpu.dma_semaphore, #tpu.memory_space<semaphore_mem>>
        %dma_start3A_37 = arith.constant 9984 : i32
        %dma_start3A_38 = arith.constant 0 : i32
        %dma_start3A_39 = tpu.memref_slice %arg13[%dma_start3A_37, %dma_start3A_38] : memref<10000x128xf32, #tpu.memory_space<vmem_shared>> -> memref<16x128xf32, #tpu.memory_space<vmem_shared>>
        %dma_start3A_40 = arith.constant 0 : i32
        %dma_start3A_41 = arith.constant 0 : i32
        %dma_start3A_42 = tpu.memref_slice %arg5[%dma_start3A_40, %dma_start3A_41] : memref<624x128xf32, #tpu.memory_space<hbm>> -> memref<16x128xf32, #tpu.memory_space<hbm>>
        tpu.enqueue_dma source(%dma_start3A_42 : memref<16x128xf32, #tpu.memory_space<hbm>>) target(%dma_start3A_39 : memref<16x128xf32, #tpu.memory_space<vmem_shared>>) target_semaphore(%run_scoped3A : memref<!tpu.dma_semaphore, #tpu.memory_space<semaphore_mem>>)
        %dma_wait3A_43 = arith.constant 9984 : i32
        %dma_wait3A_44 = arith.constant 0 : i32
        %dma_wait3A_45 = tpu.memref_slice %arg13[%dma_wait3A_43, %dma_wait3A_44] : memref<10000x128xf32, #tpu.memory_space<vmem_shared>> -> memref<16x128xf32, #tpu.memory_space<vmem_shared>>
        %dma_wait3A_46 = arith.constant 0 : i32
        %dma_wait3A_47 = arith.constant 0 : i32
        %dma_wait3A_48 = tpu.memref_slice %arg5[%dma_wait3A_46, %dma_wait3A_47] : memref<624x128xf32, #tpu.memory_space<hbm>> -> memref<16x128xf32, #tpu.memory_space<hbm>>
        tpu.wait_dma2 semaphore(%run_scoped3A : memref<!tpu.dma_semaphore, #tpu.memory_space<semaphore_mem>>) src(%dma_wait3A_48 : memref<16x128xf32, #tpu.memory_space<hbm>>) dst(%dma_wait3A_45 : memref<16x128xf32, #tpu.memory_space<vmem_shared>>)
        tpu.yield
      }) : () -> ()
    } else {
    }
    %barrier3A = arith.constant 0 : index
    tpu.barrier barrier_id(%barrier3A)
    "tpu.region"() ({
      %run_scoped3A = tpu.sem_alloc : memref<!tpu.dma_semaphore, #tpu.memory_space<semaphore_mem>>
      %dma_start3A_37 = tpu.memref_slice %arg2[%mul3A_2] : memref<320000xi32, #tpu.memory_space<hbm>> -> memref<80xi32, #tpu.memory_space<hbm>>
      %dma_start3A_38 = tpu.memref_slice %arg2[%mul3A_2] : memref<320000xi32, #tpu.memory_space<hbm>> -> memref<80xi32, #tpu.memory_space<hbm>>
      tpu.enqueue_dma source(%dma_start3A_38 : memref<80xi32, #tpu.memory_space<hbm>>) target(%arg7 : memref<80xi32, #tpu.memory_space<vmem>>) target_semaphore(%run_scoped3A : memref<!tpu.dma_semaphore, #tpu.memory_space<semaphore_mem>>)
      %dma_wait3A_39 = tpu.memref_slice %arg2[%mul3A_2] : memref<320000xi32, #tpu.memory_space<hbm>> -> memref<80xi32, #tpu.memory_space<hbm>>
      %dma_wait3A_40 = tpu.memref_slice %arg2[%mul3A_2] : memref<320000xi32, #tpu.memory_space<hbm>> -> memref<80xi32, #tpu.memory_space<hbm>>
      tpu.wait_dma2 semaphore(%run_scoped3A : memref<!tpu.dma_semaphore, #tpu.memory_space<semaphore_mem>>) src(%dma_wait3A_40 : memref<80xi32, #tpu.memory_space<hbm>>) dst(%arg7 : memref<80xi32, #tpu.memory_space<vmem>>)
      tpu.yield
    }) : () -> ()
    "tpu.region"() ({
      %run_scoped3A = tpu.sem_alloc : memref<!tpu.dma_semaphore, #tpu.memory_space<semaphore_mem>>
      %dma_start3A_37 = tpu.memref_slice %arg3[%mul3A_2] : memref<320000xi32, #tpu.memory_space<hbm>> -> memref<80xi32, #tpu.memory_space<hbm>>
      %dma_start3A_38 = tpu.memref_slice %arg3[%mul3A_2] : memref<320000xi32, #tpu.memory_space<hbm>> -> memref<80xi32, #tpu.memory_space<hbm>>
      tpu.enqueue_dma source(%dma_start3A_38 : memref<80xi32, #tpu.memory_space<hbm>>) target(%arg8 : memref<80xi32, #tpu.memory_space<vmem>>) target_semaphore(%run_scoped3A : memref<!tpu.dma_semaphore, #tpu.memory_space<semaphore_mem>>)
      %dma_wait3A_39 = tpu.memref_slice %arg3[%mul3A_2] : memref<320000xi32, #tpu.memory_space<hbm>> -> memref<80xi32, #tpu.memory_space<hbm>>
      %dma_wait3A_40 = tpu.memref_slice %arg3[%mul3A_2] : memref<320000xi32, #tpu.memory_space<hbm>> -> memref<80xi32, #tpu.memory_space<hbm>>
      tpu.wait_dma2 semaphore(%run_scoped3A : memref<!tpu.dma_semaphore, #tpu.memory_space<semaphore_mem>>) src(%dma_wait3A_40 : memref<80xi32, #tpu.memory_space<hbm>>) dst(%arg8 : memref<80xi32, #tpu.memory_space<vmem>>)
      tpu.yield
    }) : () -> ()
    %dma_start3A = arith.constant 0 : i32
    %dma_start3A_7 = arith.constant 0 : i32
    %dma_start3A_8 = tpu.memref_slice %arg4[%dma_start3A, %dma_start3A_7] : memref<10000x128xf32, #tpu.memory_space<hbm>> -> memref<10000x128xf32, #tpu.memory_space<hbm>>
    tpu.enqueue_indirect_dma source(%dma_start3A_8 : memref<10000x128xf32, #tpu.memory_space<hbm>>) target(%arg9 : memref<80x128xf32, #tpu.memory_space<vmem>>) offsets(%arg7 : memref<80xi32, #tpu.memory_space<vmem>>) semaphore(%arg14 : memref<!tpu.dma_semaphore, #tpu.memory_space<semaphore_mem>>)
    %add3A_9 = arith.constant 80 : i32
    %add3A_10 = arith.addi %mul3A_2, %add3A_9 : i32
    %dma_start3A_11 = tpu.memref_slice %arg2[%add3A_10] : memref<320000xi32, #tpu.memory_space<hbm>> -> memref<80xi32, #tpu.memory_space<hbm>>
    %dma_start3A_12 = tpu.memref_slice %arg2[%add3A_10] : memref<320000xi32, #tpu.memory_space<hbm>> -> memref<80xi32, #tpu.memory_space<hbm>>
    tpu.enqueue_dma source(%dma_start3A_12 : memref<80xi32, #tpu.memory_space<hbm>>) target(%arg10 : memref<80xi32, #tpu.memory_space<vmem>>) target_semaphore(%arg17 : memref<!tpu.dma_semaphore, #tpu.memory_space<semaphore_mem>>)
    %dma_start3A_13 = tpu.memref_slice %arg3[%add3A_10] : memref<320000xi32, #tpu.memory_space<hbm>> -> memref<80xi32, #tpu.memory_space<hbm>>
    %dma_start3A_14 = tpu.memref_slice %arg3[%add3A_10] : memref<320000xi32, #tpu.memory_space<hbm>> -> memref<80xi32, #tpu.memory_space<hbm>>
    tpu.enqueue_dma source(%dma_start3A_14 : memref<80xi32, #tpu.memory_space<hbm>>) target(%arg11 : memref<80xi32, #tpu.memory_space<vmem>>) target_semaphore(%arg17 : memref<!tpu.dma_semaphore, #tpu.memory_space<semaphore_mem>>)
    %scan3A = arith.constant 0 : i32
    %scan3A_15 = arith.constant 0 : i32
    %scan3A_16 = arith.constant 62 : i32
    %scan3A_17 = arith.addi %scan3A_15, %scan3A_16 : i32
    %scan3A_18 = arith.constant 1 : i32
    scf.for %scan3A_37 = %scan3A_15 to %scan3A_17 step %scan3A_18  : i32 {
      %dma_wait3A_38 = tpu.memref_slice %arg2[%mul3A_2] : memref<320000xi32, #tpu.memory_space<hbm>> -> memref<80xi32, #tpu.memory_space<hbm>>
      %dma_wait3A_39 = tpu.memref_slice %arg2[%mul3A_2] : memref<320000xi32, #tpu.memory_space<hbm>> -> memref<80xi32, #tpu.memory_space<hbm>>
      tpu.wait_dma2 semaphore(%arg17 : memref<!tpu.dma_semaphore, #tpu.memory_space<semaphore_mem>>) src(%dma_wait3A_39 : memref<80xi32, #tpu.memory_space<hbm>>) dst(%arg10 : memref<80xi32, #tpu.memory_space<vmem>>)
      %dma_wait3A_40 = tpu.memref_slice %arg3[%mul3A_2] : memref<320000xi32, #tpu.memory_space<hbm>> -> memref<80xi32, #tpu.memory_space<hbm>>
      %dma_wait3A_41 = tpu.memref_slice %arg3[%mul3A_2] : memref<320000xi32, #tpu.memory_space<hbm>> -> memref<80xi32, #tpu.memory_space<hbm>>
      tpu.wait_dma2 semaphore(%arg17 : memref<!tpu.dma_semaphore, #tpu.memory_space<semaphore_mem>>) src(%dma_wait3A_41 : memref<80xi32, #tpu.memory_space<hbm>>) dst(%arg11 : memref<80xi32, #tpu.memory_space<vmem>>)
      %dma_start3A_42 = arith.constant 0 : i32
      %dma_start3A_43 = arith.constant 0 : i32
      %dma_start3A_44 = tpu.memref_slice %arg4[%dma_start3A_42, %dma_start3A_43] : memref<10000x128xf32, #tpu.memory_space<hbm>> -> memref<10000x128xf32, #tpu.memory_space<hbm>>
      tpu.enqueue_indirect_dma source(%dma_start3A_44 : memref<10000x128xf32, #tpu.memory_space<hbm>>) target(%arg12 : memref<80x128xf32, #tpu.memory_space<vmem>>) offsets(%arg10 : memref<80xi32, #tpu.memory_space<vmem>>) semaphore(%arg15 : memref<!tpu.dma_semaphore, #tpu.memory_space<semaphore_mem>>)
      %dma_wait3A_45 = arith.constant 0 : i32
      %dma_wait3A_46 = arith.constant 0 : i32
      %dma_wait3A_47 = tpu.memref_slice %arg4[%dma_wait3A_45, %dma_wait3A_46] : memref<10000x128xf32, #tpu.memory_space<hbm>> -> memref<10000x128xf32, #tpu.memory_space<hbm>>
      tpu.wait_indirect_dma semaphore(%arg14 : memref<!tpu.dma_semaphore, #tpu.memory_space<semaphore_mem>>) src(%dma_wait3A_47 : memref<10000x128xf32, #tpu.memory_space<hbm>>) dst(%arg9 : memref<80x128xf32, #tpu.memory_space<vmem>>)
      "tpu.region"() ({
        %run_scoped3A = tpu.sem_alloc : memref<!tpu.dma_semaphore, #tpu.memory_space<semaphore_mem>>
        %dma_start3A_74 = arith.constant 0 : i32
        %dma_start3A_75 = arith.constant 0 : i32
        %dma_start3A_76 = tpu.memref_slice %arg13[%dma_start3A_74, %dma_start3A_75] : memref<10000x128xf32, #tpu.memory_space<vmem_shared>> -> memref<10000x128xf32, #tpu.memory_space<vmem_shared>>
        tpu.enqueue_indirect_dma source(%arg9 : memref<80x128xf32, #tpu.memory_space<vmem>>) target(%dma_start3A_76 : memref<10000x128xf32, #tpu.memory_space<vmem_shared>>) offsets(%arg8 : memref<80xi32, #tpu.memory_space<vmem>>) semaphore(%run_scoped3A : memref<!tpu.dma_semaphore, #tpu.memory_space<semaphore_mem>>) {add = true}
        %dma_wait3A_77 = arith.constant 0 : i32
        %dma_wait3A_78 = arith.constant 0 : i32
        %dma_wait3A_79 = tpu.memref_slice %arg13[%dma_wait3A_77, %dma_wait3A_78] : memref<10000x128xf32, #tpu.memory_space<vmem_shared>> -> memref<10000x128xf32, #tpu.memory_space<vmem_shared>>
        tpu.wait_indirect_dma semaphore(%run_scoped3A : memref<!tpu.dma_semaphore, #tpu.memory_space<semaphore_mem>>) src(%arg9 : memref<80x128xf32, #tpu.memory_space<vmem>>) dst(%dma_wait3A_79 : memref<10000x128xf32, #tpu.memory_space<vmem_shared>>)
        tpu.yield
      }) : () -> ()
      %lt3A = arith.constant 61 : i32
      %lt3A_48 = arith.cmpi slt, %scan3A_37, %lt3A : i32
      %convert_element_type3A_49 = arith.extui %lt3A_48 : i1 to i32
      %cond3A_50 = arith.constant 0 : i32
      %cond3A_51 = arith.cmpi ne, %convert_element_type3A_49, %cond3A_50 : i32
      scf.if %cond3A_51 {
        %mul3A_74 = arith.constant 2 : i32
        %mul3A_75 = arith.muli %mul3A_74, %scan3A_37 : i32
        %add3A_76 = arith.constant 2 : i32
        %add3A_77 = arith.addi %mul3A_75, %add3A_76 : i32
        %mul3A_78 = arith.constant 80 : i32
        %mul3A_79 = arith.muli %add3A_77, %mul3A_78 : i32
        %add3A_80 = arith.addi %mul3A_2, %mul3A_79 : i32
        %dma_start3A_81 = tpu.memref_slice %arg2[%add3A_80] : memref<320000xi32, #tpu.memory_space<hbm>> -> memref<80xi32, #tpu.memory_space<hbm>>
        %dma_start3A_82 = tpu.memref_slice %arg2[%add3A_80] : memref<320000xi32, #tpu.memory_space<hbm>> -> memref<80xi32, #tpu.memory_space<hbm>>
        tpu.enqueue_dma source(%dma_start3A_82 : memref<80xi32, #tpu.memory_space<hbm>>) target(%arg7 : memref<80xi32, #tpu.memory_space<vmem>>) target_semaphore(%arg16 : memref<!tpu.dma_semaphore, #tpu.memory_space<semaphore_mem>>)
        %dma_start3A_83 = tpu.memref_slice %arg3[%add3A_80] : memref<320000xi32, #tpu.memory_space<hbm>> -> memref<80xi32, #tpu.memory_space<hbm>>
        %dma_start3A_84 = tpu.memref_slice %arg3[%add3A_80] : memref<320000xi32, #tpu.memory_space<hbm>> -> memref<80xi32, #tpu.memory_space<hbm>>
        tpu.enqueue_dma source(%dma_start3A_84 : memref<80xi32, #tpu.memory_space<hbm>>) target(%arg8 : memref<80xi32, #tpu.memory_space<vmem>>) target_semaphore(%arg16 : memref<!tpu.dma_semaphore, #tpu.memory_space<semaphore_mem>>)
      } else {
      }
      %dma_wait3A_52 = arith.constant 0 : i32
      %dma_wait3A_53 = arith.constant 0 : i32
      %dma_wait3A_54 = tpu.memref_slice %arg4[%dma_wait3A_52, %dma_wait3A_53] : memref<10000x128xf32, #tpu.memory_space<hbm>> -> memref<10000x128xf32, #tpu.memory_space<hbm>>
      tpu.wait_indirect_dma semaphore(%arg15 : memref<!tpu.dma_semaphore, #tpu.memory_space<semaphore_mem>>) src(%dma_wait3A_54 : memref<10000x128xf32, #tpu.memory_space<hbm>>) dst(%arg12 : memref<80x128xf32, #tpu.memory_space<vmem>>)
      %dma_start3A_55 = arith.constant 0 : i32
      %dma_start3A_56 = arith.constant 0 : i32
      %dma_start3A_57 = tpu.memref_slice %arg13[%dma_start3A_55, %dma_start3A_56] : memref<10000x128xf32, #tpu.memory_space<vmem_shared>> -> memref<10000x128xf32, #tpu.memory_space<vmem_shared>>
      tpu.enqueue_indirect_dma source(%arg12 : memref<80x128xf32, #tpu.memory_space<vmem>>) target(%dma_start3A_57 : memref<10000x128xf32, #tpu.memory_space<vmem_shared>>) offsets(%arg11 : memref<80xi32, #tpu.memory_space<vmem>>) semaphore(%arg18 : memref<!tpu.dma_semaphore, #tpu.memory_space<semaphore_mem>>) {add = true}
      %lt3A_58 = arith.constant 61 : i32
      %lt3A_59 = arith.cmpi slt, %scan3A_37, %lt3A_58 : i32
      %convert_element_type3A_60 = arith.extui %lt3A_59 : i1 to i32
      %cond3A_61 = arith.constant 0 : i32
      %cond3A_62 = arith.cmpi ne, %convert_element_type3A_60, %cond3A_61 : i32
      scf.if %cond3A_62 {
        %dma_wait3A_74 = tpu.memref_slice %arg2[%mul3A_2] : memref<320000xi32, #tpu.memory_space<hbm>> -> memref<80xi32, #tpu.memory_space<hbm>>
        %dma_wait3A_75 = tpu.memref_slice %arg2[%mul3A_2] : memref<320000xi32, #tpu.memory_space<hbm>> -> memref<80xi32, #tpu.memory_space<hbm>>
        tpu.wait_dma2 semaphore(%arg16 : memref<!tpu.dma_semaphore, #tpu.memory_space<semaphore_mem>>) src(%dma_wait3A_75 : memref<80xi32, #tpu.memory_space<hbm>>) dst(%arg7 : memref<80xi32, #tpu.memory_space<vmem>>)
        %dma_wait3A_76 = tpu.memref_slice %arg3[%mul3A_2] : memref<320000xi32, #tpu.memory_space<hbm>> -> memref<80xi32, #tpu.memory_space<hbm>>
        %dma_wait3A_77 = tpu.memref_slice %arg3[%mul3A_2] : memref<320000xi32, #tpu.memory_space<hbm>> -> memref<80xi32, #tpu.memory_space<hbm>>
        tpu.wait_dma2 semaphore(%arg16 : memref<!tpu.dma_semaphore, #tpu.memory_space<semaphore_mem>>) src(%dma_wait3A_77 : memref<80xi32, #tpu.memory_space<hbm>>) dst(%arg8 : memref<80xi32, #tpu.memory_space<vmem>>)
        %dma_start3A_78 = arith.constant 0 : i32
        %dma_start3A_79 = arith.constant 0 : i32
        %dma_start3A_80 = tpu.memref_slice %arg4[%dma_start3A_78, %dma_start3A_79] : memref<10000x128xf32, #tpu.memory_space<hbm>> -> memref<10000x128xf32, #tpu.memory_space<hbm>>
        tpu.enqueue_indirect_dma source(%dma_start3A_80 : memref<10000x128xf32, #tpu.memory_space<hbm>>) target(%arg9 : memref<80x128xf32, #tpu.memory_space<vmem>>) offsets(%arg7 : memref<80xi32, #tpu.memory_space<vmem>>) semaphore(%arg14 : memref<!tpu.dma_semaphore, #tpu.memory_space<semaphore_mem>>)
      } else {
      }
      %dma_wait3A_63 = arith.constant 0 : i32
      %dma_wait3A_64 = arith.constant 0 : i32
      %dma_wait3A_65 = tpu.memref_slice %arg5[%dma_wait3A_63, %dma_wait3A_64] : memref<624x128xf32, #tpu.memory_space<hbm>> -> memref<80x128xf32, #tpu.memory_space<hbm>>
      %dma_wait3A_66 = arith.constant 0 : i32
      %dma_wait3A_67 = arith.constant 0 : i32
      %dma_wait3A_68 = tpu.memref_slice %arg5[%dma_wait3A_66, %dma_wait3A_67] : memref<624x128xf32, #tpu.memory_space<hbm>> -> memref<80x128xf32, #tpu.memory_space<hbm>>
      tpu.wait_dma2 semaphore(%arg18 : memref<!tpu.dma_semaphore, #tpu.memory_space<semaphore_mem>>) src(%dma_wait3A_68 : memref<80x128xf32, #tpu.memory_space<hbm>>) dst(%arg12 : memref<80x128xf32, #tpu.memory_space<vmem>>)
      %lt3A_69 = arith.constant 61 : i32
      %lt3A_70 = arith.cmpi slt, %scan3A_37, %lt3A_69 : i32
      %convert_element_type3A_71 = arith.extui %lt3A_70 : i1 to i32
      %cond3A_72 = arith.constant 0 : i32
      %cond3A_73 = arith.cmpi ne, %convert_element_type3A_71, %cond3A_72 : i32
      scf.if %cond3A_73 {
        %mul3A_74 = arith.constant 2 : i32
        %mul3A_75 = arith.muli %mul3A_74, %scan3A_37 : i32
        %add3A_76 = arith.constant 3 : i32
        %add3A_77 = arith.addi %mul3A_75, %add3A_76 : i32
        %mul3A_78 = arith.constant 80 : i32
        %mul3A_79 = arith.muli %add3A_77, %mul3A_78 : i32
        %add3A_80 = arith.addi %mul3A_2, %mul3A_79 : i32
        %dma_start3A_81 = tpu.memref_slice %arg2[%add3A_80] : memref<320000xi32, #tpu.memory_space<hbm>> -> memref<80xi32, #tpu.memory_space<hbm>>
        %dma_start3A_82 = tpu.memref_slice %arg2[%add3A_80] : memref<320000xi32, #tpu.memory_space<hbm>> -> memref<80xi32, #tpu.memory_space<hbm>>
        tpu.enqueue_dma source(%dma_start3A_82 : memref<80xi32, #tpu.memory_space<hbm>>) target(%arg10 : memref<80xi32, #tpu.memory_space<vmem>>) target_semaphore(%arg17 : memref<!tpu.dma_semaphore, #tpu.memory_space<semaphore_mem>>)
        %dma_start3A_83 = tpu.memref_slice %arg3[%add3A_80] : memref<320000xi32, #tpu.memory_space<hbm>> -> memref<80xi32, #tpu.memory_space<hbm>>
        %dma_start3A_84 = tpu.memref_slice %arg3[%add3A_80] : memref<320000xi32, #tpu.memory_space<hbm>> -> memref<80xi32, #tpu.memory_space<hbm>>
        tpu.enqueue_dma source(%dma_start3A_84 : memref<80xi32, #tpu.memory_space<hbm>>) target(%arg11 : memref<80xi32, #tpu.memory_space<vmem>>) target_semaphore(%arg17 : memref<!tpu.dma_semaphore, #tpu.memory_space<semaphore_mem>>)
      } else {
      }
    }
    %scan3A_19 = arith.constant 62 : i32
    %add3A_20 = arith.constant 9920 : i32
    %add3A_21 = arith.addi %mul3A_2, %add3A_20 : i32
    "tpu.region"() ({
      %run_scoped3A = tpu.sem_alloc : memref<!tpu.dma_semaphore, #tpu.memory_space<semaphore_mem>>
      %dma_start3A_37 = tpu.memref_slice %arg2[%add3A_21] : memref<320000xi32, #tpu.memory_space<hbm>> -> memref<80xi32, #tpu.memory_space<hbm>>
      %dma_start3A_38 = tpu.memref_slice %arg2[%add3A_21] : memref<320000xi32, #tpu.memory_space<hbm>> -> memref<80xi32, #tpu.memory_space<hbm>>
      tpu.enqueue_dma source(%dma_start3A_38 : memref<80xi32, #tpu.memory_space<hbm>>) target(%arg10 : memref<80xi32, #tpu.memory_space<vmem>>) target_semaphore(%run_scoped3A : memref<!tpu.dma_semaphore, #tpu.memory_space<semaphore_mem>>)
      %dma_wait3A_39 = tpu.memref_slice %arg2[%add3A_21] : memref<320000xi32, #tpu.memory_space<hbm>> -> memref<80xi32, #tpu.memory_space<hbm>>
      %dma_wait3A_40 = tpu.memref_slice %arg2[%add3A_21] : memref<320000xi32, #tpu.memory_space<hbm>> -> memref<80xi32, #tpu.memory_space<hbm>>
      tpu.wait_dma2 semaphore(%run_scoped3A : memref<!tpu.dma_semaphore, #tpu.memory_space<semaphore_mem>>) src(%dma_wait3A_40 : memref<80xi32, #tpu.memory_space<hbm>>) dst(%arg10 : memref<80xi32, #tpu.memory_space<vmem>>)
      tpu.yield
    }) : () -> ()
    "tpu.region"() ({
      %run_scoped3A = tpu.sem_alloc : memref<!tpu.dma_semaphore, #tpu.memory_space<semaphore_mem>>
      %dma_start3A_37 = tpu.memref_slice %arg3[%add3A_21] : memref<320000xi32, #tpu.memory_space<hbm>> -> memref<80xi32, #tpu.memory_space<hbm>>
      %dma_start3A_38 = tpu.memref_slice %arg3[%add3A_21] : memref<320000xi32, #tpu.memory_space<hbm>> -> memref<80xi32, #tpu.memory_space<hbm>>
      tpu.enqueue_dma source(%dma_start3A_38 : memref<80xi32, #tpu.memory_space<hbm>>) target(%arg11 : memref<80xi32, #tpu.memory_space<vmem>>) target_semaphore(%run_scoped3A : memref<!tpu.dma_semaphore, #tpu.memory_space<semaphore_mem>>)
      %dma_wait3A_39 = tpu.memref_slice %arg3[%add3A_21] : memref<320000xi32, #tpu.memory_space<hbm>> -> memref<80xi32, #tpu.memory_space<hbm>>
      %dma_wait3A_40 = tpu.memref_slice %arg3[%add3A_21] : memref<320000xi32, #tpu.memory_space<hbm>> -> memref<80xi32, #tpu.memory_space<hbm>>
      tpu.wait_dma2 semaphore(%run_scoped3A : memref<!tpu.dma_semaphore, #tpu.memory_space<semaphore_mem>>) src(%dma_wait3A_40 : memref<80xi32, #tpu.memory_space<hbm>>) dst(%arg11 : memref<80xi32, #tpu.memory_space<vmem>>)
      tpu.yield
    }) : () -> ()
    %dma_start3A_22 = arith.constant 0 : i32
    %dma_start3A_23 = arith.constant 0 : i32
    %dma_start3A_24 = tpu.memref_slice %arg4[%dma_start3A_22, %dma_start3A_23] : memref<10000x128xf32, #tpu.memory_space<hbm>> -> memref<10000x128xf32, #tpu.memory_space<hbm>>
    tpu.enqueue_indirect_dma source(%dma_start3A_24 : memref<10000x128xf32, #tpu.memory_space<hbm>>) target(%arg12 : memref<80x128xf32, #tpu.memory_space<vmem>>) offsets(%arg10 : memref<80xi32, #tpu.memory_space<vmem>>) semaphore(%arg15 : memref<!tpu.dma_semaphore, #tpu.memory_space<semaphore_mem>>)
    %dma_wait3A = arith.constant 0 : i32
    %dma_wait3A_25 = arith.constant 0 : i32
    %dma_wait3A_26 = tpu.memref_slice %arg4[%dma_wait3A, %dma_wait3A_25] : memref<10000x128xf32, #tpu.memory_space<hbm>> -> memref<10000x128xf32, #tpu.memory_space<hbm>>
    tpu.wait_indirect_dma semaphore(%arg15 : memref<!tpu.dma_semaphore, #tpu.memory_space<semaphore_mem>>) src(%dma_wait3A_26 : memref<10000x128xf32, #tpu.memory_space<hbm>>) dst(%arg12 : memref<80x128xf32, #tpu.memory_space<vmem>>)
    "tpu.region"() ({
      %run_scoped3A = tpu.sem_alloc : memref<!tpu.dma_semaphore, #tpu.memory_space<semaphore_mem>>
      %dma_start3A_37 = arith.constant 0 : i32
      %dma_start3A_38 = arith.constant 0 : i32
      %dma_start3A_39 = tpu.memref_slice %arg13[%dma_start3A_37, %dma_start3A_38] : memref<10000x128xf32, #tpu.memory_space<vmem_shared>> -> memref<10000x128xf32, #tpu.memory_space<vmem_shared>>
      tpu.enqueue_indirect_dma source(%arg12 : memref<80x128xf32, #tpu.memory_space<vmem>>) target(%dma_start3A_39 : memref<10000x128xf32, #tpu.memory_space<vmem_shared>>) offsets(%arg11 : memref<80xi32, #tpu.memory_space<vmem>>) semaphore(%run_scoped3A : memref<!tpu.dma_semaphore, #tpu.memory_space<semaphore_mem>>) {add = true}
      %dma_wait3A_40 = arith.constant 0 : i32
      %dma_wait3A_41 = arith.constant 0 : i32
      %dma_wait3A_42 = tpu.memref_slice %arg13[%dma_wait3A_40, %dma_wait3A_41] : memref<10000x128xf32, #tpu.memory_space<vmem_shared>> -> memref<10000x128xf32, #tpu.memory_space<vmem_shared>>
      tpu.wait_indirect_dma semaphore(%run_scoped3A : memref<!tpu.dma_semaphore, #tpu.memory_space<semaphore_mem>>) src(%arg12 : memref<80x128xf32, #tpu.memory_space<vmem>>) dst(%dma_wait3A_42 : memref<10000x128xf32, #tpu.memory_space<vmem_shared>>)
      tpu.yield
    }) : () -> ()
    %barrier3A_27 = arith.constant 0 : index
    tpu.barrier barrier_id(%barrier3A_27)
    %mul3A_28 = arith.constant 624 : i32
    %mul3A_29 = arith.muli %arg1, %mul3A_28 : i32
    %mul3A_30 = arith.constant 624 : i32
    %mul3A_31 = arith.muli %arg1, %mul3A_30 : i32
    "tpu.region"() ({
      %run_scoped3A = tpu.sem_alloc : memref<!tpu.dma_semaphore, #tpu.memory_space<semaphore_mem>>
      %dma_start3A_37 = arith.constant 0 : i32
      %dma_start3A_38 = tpu.memref_slice %arg6[%arg0, %mul3A_31, %dma_start3A_37] : memref<2x10000x128xf32, #tpu.memory_space<hbm>> -> memref<1x624x128xf32, #tpu.memory_space<hbm>>
      %dma_start3A_39 = tpu.memref_squeeze %dma_start3A_38 : memref<1x624x128xf32, #tpu.memory_space<hbm>> -> memref<624x128xf32, #tpu.memory_space<hbm>>
      %dma_start3A_40 = arith.constant 0 : i32
      %dma_start3A_41 = tpu.memref_slice %arg13[%mul3A_29, %dma_start3A_40] : memref<10000x128xf32, #tpu.memory_space<vmem_shared>> -> memref<624x128xf32, #tpu.memory_space<vmem_shared>>
      tpu.enqueue_dma source(%dma_start3A_41 : memref<624x128xf32, #tpu.memory_space<vmem_shared>>) target(%dma_start3A_39 : memref<624x128xf32, #tpu.memory_space<hbm>>) target_semaphore(%run_scoped3A : memref<!tpu.dma_semaphore, #tpu.memory_space<semaphore_mem>>)
      %dma_wait3A_42 = arith.constant 0 : i32
      %dma_wait3A_43 = tpu.memref_slice %arg6[%arg0, %mul3A_31, %dma_wait3A_42] : memref<2x10000x128xf32, #tpu.memory_space<hbm>> -> memref<1x624x128xf32, #tpu.memory_space<hbm>>
      %dma_wait3A_44 = tpu.memref_squeeze %dma_wait3A_43 : memref<1x624x128xf32, #tpu.memory_space<hbm>> -> memref<624x128xf32, #tpu.memory_space<hbm>>
      %dma_wait3A_45 = arith.constant 0 : i32
      %dma_wait3A_46 = tpu.memref_slice %arg13[%mul3A_29, %dma_wait3A_45] : memref<10000x128xf32, #tpu.memory_space<vmem_shared>> -> memref<624x128xf32, #tpu.memory_space<vmem_shared>>
      tpu.wait_dma2 semaphore(%run_scoped3A : memref<!tpu.dma_semaphore, #tpu.memory_space<semaphore_mem>>) src(%dma_wait3A_46 : memref<624x128xf32, #tpu.memory_space<vmem_shared>>) dst(%dma_wait3A_44 : memref<624x128xf32, #tpu.memory_space<hbm>>)
      tpu.yield
    }) : () -> ()
    %eq3A_32 = arith.constant 15 : i32
    %eq3A_33 = arith.cmpi eq, %arg1, %eq3A_32 : i32
    %convert_element_type3A_34 = arith.extui %eq3A_33 : i1 to i32
    %cond3A_35 = arith.constant 0 : i32
    %cond3A_36 = arith.cmpi ne, %convert_element_type3A_34, %cond3A_35 : i32
    scf.if %cond3A_36 {
      "tpu.region"() ({
        %run_scoped3A = tpu.sem_alloc : memref<!tpu.dma_semaphore, #tpu.memory_space<semaphore_mem>>
        %dma_start3A_37 = arith.constant 9984 : i32
        %dma_start3A_38 = arith.constant 0 : i32
        %dma_start3A_39 = tpu.memref_slice %arg6[%arg0, %dma_start3A_37, %dma_start3A_38] : memref<2x10000x128xf32, #tpu.memory_space<hbm>> -> memref<1x16x128xf32, #tpu.memory_space<hbm>>
        %dma_start3A_40 = tpu.memref_squeeze %dma_start3A_39 : memref<1x16x128xf32, #tpu.memory_space<hbm>> -> memref<16x128xf32, #tpu.memory_space<hbm>>
        %dma_start3A_41 = arith.constant 9984 : i32
        %dma_start3A_42 = arith.constant 0 : i32
        %dma_start3A_43 = tpu.memref_slice %arg13[%dma_start3A_41, %dma_start3A_42] : memref<10000x128xf32, #tpu.memory_space<vmem_shared>> -> memref<16x128xf32, #tpu.memory_space<vmem_shared>>
        tpu.enqueue_dma source(%dma_start3A_43 : memref<16x128xf32, #tpu.memory_space<vmem_shared>>) target(%dma_start3A_40 : memref<16x128xf32, #tpu.memory_space<hbm>>) target_semaphore(%run_scoped3A : memref<!tpu.dma_semaphore, #tpu.memory_space<semaphore_mem>>)
        %dma_wait3A_44 = arith.constant 9984 : i32
        %dma_wait3A_45 = arith.constant 0 : i32
        %dma_wait3A_46 = tpu.memref_slice %arg6[%arg0, %dma_wait3A_44, %dma_wait3A_45] : memref<2x10000x128xf32, #tpu.memory_space<hbm>> -> memref<1x16x128xf32, #tpu.memory_space<hbm>>
        %dma_wait3A_47 = tpu.memref_squeeze %dma_wait3A_46 : memref<1x16x128xf32, #tpu.memory_space<hbm>> -> memref<16x128xf32, #tpu.memory_space<hbm>>
        %dma_wait3A_48 = arith.constant 9984 : i32
        %dma_wait3A_49 = arith.constant 0 : i32
        %dma_wait3A_50 = tpu.memref_slice %arg13[%dma_wait3A_48, %dma_wait3A_49] : memref<10000x128xf32, #tpu.memory_space<vmem_shared>> -> memref<16x128xf32, #tpu.memory_space<vmem_shared>>
        tpu.wait_dma2 semaphore(%run_scoped3A : memref<!tpu.dma_semaphore, #tpu.memory_space<semaphore_mem>>) src(%dma_wait3A_50 : memref<16x128xf32, #tpu.memory_space<vmem_shared>>) dst(%dma_wait3A_47 : memref<16x128xf32, #tpu.memory_space<hbm>>)
        tpu.yield
      }) : () -> ()
    } else {
    }
    return
  }
}

#map = affine_map<(d0, d1) -> (0)>
#map1 = affine_map<(d0, d1) -> (0, 0)>
#map2 = affine_map<(d0, d1) -> (0, 0, 0)>
module attributes {stable_mosaic.version = 14 : i64} {
  func.func @_sc_edge_agg_body(%arg0: i32, %arg1: i32, %arg2: memref<320000xi32, #tpu.memory_space<hbm>>, %arg3: memref<320000xi32, #tpu.memory_space<hbm>>, %arg4: memref<10000x128xf32, #tpu.memory_space<hbm>>, %arg5: memref<624x128xf32, #tpu.memory_space<hbm>>, %arg6: memref<2x10000x128xf32, #tpu.memory_space<hbm>>, %arg7: memref<80xi32, #tpu.memory_space<vmem>>, %arg8: memref<80xi32, #tpu.memory_space<vmem>>, %arg9: memref<80x128xf32, #tpu.memory_space<vmem>>, %arg10: memref<80xi32, #tpu.memory_space<vmem>>, %arg11: memref<80xi32, #tpu.memory_space<vmem>>, %arg12: memref<80x128xf32, #tpu.memory_space<vmem>>, %arg13: memref<10000x128xf32, #tpu.memory_space<vmem_shared>>, %arg14: memref<!tpu.dma_semaphore, #tpu.memory_space<semaphore_mem>>, %arg15: memref<!tpu.dma_semaphore, #tpu.memory_space<semaphore_mem>>, %arg16: memref<!tpu.dma_semaphore, #tpu.memory_space<semaphore_mem>>, %arg17: memref<!tpu.dma_semaphore, #tpu.memory_space<semaphore_mem>>, %arg18: memref<!tpu.dma_semaphore, #tpu.memory_space<semaphore_mem>>) attributes {dimension_semantics = [#tpu.dimension_semantics<core_parallel>, #tpu.dimension_semantics<subcore_parallel>], iteration_bounds = array<i64: 2, 16>, scalar_prefetch = 0 : i64, scratch_operands = 12 : i64, tpu.core_type = #tpu.core_type<sc_vector_subcore>, window_params = [{transform_indices = #map}, {transform_indices = #map}, {transform_indices = #map1}, {transform_indices = #map1}, {transform_indices = #map2}]} {
    %mul3A = arith.constant 2 : i32
    %mul3A_0 = arith.muli %arg1, %mul3A : i32
    %add3A = arith.addi %mul3A_0, %arg0 : i32
    %mul3A_1 = arith.constant 10000 : i32
    %mul3A_2 = arith.muli %add3A, %mul3A_1 : i32
    %mul3A_3 = arith.constant 624 : i32
    %mul3A_4 = arith.muli %arg1, %mul3A_3 : i32
    "tpu.region"() ({
      %run_scoped3A = tpu.sem_alloc : memref<!tpu.dma_semaphore, #tpu.memory_space<semaphore_mem>>
      %dma_start3A_37 = arith.constant 0 : i32
      %dma_start3A_38 = tpu.memref_slice %arg13[%mul3A_4, %dma_start3A_37] : memref<10000x128xf32, #tpu.memory_space<vmem_shared>> -> memref<624x128xf32, #tpu.memory_space<vmem_shared>>
      %dma_start3A_39 = arith.constant 0 : i32
      %dma_start3A_40 = arith.constant 0 : i32
      %dma_start3A_41 = tpu.memref_slice %arg5[%dma_start3A_39, %dma_start3A_40] : memref<624x128xf32, #tpu.memory_space<hbm>> -> memref<624x128xf32, #tpu.memory_space<hbm>>
      tpu.enqueue_dma source(%dma_start3A_41 : memref<624x128xf32, #tpu.memory_space<hbm>>) target(%dma_start3A_38 : memref<624x128xf32, #tpu.memory_space<vmem_shared>>) target_semaphore(%run_scoped3A : memref<!tpu.dma_semaphore, #tpu.memory_space<semaphore_mem>>)
      %dma_wait3A_42 = arith.constant 0 : i32
      %dma_wait3A_43 = tpu.memref_slice %arg13[%mul3A_4, %dma_wait3A_42] : memref<10000x128xf32, #tpu.memory_space<vmem_shared>> -> memref<624x128xf32, #tpu.memory_space<vmem_shared>>
      %dma_wait3A_44 = arith.constant 0 : i32
      %dma_wait3A_45 = arith.constant 0 : i32
      %dma_wait3A_46 = tpu.memref_slice %arg5[%dma_wait3A_44, %dma_wait3A_45] : memref<624x128xf32, #tpu.memory_space<hbm>> -> memref<624x128xf32, #tpu.memory_space<hbm>>
      tpu.wait_dma2 semaphore(%run_scoped3A : memref<!tpu.dma_semaphore, #tpu.memory_space<semaphore_mem>>) src(%dma_wait3A_46 : memref<624x128xf32, #tpu.memory_space<hbm>>) dst(%dma_wait3A_43 : memref<624x128xf32, #tpu.memory_space<vmem_shared>>)
      tpu.yield
    }) : () -> ()
    %eq3A = arith.constant 15 : i32
    %eq3A_5 = arith.cmpi eq, %arg1, %eq3A : i32
    %convert_element_type3A = arith.extui %eq3A_5 : i1 to i32
    %cond3A = arith.constant 0 : i32
    %cond3A_6 = arith.cmpi ne, %convert_element_type3A, %cond3A : i32
    scf.if %cond3A_6 {
      "tpu.region"() ({
        %run_scoped3A = tpu.sem_alloc : memref<!tpu.dma_semaphore, #tpu.memory_space<semaphore_mem>>
        %dma_start3A_37 = arith.constant 9984 : i32
        %dma_start3A_38 = arith.constant 0 : i32
        %dma_start3A_39 = tpu.memref_slice %arg13[%dma_start3A_37, %dma_start3A_38] : memref<10000x128xf32, #tpu.memory_space<vmem_shared>> -> memref<16x128xf32, #tpu.memory_space<vmem_shared>>
        %dma_start3A_40 = arith.constant 0 : i32
        %dma_start3A_41 = arith.constant 0 : i32
        %dma_start3A_42 = tpu.memref_slice %arg5[%dma_start3A_40, %dma_start3A_41] : memref<624x128xf32, #tpu.memory_space<hbm>> -> memref<16x128xf32, #tpu.memory_space<hbm>>
        tpu.enqueue_dma source(%dma_start3A_42 : memref<16x128xf32, #tpu.memory_space<hbm>>) target(%dma_start3A_39 : memref<16x128xf32, #tpu.memory_space<vmem_shared>>) target_semaphore(%run_scoped3A : memref<!tpu.dma_semaphore, #tpu.memory_space<semaphore_mem>>)
        %dma_wait3A_43 = arith.constant 9984 : i32
        %dma_wait3A_44 = arith.constant 0 : i32
        %dma_wait3A_45 = tpu.memref_slice %arg13[%dma_wait3A_43, %dma_wait3A_44] : memref<10000x128xf32, #tpu.memory_space<vmem_shared>> -> memref<16x128xf32, #tpu.memory_space<vmem_shared>>
        %dma_wait3A_46 = arith.constant 0 : i32
        %dma_wait3A_47 = arith.constant 0 : i32
        %dma_wait3A_48 = tpu.memref_slice %arg5[%dma_wait3A_46, %dma_wait3A_47] : memref<624x128xf32, #tpu.memory_space<hbm>> -> memref<16x128xf32, #tpu.memory_space<hbm>>
        tpu.wait_dma2 semaphore(%run_scoped3A : memref<!tpu.dma_semaphore, #tpu.memory_space<semaphore_mem>>) src(%dma_wait3A_48 : memref<16x128xf32, #tpu.memory_space<hbm>>) dst(%dma_wait3A_45 : memref<16x128xf32, #tpu.memory_space<vmem_shared>>)
        tpu.yield
      }) : () -> ()
    } else {
    }
    %barrier3A = arith.constant 0 : index
    tpu.barrier barrier_id(%barrier3A)
    "tpu.region"() ({
      %run_scoped3A = tpu.sem_alloc : memref<!tpu.dma_semaphore, #tpu.memory_space<semaphore_mem>>
      %dma_start3A_37 = tpu.memref_slice %arg2[%mul3A_2] : memref<320000xi32, #tpu.memory_space<hbm>> -> memref<80xi32, #tpu.memory_space<hbm>>
      %dma_start3A_38 = tpu.memref_slice %arg2[%mul3A_2] : memref<320000xi32, #tpu.memory_space<hbm>> -> memref<80xi32, #tpu.memory_space<hbm>>
      tpu.enqueue_dma source(%dma_start3A_38 : memref<80xi32, #tpu.memory_space<hbm>>) target(%arg7 : memref<80xi32, #tpu.memory_space<vmem>>) target_semaphore(%run_scoped3A : memref<!tpu.dma_semaphore, #tpu.memory_space<semaphore_mem>>)
      %dma_wait3A_39 = tpu.memref_slice %arg2[%mul3A_2] : memref<320000xi32, #tpu.memory_space<hbm>> -> memref<80xi32, #tpu.memory_space<hbm>>
      %dma_wait3A_40 = tpu.memref_slice %arg2[%mul3A_2] : memref<320000xi32, #tpu.memory_space<hbm>> -> memref<80xi32, #tpu.memory_space<hbm>>
      tpu.wait_dma2 semaphore(%run_scoped3A : memref<!tpu.dma_semaphore, #tpu.memory_space<semaphore_mem>>) src(%dma_wait3A_40 : memref<80xi32, #tpu.memory_space<hbm>>) dst(%arg7 : memref<80xi32, #tpu.memory_space<vmem>>)
      tpu.yield
    }) : () -> ()
    "tpu.region"() ({
      %run_scoped3A = tpu.sem_alloc : memref<!tpu.dma_semaphore, #tpu.memory_space<semaphore_mem>>
      %dma_start3A_37 = tpu.memref_slice %arg3[%mul3A_2] : memref<320000xi32, #tpu.memory_space<hbm>> -> memref<80xi32, #tpu.memory_space<hbm>>
      %dma_start3A_38 = tpu.memref_slice %arg3[%mul3A_2] : memref<320000xi32, #tpu.memory_space<hbm>> -> memref<80xi32, #tpu.memory_space<hbm>>
      tpu.enqueue_dma source(%dma_start3A_38 : memref<80xi32, #tpu.memory_space<hbm>>) target(%arg8 : memref<80xi32, #tpu.memory_space<vmem>>) target_semaphore(%run_scoped3A : memref<!tpu.dma_semaphore, #tpu.memory_space<semaphore_mem>>)
      %dma_wait3A_39 = tpu.memref_slice %arg3[%mul3A_2] : memref<320000xi32, #tpu.memory_space<hbm>> -> memref<80xi32, #tpu.memory_space<hbm>>
      %dma_wait3A_40 = tpu.memref_slice %arg3[%mul3A_2] : memref<320000xi32, #tpu.memory_space<hbm>> -> memref<80xi32, #tpu.memory_space<hbm>>
      tpu.wait_dma2 semaphore(%run_scoped3A : memref<!tpu.dma_semaphore, #tpu.memory_space<semaphore_mem>>) src(%dma_wait3A_40 : memref<80xi32, #tpu.memory_space<hbm>>) dst(%arg8 : memref<80xi32, #tpu.memory_space<vmem>>)
      tpu.yield
    }) : () -> ()
    %dma_start3A = arith.constant 0 : i32
    %dma_start3A_7 = arith.constant 0 : i32
    %dma_start3A_8 = tpu.memref_slice %arg4[%dma_start3A, %dma_start3A_7] : memref<10000x128xf32, #tpu.memory_space<hbm>> -> memref<10000x128xf32, #tpu.memory_space<hbm>>
    tpu.enqueue_indirect_dma source(%dma_start3A_8 : memref<10000x128xf32, #tpu.memory_space<hbm>>) target(%arg9 : memref<80x128xf32, #tpu.memory_space<vmem>>) offsets(%arg7 : memref<80xi32, #tpu.memory_space<vmem>>) semaphore(%arg14 : memref<!tpu.dma_semaphore, #tpu.memory_space<semaphore_mem>>)
    %add3A_9 = arith.constant 80 : i32
    %add3A_10 = arith.addi %mul3A_2, %add3A_9 : i32
    %dma_start3A_11 = tpu.memref_slice %arg2[%add3A_10] : memref<320000xi32, #tpu.memory_space<hbm>> -> memref<80xi32, #tpu.memory_space<hbm>>
    %dma_start3A_12 = tpu.memref_slice %arg2[%add3A_10] : memref<320000xi32, #tpu.memory_space<hbm>> -> memref<80xi32, #tpu.memory_space<hbm>>
    tpu.enqueue_dma source(%dma_start3A_12 : memref<80xi32, #tpu.memory_space<hbm>>) target(%arg10 : memref<80xi32, #tpu.memory_space<vmem>>) target_semaphore(%arg17 : memref<!tpu.dma_semaphore, #tpu.memory_space<semaphore_mem>>)
    %dma_start3A_13 = tpu.memref_slice %arg3[%add3A_10] : memref<320000xi32, #tpu.memory_space<hbm>> -> memref<80xi32, #tpu.memory_space<hbm>>
    %dma_start3A_14 = tpu.memref_slice %arg3[%add3A_10] : memref<320000xi32, #tpu.memory_space<hbm>> -> memref<80xi32, #tpu.memory_space<hbm>>
    tpu.enqueue_dma source(%dma_start3A_14 : memref<80xi32, #tpu.memory_space<hbm>>) target(%arg11 : memref<80xi32, #tpu.memory_space<vmem>>) target_semaphore(%arg17 : memref<!tpu.dma_semaphore, #tpu.memory_space<semaphore_mem>>)
    %scan3A = arith.constant 0 : i32
    %scan3A_15 = arith.constant 0 : i32
    %scan3A_16 = arith.constant 62 : i32
    %scan3A_17 = arith.addi %scan3A_15, %scan3A_16 : i32
    %scan3A_18 = arith.constant 1 : i32
    scf.for %scan3A_37 = %scan3A_15 to %scan3A_17 step %scan3A_18  : i32 {
      %dma_wait3A_38 = tpu.memref_slice %arg2[%mul3A_2] : memref<320000xi32, #tpu.memory_space<hbm>> -> memref<80xi32, #tpu.memory_space<hbm>>
      %dma_wait3A_39 = tpu.memref_slice %arg2[%mul3A_2] : memref<320000xi32, #tpu.memory_space<hbm>> -> memref<80xi32, #tpu.memory_space<hbm>>
      tpu.wait_dma2 semaphore(%arg17 : memref<!tpu.dma_semaphore, #tpu.memory_space<semaphore_mem>>) src(%dma_wait3A_39 : memref<80xi32, #tpu.memory_space<hbm>>) dst(%arg10 : memref<80xi32, #tpu.memory_space<vmem>>)
      %dma_wait3A_40 = tpu.memref_slice %arg3[%mul3A_2] : memref<320000xi32, #tpu.memory_space<hbm>> -> memref<80xi32, #tpu.memory_space<hbm>>
      %dma_wait3A_41 = tpu.memref_slice %arg3[%mul3A_2] : memref<320000xi32, #tpu.memory_space<hbm>> -> memref<80xi32, #tpu.memory_space<hbm>>
      tpu.wait_dma2 semaphore(%arg17 : memref<!tpu.dma_semaphore, #tpu.memory_space<semaphore_mem>>) src(%dma_wait3A_41 : memref<80xi32, #tpu.memory_space<hbm>>) dst(%arg11 : memref<80xi32, #tpu.memory_space<vmem>>)
      %dma_start3A_42 = arith.constant 0 : i32
      %dma_start3A_43 = arith.constant 0 : i32
      %dma_start3A_44 = tpu.memref_slice %arg4[%dma_start3A_42, %dma_start3A_43] : memref<10000x128xf32, #tpu.memory_space<hbm>> -> memref<10000x128xf32, #tpu.memory_space<hbm>>
      tpu.enqueue_indirect_dma source(%dma_start3A_44 : memref<10000x128xf32, #tpu.memory_space<hbm>>) target(%arg12 : memref<80x128xf32, #tpu.memory_space<vmem>>) offsets(%arg10 : memref<80xi32, #tpu.memory_space<vmem>>) semaphore(%arg15 : memref<!tpu.dma_semaphore, #tpu.memory_space<semaphore_mem>>)
      %dma_wait3A_45 = arith.constant 0 : i32
      %dma_wait3A_46 = arith.constant 0 : i32
      %dma_wait3A_47 = tpu.memref_slice %arg4[%dma_wait3A_45, %dma_wait3A_46] : memref<10000x128xf32, #tpu.memory_space<hbm>> -> memref<10000x128xf32, #tpu.memory_space<hbm>>
      tpu.wait_indirect_dma semaphore(%arg14 : memref<!tpu.dma_semaphore, #tpu.memory_space<semaphore_mem>>) src(%dma_wait3A_47 : memref<10000x128xf32, #tpu.memory_space<hbm>>) dst(%arg9 : memref<80x128xf32, #tpu.memory_space<vmem>>)
      "tpu.region"() ({
        %run_scoped3A = tpu.sem_alloc : memref<!tpu.dma_semaphore, #tpu.memory_space<semaphore_mem>>
        %dma_start3A_74 = arith.constant 0 : i32
        %dma_start3A_75 = arith.constant 0 : i32
        %dma_start3A_76 = tpu.memref_slice %arg13[%dma_start3A_74, %dma_start3A_75] : memref<10000x128xf32, #tpu.memory_space<vmem_shared>> -> memref<10000x128xf32, #tpu.memory_space<vmem_shared>>
        tpu.enqueue_indirect_dma source(%arg9 : memref<80x128xf32, #tpu.memory_space<vmem>>) target(%dma_start3A_76 : memref<10000x128xf32, #tpu.memory_space<vmem_shared>>) offsets(%arg8 : memref<80xi32, #tpu.memory_space<vmem>>) semaphore(%run_scoped3A : memref<!tpu.dma_semaphore, #tpu.memory_space<semaphore_mem>>) {add = true}
        %dma_wait3A_77 = arith.constant 0 : i32
        %dma_wait3A_78 = arith.constant 0 : i32
        %dma_wait3A_79 = tpu.memref_slice %arg13[%dma_wait3A_77, %dma_wait3A_78] : memref<10000x128xf32, #tpu.memory_space<vmem_shared>> -> memref<10000x128xf32, #tpu.memory_space<vmem_shared>>
        tpu.wait_indirect_dma semaphore(%run_scoped3A : memref<!tpu.dma_semaphore, #tpu.memory_space<semaphore_mem>>) src(%arg9 : memref<80x128xf32, #tpu.memory_space<vmem>>) dst(%dma_wait3A_79 : memref<10000x128xf32, #tpu.memory_space<vmem_shared>>)
        tpu.yield
      }) : () -> ()
      %lt3A = arith.constant 61 : i32
      %lt3A_48 = arith.cmpi slt, %scan3A_37, %lt3A : i32
      %convert_element_type3A_49 = arith.extui %lt3A_48 : i1 to i32
      %cond3A_50 = arith.constant 0 : i32
      %cond3A_51 = arith.cmpi ne, %convert_element_type3A_49, %cond3A_50 : i32
      scf.if %cond3A_51 {
        %mul3A_74 = arith.constant 2 : i32
        %mul3A_75 = arith.muli %mul3A_74, %scan3A_37 : i32
        %add3A_76 = arith.constant 2 : i32
        %add3A_77 = arith.addi %mul3A_75, %add3A_76 : i32
        %mul3A_78 = arith.constant 80 : i32
        %mul3A_79 = arith.muli %add3A_77, %mul3A_78 : i32
        %add3A_80 = arith.addi %mul3A_2, %mul3A_79 : i32
        %dma_start3A_81 = tpu.memref_slice %arg2[%add3A_80] : memref<320000xi32, #tpu.memory_space<hbm>> -> memref<80xi32, #tpu.memory_space<hbm>>
        %dma_start3A_82 = tpu.memref_slice %arg2[%add3A_80] : memref<320000xi32, #tpu.memory_space<hbm>> -> memref<80xi32, #tpu.memory_space<hbm>>
        tpu.enqueue_dma source(%dma_start3A_82 : memref<80xi32, #tpu.memory_space<hbm>>) target(%arg7 : memref<80xi32, #tpu.memory_space<vmem>>) target_semaphore(%arg16 : memref<!tpu.dma_semaphore, #tpu.memory_space<semaphore_mem>>)
        %dma_start3A_83 = tpu.memref_slice %arg3[%add3A_80] : memref<320000xi32, #tpu.memory_space<hbm>> -> memref<80xi32, #tpu.memory_space<hbm>>
        %dma_start3A_84 = tpu.memref_slice %arg3[%add3A_80] : memref<320000xi32, #tpu.memory_space<hbm>> -> memref<80xi32, #tpu.memory_space<hbm>>
        tpu.enqueue_dma source(%dma_start3A_84 : memref<80xi32, #tpu.memory_space<hbm>>) target(%arg8 : memref<80xi32, #tpu.memory_space<vmem>>) target_semaphore(%arg16 : memref<!tpu.dma_semaphore, #tpu.memory_space<semaphore_mem>>)
      } else {
      }
      %dma_wait3A_52 = arith.constant 0 : i32
      %dma_wait3A_53 = arith.constant 0 : i32
      %dma_wait3A_54 = tpu.memref_slice %arg4[%dma_wait3A_52, %dma_wait3A_53] : memref<10000x128xf32, #tpu.memory_space<hbm>> -> memref<10000x128xf32, #tpu.memory_space<hbm>>
      tpu.wait_indirect_dma semaphore(%arg15 : memref<!tpu.dma_semaphore, #tpu.memory_space<semaphore_mem>>) src(%dma_wait3A_54 : memref<10000x128xf32, #tpu.memory_space<hbm>>) dst(%arg12 : memref<80x128xf32, #tpu.memory_space<vmem>>)
      %dma_start3A_55 = arith.constant 0 : i32
      %dma_start3A_56 = arith.constant 0 : i32
      %dma_start3A_57 = tpu.memref_slice %arg13[%dma_start3A_55, %dma_start3A_56] : memref<10000x128xf32, #tpu.memory_space<vmem_shared>> -> memref<10000x128xf32, #tpu.memory_space<vmem_shared>>
      tpu.enqueue_indirect_dma source(%arg12 : memref<80x128xf32, #tpu.memory_space<vmem>>) target(%dma_start3A_57 : memref<10000x128xf32, #tpu.memory_space<vmem_shared>>) offsets(%arg11 : memref<80xi32, #tpu.memory_space<vmem>>) semaphore(%arg18 : memref<!tpu.dma_semaphore, #tpu.memory_space<semaphore_mem>>) {add = true}
      %lt3A_58 = arith.constant 61 : i32
      %lt3A_59 = arith.cmpi slt, %scan3A_37, %lt3A_58 : i32
      %convert_element_type3A_60 = arith.extui %lt3A_59 : i1 to i32
      %cond3A_61 = arith.constant 0 : i32
      %cond3A_62 = arith.cmpi ne, %convert_element_type3A_60, %cond3A_61 : i32
      scf.if %cond3A_62 {
        %dma_wait3A_74 = tpu.memref_slice %arg2[%mul3A_2] : memref<320000xi32, #tpu.memory_space<hbm>> -> memref<80xi32, #tpu.memory_space<hbm>>
        %dma_wait3A_75 = tpu.memref_slice %arg2[%mul3A_2] : memref<320000xi32, #tpu.memory_space<hbm>> -> memref<80xi32, #tpu.memory_space<hbm>>
        tpu.wait_dma2 semaphore(%arg16 : memref<!tpu.dma_semaphore, #tpu.memory_space<semaphore_mem>>) src(%dma_wait3A_75 : memref<80xi32, #tpu.memory_space<hbm>>) dst(%arg7 : memref<80xi32, #tpu.memory_space<vmem>>)
        %dma_wait3A_76 = tpu.memref_slice %arg3[%mul3A_2] : memref<320000xi32, #tpu.memory_space<hbm>> -> memref<80xi32, #tpu.memory_space<hbm>>
        %dma_wait3A_77 = tpu.memref_slice %arg3[%mul3A_2] : memref<320000xi32, #tpu.memory_space<hbm>> -> memref<80xi32, #tpu.memory_space<hbm>>
        tpu.wait_dma2 semaphore(%arg16 : memref<!tpu.dma_semaphore, #tpu.memory_space<semaphore_mem>>) src(%dma_wait3A_77 : memref<80xi32, #tpu.memory_space<hbm>>) dst(%arg8 : memref<80xi32, #tpu.memory_space<vmem>>)
        %dma_start3A_78 = arith.constant 0 : i32
        %dma_start3A_79 = arith.constant 0 : i32
        %dma_start3A_80 = tpu.memref_slice %arg4[%dma_start3A_78, %dma_start3A_79] : memref<10000x128xf32, #tpu.memory_space<hbm>> -> memref<10000x128xf32, #tpu.memory_space<hbm>>
        tpu.enqueue_indirect_dma source(%dma_start3A_80 : memref<10000x128xf32, #tpu.memory_space<hbm>>) target(%arg9 : memref<80x128xf32, #tpu.memory_space<vmem>>) offsets(%arg7 : memref<80xi32, #tpu.memory_space<vmem>>) semaphore(%arg14 : memref<!tpu.dma_semaphore, #tpu.memory_space<semaphore_mem>>)
      } else {
      }
      %dma_wait3A_63 = arith.constant 0 : i32
      %dma_wait3A_64 = arith.constant 0 : i32
      %dma_wait3A_65 = tpu.memref_slice %arg5[%dma_wait3A_63, %dma_wait3A_64] : memref<624x128xf32, #tpu.memory_space<hbm>> -> memref<80x128xf32, #tpu.memory_space<hbm>>
      %dma_wait3A_66 = arith.constant 0 : i32
      %dma_wait3A_67 = arith.constant 0 : i32
      %dma_wait3A_68 = tpu.memref_slice %arg5[%dma_wait3A_66, %dma_wait3A_67] : memref<624x128xf32, #tpu.memory_space<hbm>> -> memref<80x128xf32, #tpu.memory_space<hbm>>
      tpu.wait_dma2 semaphore(%arg18 : memref<!tpu.dma_semaphore, #tpu.memory_space<semaphore_mem>>) src(%dma_wait3A_68 : memref<80x128xf32, #tpu.memory_space<hbm>>) dst(%arg12 : memref<80x128xf32, #tpu.memory_space<vmem>>)
      %lt3A_69 = arith.constant 61 : i32
      %lt3A_70 = arith.cmpi slt, %scan3A_37, %lt3A_69 : i32
      %convert_element_type3A_71 = arith.extui %lt3A_70 : i1 to i32
      %cond3A_72 = arith.constant 0 : i32
      %cond3A_73 = arith.cmpi ne, %convert_element_type3A_71, %cond3A_72 : i32
      scf.if %cond3A_73 {
        %mul3A_74 = arith.constant 2 : i32
        %mul3A_75 = arith.muli %mul3A_74, %scan3A_37 : i32
        %add3A_76 = arith.constant 3 : i32
        %add3A_77 = arith.addi %mul3A_75, %add3A_76 : i32
        %mul3A_78 = arith.constant 80 : i32
        %mul3A_79 = arith.muli %add3A_77, %mul3A_78 : i32
        %add3A_80 = arith.addi %mul3A_2, %mul3A_79 : i32
        %dma_start3A_81 = tpu.memref_slice %arg2[%add3A_80] : memref<320000xi32, #tpu.memory_space<hbm>> -> memref<80xi32, #tpu.memory_space<hbm>>
        %dma_start3A_82 = tpu.memref_slice %arg2[%add3A_80] : memref<320000xi32, #tpu.memory_space<hbm>> -> memref<80xi32, #tpu.memory_space<hbm>>
        tpu.enqueue_dma source(%dma_start3A_82 : memref<80xi32, #tpu.memory_space<hbm>>) target(%arg10 : memref<80xi32, #tpu.memory_space<vmem>>) target_semaphore(%arg17 : memref<!tpu.dma_semaphore, #tpu.memory_space<semaphore_mem>>)
        %dma_start3A_83 = tpu.memref_slice %arg3[%add3A_80] : memref<320000xi32, #tpu.memory_space<hbm>> -> memref<80xi32, #tpu.memory_space<hbm>>
        %dma_start3A_84 = tpu.memref_slice %arg3[%add3A_80] : memref<320000xi32, #tpu.memory_space<hbm>> -> memref<80xi32, #tpu.memory_space<hbm>>
        tpu.enqueue_dma source(%dma_start3A_84 : memref<80xi32, #tpu.memory_space<hbm>>) target(%arg11 : memref<80xi32, #tpu.memory_space<vmem>>) target_semaphore(%arg17 : memref<!tpu.dma_semaphore, #tpu.memory_space<semaphore_mem>>)
      } else {
      }
    }
    %scan3A_19 = arith.constant 62 : i32
    %add3A_20 = arith.constant 9920 : i32
    %add3A_21 = arith.addi %mul3A_2, %add3A_20 : i32
    "tpu.region"() ({
      %run_scoped3A = tpu.sem_alloc : memref<!tpu.dma_semaphore, #tpu.memory_space<semaphore_mem>>
      %dma_start3A_37 = tpu.memref_slice %arg2[%add3A_21] : memref<320000xi32, #tpu.memory_space<hbm>> -> memref<80xi32, #tpu.memory_space<hbm>>
      %dma_start3A_38 = tpu.memref_slice %arg2[%add3A_21] : memref<320000xi32, #tpu.memory_space<hbm>> -> memref<80xi32, #tpu.memory_space<hbm>>
      tpu.enqueue_dma source(%dma_start3A_38 : memref<80xi32, #tpu.memory_space<hbm>>) target(%arg10 : memref<80xi32, #tpu.memory_space<vmem>>) target_semaphore(%run_scoped3A : memref<!tpu.dma_semaphore, #tpu.memory_space<semaphore_mem>>)
      %dma_wait3A_39 = tpu.memref_slice %arg2[%add3A_21] : memref<320000xi32, #tpu.memory_space<hbm>> -> memref<80xi32, #tpu.memory_space<hbm>>
      %dma_wait3A_40 = tpu.memref_slice %arg2[%add3A_21] : memref<320000xi32, #tpu.memory_space<hbm>> -> memref<80xi32, #tpu.memory_space<hbm>>
      tpu.wait_dma2 semaphore(%run_scoped3A : memref<!tpu.dma_semaphore, #tpu.memory_space<semaphore_mem>>) src(%dma_wait3A_40 : memref<80xi32, #tpu.memory_space<hbm>>) dst(%arg10 : memref<80xi32, #tpu.memory_space<vmem>>)
      tpu.yield
    }) : () -> ()
    "tpu.region"() ({
      %run_scoped3A = tpu.sem_alloc : memref<!tpu.dma_semaphore, #tpu.memory_space<semaphore_mem>>
      %dma_start3A_37 = tpu.memref_slice %arg3[%add3A_21] : memref<320000xi32, #tpu.memory_space<hbm>> -> memref<80xi32, #tpu.memory_space<hbm>>
      %dma_start3A_38 = tpu.memref_slice %arg3[%add3A_21] : memref<320000xi32, #tpu.memory_space<hbm>> -> memref<80xi32, #tpu.memory_space<hbm>>
      tpu.enqueue_dma source(%dma_start3A_38 : memref<80xi32, #tpu.memory_space<hbm>>) target(%arg11 : memref<80xi32, #tpu.memory_space<vmem>>) target_semaphore(%run_scoped3A : memref<!tpu.dma_semaphore, #tpu.memory_space<semaphore_mem>>)
      %dma_wait3A_39 = tpu.memref_slice %arg3[%add3A_21] : memref<320000xi32, #tpu.memory_space<hbm>> -> memref<80xi32, #tpu.memory_space<hbm>>
      %dma_wait3A_40 = tpu.memref_slice %arg3[%add3A_21] : memref<320000xi32, #tpu.memory_space<hbm>> -> memref<80xi32, #tpu.memory_space<hbm>>
      tpu.wait_dma2 semaphore(%run_scoped3A : memref<!tpu.dma_semaphore, #tpu.memory_space<semaphore_mem>>) src(%dma_wait3A_40 : memref<80xi32, #tpu.memory_space<hbm>>) dst(%arg11 : memref<80xi32, #tpu.memory_space<vmem>>)
      tpu.yield
    }) : () -> ()
    %dma_start3A_22 = arith.constant 0 : i32
    %dma_start3A_23 = arith.constant 0 : i32
    %dma_start3A_24 = tpu.memref_slice %arg4[%dma_start3A_22, %dma_start3A_23] : memref<10000x128xf32, #tpu.memory_space<hbm>> -> memref<10000x128xf32, #tpu.memory_space<hbm>>
    tpu.enqueue_indirect_dma source(%dma_start3A_24 : memref<10000x128xf32, #tpu.memory_space<hbm>>) target(%arg12 : memref<80x128xf32, #tpu.memory_space<vmem>>) offsets(%arg10 : memref<80xi32, #tpu.memory_space<vmem>>) semaphore(%arg15 : memref<!tpu.dma_semaphore, #tpu.memory_space<semaphore_mem>>)
    %dma_wait3A = arith.constant 0 : i32
    %dma_wait3A_25 = arith.constant 0 : i32
    %dma_wait3A_26 = tpu.memref_slice %arg4[%dma_wait3A, %dma_wait3A_25] : memref<10000x128xf32, #tpu.memory_space<hbm>> -> memref<10000x128xf32, #tpu.memory_space<hbm>>
    tpu.wait_indirect_dma semaphore(%arg15 : memref<!tpu.dma_semaphore, #tpu.memory_space<semaphore_mem>>) src(%dma_wait3A_26 : memref<10000x128xf32, #tpu.memory_space<hbm>>) dst(%arg12 : memref<80x128xf32, #tpu.memory_space<vmem>>)
    "tpu.region"() ({
      %run_scoped3A = tpu.sem_alloc : memref<!tpu.dma_semaphore, #tpu.memory_space<semaphore_mem>>
      %dma_start3A_37 = arith.constant 0 : i32
      %dma_start3A_38 = arith.constant 0 : i32
      %dma_start3A_39 = tpu.memref_slice %arg13[%dma_start3A_37, %dma_start3A_38] : memref<10000x128xf32, #tpu.memory_space<vmem_shared>> -> memref<10000x128xf32, #tpu.memory_space<vmem_shared>>
      tpu.enqueue_indirect_dma source(%arg12 : memref<80x128xf32, #tpu.memory_space<vmem>>) target(%dma_start3A_39 : memref<10000x128xf32, #tpu.memory_space<vmem_shared>>) offsets(%arg11 : memref<80xi32, #tpu.memory_space<vmem>>) semaphore(%run_scoped3A : memref<!tpu.dma_semaphore, #tpu.memory_space<semaphore_mem>>) {add = true}
      %dma_wait3A_40 = arith.constant 0 : i32
      %dma_wait3A_41 = arith.constant 0 : i32
      %dma_wait3A_42 = tpu.memref_slice %arg13[%dma_wait3A_40, %dma_wait3A_41] : memref<10000x128xf32, #tpu.memory_space<vmem_shared>> -> memref<10000x128xf32, #tpu.memory_space<vmem_shared>>
      tpu.wait_indirect_dma semaphore(%run_scoped3A : memref<!tpu.dma_semaphore, #tpu.memory_space<semaphore_mem>>) src(%arg12 : memref<80x128xf32, #tpu.memory_space<vmem>>) dst(%dma_wait3A_42 : memref<10000x128xf32, #tpu.memory_space<vmem_shared>>)
      tpu.yield
    }) : () -> ()
    %barrier3A_27 = arith.constant 0 : index
    tpu.barrier barrier_id(%barrier3A_27)
    %mul3A_28 = arith.constant 624 : i32
    %mul3A_29 = arith.muli %arg1, %mul3A_28 : i32
    %mul3A_30 = arith.constant 624 : i32
    %mul3A_31 = arith.muli %arg1, %mul3A_30 : i32
    "tpu.region"() ({
      %run_scoped3A = tpu.sem_alloc : memref<!tpu.dma_semaphore, #tpu.memory_space<semaphore_mem>>
      %dma_start3A_37 = arith.constant 0 : i32
      %dma_start3A_38 = tpu.memref_slice %arg6[%arg0, %mul3A_31, %dma_start3A_37] : memref<2x10000x128xf32, #tpu.memory_space<hbm>> -> memref<1x624x128xf32, #tpu.memory_space<hbm>>
      %dma_start3A_39 = tpu.memref_squeeze %dma_start3A_38 : memref<1x624x128xf32, #tpu.memory_space<hbm>> -> memref<624x128xf32, #tpu.memory_space<hbm>>
      %dma_start3A_40 = arith.constant 0 : i32
      %dma_start3A_41 = tpu.memref_slice %arg13[%mul3A_29, %dma_start3A_40] : memref<10000x128xf32, #tpu.memory_space<vmem_shared>> -> memref<624x128xf32, #tpu.memory_space<vmem_shared>>
      tpu.enqueue_dma source(%dma_start3A_41 : memref<624x128xf32, #tpu.memory_space<vmem_shared>>) target(%dma_start3A_39 : memref<624x128xf32, #tpu.memory_space<hbm>>) target_semaphore(%run_scoped3A : memref<!tpu.dma_semaphore, #tpu.memory_space<semaphore_mem>>)
      %dma_wait3A_42 = arith.constant 0 : i32
      %dma_wait3A_43 = tpu.memref_slice %arg6[%arg0, %mul3A_31, %dma_wait3A_42] : memref<2x10000x128xf32, #tpu.memory_space<hbm>> -> memref<1x624x128xf32, #tpu.memory_space<hbm>>
      %dma_wait3A_44 = tpu.memref_squeeze %dma_wait3A_43 : memref<1x624x128xf32, #tpu.memory_space<hbm>> -> memref<624x128xf32, #tpu.memory_space<hbm>>
      %dma_wait3A_45 = arith.constant 0 : i32
      %dma_wait3A_46 = tpu.memref_slice %arg13[%mul3A_29, %dma_wait3A_45] : memref<10000x128xf32, #tpu.memory_space<vmem_shared>> -> memref<624x128xf32, #tpu.memory_space<vmem_shared>>
      tpu.wait_dma2 semaphore(%run_scoped3A : memref<!tpu.dma_semaphore, #tpu.memory_space<semaphore_mem>>) src(%dma_wait3A_46 : memref<624x128xf32, #tpu.memory_space<vmem_shared>>) dst(%dma_wait3A_44 : memref<624x128xf32, #tpu.memory_space<hbm>>)
      tpu.yield
    }) : () -> ()
    %eq3A_32 = arith.constant 15 : i32
    %eq3A_33 = arith.cmpi eq, %arg1, %eq3A_32 : i32
    %convert_element_type3A_34 = arith.extui %eq3A_33 : i1 to i32
    %cond3A_35 = arith.constant 0 : i32
    %cond3A_36 = arith.cmpi ne, %convert_element_type3A_34, %cond3A_35 : i32
    scf.if %cond3A_36 {
      "tpu.region"() ({
        %run_scoped3A = tpu.sem_alloc : memref<!tpu.dma_semaphore, #tpu.memory_space<semaphore_mem>>
        %dma_start3A_37 = arith.constant 9984 : i32
        %dma_start3A_38 = arith.constant 0 : i32
        %dma_start3A_39 = tpu.memref_slice %arg6[%arg0, %dma_start3A_37, %dma_start3A_38] : memref<2x10000x128xf32, #tpu.memory_space<hbm>> -> memref<1x16x128xf32, #tpu.memory_space<hbm>>
        %dma_start3A_40 = tpu.memref_squeeze %dma_start3A_39 : memref<1x16x128xf32, #tpu.memory_space<hbm>> -> memref<16x128xf32, #tpu.memory_space<hbm>>
        %dma_start3A_41 = arith.constant 9984 : i32
        %dma_start3A_42 = arith.constant 0 : i32
        %dma_start3A_43 = tpu.memref_slice %arg13[%dma_start3A_41, %dma_start3A_42] : memref<10000x128xf32, #tpu.memory_space<vmem_shared>> -> memref<16x128xf32, #tpu.memory_space<vmem_shared>>
        tpu.enqueue_dma source(%dma_start3A_43 : memref<16x128xf32, #tpu.memory_space<vmem_shared>>) target(%dma_start3A_40 : memref<16x128xf32, #tpu.memory_space<hbm>>) target_semaphore(%run_scoped3A : memref<!tpu.dma_semaphore, #tpu.memory_space<semaphore_mem>>)
        %dma_wait3A_44 = arith.constant 9984 : i32
        %dma_wait3A_45 = arith.constant 0 : i32
        %dma_wait3A_46 = tpu.memref_slice %arg6[%arg0, %dma_wait3A_44, %dma_wait3A_45] : memref<2x10000x128xf32, #tpu.memory_space<hbm>> -> memref<1x16x128xf32, #tpu.memory_space<hbm>>
        %dma_wait3A_47 = tpu.memref_squeeze %dma_wait3A_46 : memref<1x16x128xf32, #tpu.memory_space<hbm>> -> memref<16x128xf32, #tpu.memory_space<hbm>>
        %dma_wait3A_48 = arith.constant 9984 : i32
        %dma_wait3A_49 = arith.constant 0 : i32
        %dma_wait3A_50 = tpu.memref_slice %arg13[%dma_wait3A_48, %dma_wait3A_49] : memref<10000x128xf32, #tpu.memory_space<vmem_shared>> -> memref<16x128xf32, #tpu.memory_space<vmem_shared>>
        tpu.wait_dma2 semaphore(%run_scoped3A : memref<!tpu.dma_semaphore, #tpu.memory_space<semaphore_mem>>) src(%dma_wait3A_50 : memref<16x128xf32, #tpu.memory_space<vmem_shared>>) dst(%dma_wait3A_47 : memref<16x128xf32, #tpu.memory_space<hbm>>)
        tpu.yield
      }) : () -> ()
    } else {
    }
    return
  }
}

module attributes {stable_mosaic.version = 14 : i64} {
  func.func @_tc_mm_body(%arg0: i32, %arg1: memref<1000x128xf32, #tpu.memory_space<vmem>>, %arg2: memref<128x128xf32, #tpu.memory_space<vmem>>, %arg3: memref<1000x128xf32, #tpu.memory_space<vmem>>) attributes {dimension_semantics = [#tpu.dimension_semantics<arbitrary>], iteration_bounds = array<i64: 10>, scalar_prefetch = 0 : i64, scratch_operands = 0 : i64, tpu.core_type = #tpu.core_type<tc>, window_params = [{transform_indices = @transform_0, window_bounds = array<i64: 1000, 128>}, {pipeline_mode = #tpu.pipeline_mode<synchronous>, transform_indices = @transform_1, window_bounds = array<i64: 128, 128>}, {transform_indices = @transform_2, window_bounds = array<i64: 1000, 128>}]} {
    %get3A = arith.constant 0 : index
    %get3A_0 = arith.constant 0 : index
    %get3A_1 = vector.load %arg1[%get3A, %get3A_0] : memref<1000x128xf32, #tpu.memory_space<vmem>>, vector<1000x128xf32>
    %get3A_2 = arith.constant 0 : index
    %get3A_3 = arith.constant 0 : index
    %get3A_4 = vector.load %arg2[%get3A_2, %get3A_3] : memref<128x128xf32, #tpu.memory_space<vmem>>, vector<128x128xf32>
    %dot_general3A = arith.constant dense<0.000000e+00> : vector<1000x128xf32>
    %dot_general3A_5 = tpu.matmul %get3A_1, %get3A_4, %dot_general3A {dimension_numbers = #tpu.dot_dimension_numbers<[1], [0], [0], [1], [0, 0, 1, 1], [], []>, transpose_lhs_hint = false} : vector<1000x128xf32>, vector<128x128xf32>, vector<1000x128xf32> -> vector<1000x128xf32>
    %swap3A = arith.constant 0 : index
    %swap3A_6 = arith.constant 0 : index
    %swap3A_7 = vector.load %arg3[%swap3A, %swap3A_6] : memref<1000x128xf32, #tpu.memory_space<vmem>>, vector<1000x128xf32>
    tpu.vector_store %arg3[%swap3A, %swap3A_6], %dot_general3A_5 {strides = array<i32>} : memref<1000x128xf32, #tpu.memory_space<vmem>>, vector<1000x128xf32>,
    return
  }
  func.func @transform_0(%arg0: i32) -> (i32, i32) {
    %c0_i32 = arith.constant 0 : i32
    %c0_i32_0 = arith.constant 0 : i32
    return %arg0, %c0_i32 : i32, i32
  }
  func.func @transform_1(%arg0: i32) -> (i32, i32) {
    %c0_i32 = arith.constant 0 : i32
    %c0_i32_0 = arith.constant 0 : i32
    %c0_i32_1 = arith.constant 0 : i32
    return %c0_i32, %c0_i32_0 : i32, i32
  }
  func.func @transform_2(%arg0: i32) -> (i32, i32) {
    %c0_i32 = arith.constant 0 : i32
    %c0_i32_0 = arith.constant 0 : i32
    return %arg0, %c0_i32 : i32, i32
  }
}

module attributes {stable_mosaic.version = 14 : i64} {
  func.func @_tc_norms_body(%arg0: i32, %arg1: memref<2x2000x128xf32, #tpu.memory_space<vmem>>, %arg2: memref<1x2x2000xf32, #tpu.memory_space<vmem>>) attributes {dimension_semantics = [#tpu.dimension_semantics<arbitrary>], iteration_bounds = array<i64: 5>, scalar_prefetch = 0 : i64, scratch_operands = 0 : i64, tpu.core_type = #tpu.core_type<tc>, window_params = [{transform_indices = @transform_0, window_bounds = array<i64: 2, 2000, 128>}, {transform_indices = @transform_1, window_bounds = array<i64: 1, 2, 2000>}]} {
    %get3A = arith.constant 0 : index
    %get3A_0 = arith.constant 0 : index
    %get3A_1 = arith.constant 0 : index
    %get3A_2 = vector.load %arg1[%get3A, %get3A_0, %get3A_1] : memref<2x2000x128xf32, #tpu.memory_space<vmem>>, vector<2x2000x128xf32>
    %reduce_sum3A = arith.constant dense<0.000000e+00> : vector<2000x128xf32>
    %reduce_sum3A_3 = vector.multi_reduction <add>, %get3A_2, %reduce_sum3A [0] : vector<2x2000x128xf32> to vector<2000x128xf32>
    %slice3A = vector.extract_strided_slice %reduce_sum3A_3 {offsets = [0, 0], sizes = [2000, 64], strides = [1, 1]} : vector<2000x128xf32> to vector<2000x64xf32>
    %reduce_sum3A_4 = arith.constant dense<0.000000e+00> : vector<2000xf32>
    %reduce_sum3A_5 = vector.multi_reduction <add>, %slice3A, %reduce_sum3A_4 [1] : vector<2000x64xf32> to vector<2000xf32>
    %mul3A = arith.constant 1.562500e-02 : f32
    %mul3A_6 = vector.broadcast %mul3A : f32 to vector<2000xf32>
    %mul3A_7 = arith.mulf %reduce_sum3A_5, %mul3A_6 : vector<2000xf32>
    %slice3A_8 = vector.extract_strided_slice %reduce_sum3A_3 {offsets = [0, 64], sizes = [2000, 64], strides = [1, 1]} : vector<2000x128xf32> to vector<2000x64xf32>
    %reduce_sum3A_9 = arith.constant dense<0.000000e+00> : vector<2000xf32>
    %reduce_sum3A_10 = vector.multi_reduction <add>, %slice3A_8, %reduce_sum3A_9 [1] : vector<2000x64xf32> to vector<2000xf32>
    %mul3A_11 = arith.constant 1.562500e-02 : f32
    %mul3A_12 = vector.broadcast %mul3A_11 : f32 to vector<2000xf32>
    %mul3A_13 = arith.mulf %reduce_sum3A_10, %mul3A_12 : vector<2000xf32>
    %stack3A = vector.shape_cast %mul3A_7 : vector<2000xf32> to vector<1x2000xf32>
    %stack3A_14 = vector.shape_cast %mul3A_13 : vector<2000xf32> to vector<1x2000xf32>
    %stack3A_15 = tpu.concatenate %stack3A, %stack3A_14 in 0 : vector<1x2000xf32>, vector<1x2000xf32> -> vector<2x2000xf32>
    %gt3A = arith.constant 0.000000e+00 : f32
    %gt3A_16 = vector.broadcast %gt3A : f32 to vector<2x2000xf32>
    %gt3A_17 = arith.cmpf ogt, %stack3A_15, %gt3A_16 : vector<2x2000xf32>
    %max3A = arith.constant 1.000000e-30 : f32
    %max3A_18 = vector.broadcast %max3A : f32 to vector<2x2000xf32>
    %max3A_19 = arith.maximumf %stack3A_15, %max3A_18 : vector<2x2000xf32>
    %rsqrt3A = math.rsqrt %max3A_19 : vector<2x2000xf32>
    %jit3A = arith.constant 0.000000e+00 : f32
    %broadcast_in_dim3A = vector.broadcast %jit3A : f32 to vector<2x2000xf32>
    %select_n3A = arith.select %gt3A_17, %rsqrt3A, %broadcast_in_dim3A : vector<2x2000xi1>, vector<2x2000xf32>
    %reshape3A = vector.shape_cast %select_n3A : vector<2x2000xf32> to vector<1x2x2000xf32>
    %swap3A = arith.constant 0 : index
    %swap3A_20 = arith.constant 0 : index
    %swap3A_21 = arith.constant 0 : index
    %swap3A_22 = vector.load %arg2[%swap3A, %swap3A_20, %swap3A_21] : memref<1x2x2000xf32, #tpu.memory_space<vmem>>, vector<1x2x2000xf32>
    tpu.vector_store %arg2[%swap3A, %swap3A_20, %swap3A_21], %reshape3A {strides = array<i32>} : memref<1x2x2000xf32, #tpu.memory_space<vmem>>, vector<1x2x2000xf32>,
    return
  }
  func.func @transform_0(%arg0: i32) -> (i32, i32, i32) {
    %c0_i32 = arith.constant 0 : i32
    %c0_i32_0 = arith.constant 0 : i32
    %c0_i32_1 = arith.constant 0 : i32
    return %c0_i32, %arg0, %c0_i32_0 : i32, i32, i32
  }
  func.func @transform_1(%arg0: i32) -> (i32, i32, i32) {
    %c0_i32 = arith.constant 0 : i32
    %c0_i32_0 = arith.constant 0 : i32
    %c0_i32_1 = arith.constant 0 : i32
    return %arg0, %c0_i32, %c0_i32_0 : i32, i32, i32
  }
}

module attributes {stable_mosaic.version = 14 : i64} {
  func.func @_tc_scale_body(%arg0: i32, %arg1: memref<1000x128xf32, #tpu.memory_space<vmem>>, %arg2: memref<1000x1xf32, #tpu.memory_space<vmem>>, %arg3: memref<1000x128xf32, #tpu.memory_space<vmem>>) attributes {dimension_semantics = [#tpu.dimension_semantics<arbitrary>], iteration_bounds = array<i64: 10>, scalar_prefetch = 0 : i64, scratch_operands = 0 : i64, tpu.core_type = #tpu.core_type<tc>, window_params = [{transform_indices = @transform_0, window_bounds = array<i64: 1000, 128>}, {transform_indices = @transform_1, window_bounds = array<i64: 1000, 1>}, {transform_indices = @transform_2, window_bounds = array<i64: 1000, 128>}]} {
    %get3A = arith.constant 0 : index
    %get3A_0 = arith.constant 0 : index
    %get3A_1 = vector.load %arg1[%get3A, %get3A_0] : memref<1000x128xf32, #tpu.memory_space<vmem>>, vector<1000x128xf32>
    %get3A_2 = arith.constant 0 : index
    %get3A_3 = arith.constant 0 : index
    %get3A_4 = vector.load %arg2[%get3A_2, %get3A_3] : memref<1000x1xf32, #tpu.memory_space<vmem>>, vector<1000x1xf32>
    %mul3A = vector.broadcast %get3A_4 : vector<1000x1xf32> to vector<1000x128xf32>
    %mul3A_5 = arith.mulf %get3A_1, %mul3A : vector<1000x128xf32>
    %swap3A = arith.constant 0 : index
    %swap3A_6 = arith.constant 0 : index
    %swap3A_7 = vector.load %arg3[%swap3A, %swap3A_6] : memref<1000x128xf32, #tpu.memory_space<vmem>>, vector<1000x128xf32>
    tpu.vector_store %arg3[%swap3A, %swap3A_6], %mul3A_5 {strides = array<i32>} : memref<1000x128xf32, #tpu.memory_space<vmem>>, vector<1000x128xf32>,
    return
  }
  func.func @transform_0(%arg0: i32) -> (i32, i32) {
    %c0_i32 = arith.constant 0 : i32
    %c0_i32_0 = arith.constant 0 : i32
    return %arg0, %c0_i32 : i32, i32
  }
  func.func @transform_1(%arg0: i32) -> (i32, i32) {
    %c0_i32 = arith.constant 0 : i32
    %c0_i32_0 = arith.constant 0 : i32
    return %arg0, %c0_i32 : i32, i32
  }
  func.func @transform_2(%arg0: i32) -> (i32, i32) {
    %c0_i32 = arith.constant 0 : i32
    %c0_i32_0 = arith.constant 0 : i32
    return %arg0, %c0_i32 : i32, i32
  }
}

module attributes {stable_mosaic.version = 14 : i64} {
  func.func @_tc_combine_body(%arg0: i32, %arg1: memref<2x1000x128xf32, #tpu.memory_space<vmem>>, %arg2: memref<1000x1xf32, #tpu.memory_space<vmem>>, %arg3: memref<1x128xf32, #tpu.memory_space<vmem>>, %arg4: memref<128x128xf32, #tpu.memory_space<vmem>>, %arg5: memref<1000x1xf32, #tpu.memory_space<vmem>>, %arg6: memref<1000x128xf32, #tpu.memory_space<vmem>>) attributes {dimension_semantics = [#tpu.dimension_semantics<arbitrary>], iteration_bounds = array<i64: 10>, scalar_prefetch = 0 : i64, scratch_operands = 0 : i64, tpu.core_type = #tpu.core_type<tc>, window_params = [{transform_indices = @transform_0, window_bounds = array<i64: 2, 1000, 128>}, {transform_indices = @transform_1, window_bounds = array<i64: 1000, 1>}, {pipeline_mode = #tpu.pipeline_mode<synchronous>, transform_indices = @transform_2, window_bounds = array<i64: 1, 128>}, {pipeline_mode = #tpu.pipeline_mode<synchronous>, transform_indices = @transform_3, window_bounds = array<i64: 128, 128>}, {transform_indices = @transform_4, window_bounds = array<i64: 1000, 1>}, {transform_indices = @transform_5, window_bounds = array<i64: 1000, 128>}]} {
    %get3A = arith.constant 0 : index
    %get3A_0 = arith.constant 0 : index
    %get3A_1 = arith.constant 0 : index
    %get3A_2 = vector.load %arg1[%get3A, %get3A_0, %get3A_1] : memref<2x1000x128xf32, #tpu.memory_space<vmem>>, vector<1x1000x128xf32>
    %get3A_3 = vector.shape_cast %get3A_2 : vector<1x1000x128xf32> to vector<1000x128xf32>
    %get3A_4 = arith.constant 1 : index
    %get3A_5 = arith.constant 0 : index
    %get3A_6 = arith.constant 0 : index
    %get3A_7 = vector.load %arg1[%get3A_4, %get3A_5, %get3A_6] : memref<2x1000x128xf32, #tpu.memory_space<vmem>>, vector<1x1000x128xf32>
    %get3A_8 = vector.shape_cast %get3A_7 : vector<1x1000x128xf32> to vector<1000x128xf32>
    %add3A = arith.addf %get3A_3, %get3A_8 : vector<1000x128xf32>
    %get3A_9 = arith.constant 0 : index
    %get3A_10 = arith.constant 0 : index
    %get3A_11 = vector.load %arg2[%get3A_9, %get3A_10] : memref<1000x1xf32, #tpu.memory_space<vmem>>, vector<1000x1xf32>
    %mul3A = vector.broadcast %get3A_11 : vector<1000x1xf32> to vector<1000x128xf32>
    %mul3A_12 = arith.mulf %add3A, %mul3A : vector<1000x128xf32>
    %get3A_13 = arith.constant 0 : index
    %get3A_14 = arith.constant 0 : index
    %get3A_15 = vector.load %arg3[%get3A_13, %get3A_14] : memref<1x128xf32, #tpu.memory_space<vmem>>, vector<1x128xf32>
    %add3A_16 = vector.broadcast %get3A_15 : vector<1x128xf32> to vector<1000x128xf32>
    %add3A_17 = arith.addf %mul3A_12, %add3A_16 : vector<1000x128xf32>
    %max3A = arith.constant 0.000000e+00 : f32
    %max3A_18 = vector.broadcast %max3A : f32 to vector<1000x128xf32>
    %max3A_19 = arith.maximumf %add3A_17, %max3A_18 : vector<1000x128xf32>
    %get3A_20 = arith.constant 0 : index
    %get3A_21 = arith.constant 0 : index
    %get3A_22 = vector.load %arg4[%get3A_20, %get3A_21] : memref<128x128xf32, #tpu.memory_space<vmem>>, vector<128x128xf32>
    %dot_general3A = arith.constant dense<0.000000e+00> : vector<1000x128xf32>
    %dot_general3A_23 = tpu.matmul %max3A_19, %get3A_22, %dot_general3A {dimension_numbers = #tpu.dot_dimension_numbers<[1], [0], [0], [1], [0, 0, 1, 1], [], []>, transpose_lhs_hint = false} : vector<1000x128xf32>, vector<128x128xf32>, vector<1000x128xf32> -> vector<1000x128xf32>
    %get3A_24 = arith.constant 0 : index
    %get3A_25 = arith.constant 0 : index
    %get3A_26 = vector.load %arg5[%get3A_24, %get3A_25] : memref<1000x1xf32, #tpu.memory_space<vmem>>, vector<1000x1xf32>
    %mul3A_27 = vector.broadcast %get3A_26 : vector<1000x1xf32> to vector<1000x128xf32>
    %mul3A_28 = arith.mulf %dot_general3A_23, %mul3A_27 : vector<1000x128xf32>
    %swap3A = arith.constant 0 : index
    %swap3A_29 = arith.constant 0 : index
    %swap3A_30 = vector.load %arg6[%swap3A, %swap3A_29] : memref<1000x128xf32, #tpu.memory_space<vmem>>, vector<1000x128xf32>
    tpu.vector_store %arg6[%swap3A, %swap3A_29], %mul3A_28 {strides = array<i32>} : memref<1000x128xf32, #tpu.memory_space<vmem>>, vector<1000x128xf32>,
    return
  }
  func.func @transform_0(%arg0: i32) -> (i32, i32, i32) {
    %c0_i32 = arith.constant 0 : i32
    %c0_i32_0 = arith.constant 0 : i32
    %c0_i32_1 = arith.constant 0 : i32
    return %c0_i32, %arg0, %c0_i32_0 : i32, i32, i32
  }
  func.func @transform_1(%arg0: i32) -> (i32, i32) {
    %c0_i32 = arith.constant 0 : i32
    %c0_i32_0 = arith.constant 0 : i32
    return %arg0, %c0_i32 : i32, i32
  }
  func.func @transform_2(%arg0: i32) -> (i32, i32) {
    %c0_i32 = arith.constant 0 : i32
    %c0_i32_0 = arith.constant 0 : i32
    %c0_i32_1 = arith.constant 0 : i32
    return %c0_i32, %c0_i32_0 : i32, i32
  }
  func.func @transform_3(%arg0: i32) -> (i32, i32) {
    %c0_i32 = arith.constant 0 : i32
    %c0_i32_0 = arith.constant 0 : i32
    %c0_i32_1 = arith.constant 0 : i32
    return %c0_i32, %c0_i32_0 : i32, i32
  }
  func.func @transform_4(%arg0: i32) -> (i32, i32) {
    %c0_i32 = arith.constant 0 : i32
    %c0_i32_0 = arith.constant 0 : i32
    return %arg0, %c0_i32 : i32, i32
  }
  func.func @transform_5(%arg0: i32) -> (i32, i32) {
    %c0_i32 = arith.constant 0 : i32
    %c0_i32_0 = arith.constant 0 : i32
    return %arg0, %c0_i32 : i32, i32
  }
}

module attributes {stable_mosaic.version = 14 : i64} {
  func.func @_tc_proj_body(%arg0: i32, %arg1: memref<2x1000x128xf32, #tpu.memory_space<vmem>>, %arg2: memref<1000x1xf32, #tpu.memory_space<vmem>>, %arg3: memref<1x128xf32, #tpu.memory_space<vmem>>, %arg4: memref<128x512xf32, #tpu.memory_space<vmem>>, %arg5: memref<1x512xf32, #tpu.memory_space<vmem>>, %arg6: memref<1000x512xf32, #tpu.memory_space<vmem>>) attributes {dimension_semantics = [#tpu.dimension_semantics<arbitrary>], iteration_bounds = array<i64: 10>, scalar_prefetch = 0 : i64, scratch_operands = 0 : i64, tpu.core_type = #tpu.core_type<tc>, window_params = [{transform_indices = @transform_0, window_bounds = array<i64: 2, 1000, 128>}, {transform_indices = @transform_1, window_bounds = array<i64: 1000, 1>}, {pipeline_mode = #tpu.pipeline_mode<synchronous>, transform_indices = @transform_2, window_bounds = array<i64: 1, 128>}, {pipeline_mode = #tpu.pipeline_mode<synchronous>, transform_indices = @transform_3, window_bounds = array<i64: 128, 512>}, {pipeline_mode = #tpu.pipeline_mode<synchronous>, transform_indices = @transform_4, window_bounds = array<i64: 1, 512>}, {transform_indices = @transform_5, window_bounds = array<i64: 1000, 512>}]} {
    %get3A = arith.constant 0 : index
    %get3A_0 = arith.constant 0 : index
    %get3A_1 = arith.constant 0 : index
    %get3A_2 = vector.load %arg1[%get3A, %get3A_0, %get3A_1] : memref<2x1000x128xf32, #tpu.memory_space<vmem>>, vector<1x1000x128xf32>
    %get3A_3 = vector.shape_cast %get3A_2 : vector<1x1000x128xf32> to vector<1000x128xf32>
    %get3A_4 = arith.constant 1 : index
    %get3A_5 = arith.constant 0 : index
    %get3A_6 = arith.constant 0 : index
    %get3A_7 = vector.load %arg1[%get3A_4, %get3A_5, %get3A_6] : memref<2x1000x128xf32, #tpu.memory_space<vmem>>, vector<1x1000x128xf32>
    %get3A_8 = vector.shape_cast %get3A_7 : vector<1x1000x128xf32> to vector<1000x128xf32>
    %add3A = arith.addf %get3A_3, %get3A_8 : vector<1000x128xf32>
    %get3A_9 = arith.constant 0 : index
    %get3A_10 = arith.constant 0 : index
    %get3A_11 = vector.load %arg2[%get3A_9, %get3A_10] : memref<1000x1xf32, #tpu.memory_space<vmem>>, vector<1000x1xf32>
    %mul3A = vector.broadcast %get3A_11 : vector<1000x1xf32> to vector<1000x128xf32>
    %mul3A_12 = arith.mulf %add3A, %mul3A : vector<1000x128xf32>
    %get3A_13 = arith.constant 0 : index
    %get3A_14 = arith.constant 0 : index
    %get3A_15 = vector.load %arg3[%get3A_13, %get3A_14] : memref<1x128xf32, #tpu.memory_space<vmem>>, vector<1x128xf32>
    %add3A_16 = vector.broadcast %get3A_15 : vector<1x128xf32> to vector<1000x128xf32>
    %add3A_17 = arith.addf %mul3A_12, %add3A_16 : vector<1000x128xf32>
    %max3A = arith.constant 0.000000e+00 : f32
    %max3A_18 = vector.broadcast %max3A : f32 to vector<1000x128xf32>
    %max3A_19 = arith.maximumf %add3A_17, %max3A_18 : vector<1000x128xf32>
    %get3A_20 = arith.constant 0 : index
    %get3A_21 = arith.constant 0 : index
    %get3A_22 = vector.load %arg4[%get3A_20, %get3A_21] : memref<128x512xf32, #tpu.memory_space<vmem>>, vector<128x512xf32>
    %dot_general3A = arith.constant dense<0.000000e+00> : vector<1000x512xf32>
    %dot_general3A_23 = tpu.matmul %max3A_19, %get3A_22, %dot_general3A {dimension_numbers = #tpu.dot_dimension_numbers<[1], [0], [0], [1], [0, 0, 1, 1], [], []>, transpose_lhs_hint = false} : vector<1000x128xf32>, vector<128x512xf32>, vector<1000x512xf32> -> vector<1000x512xf32>
    %get3A_24 = arith.constant 0 : index
    %get3A_25 = arith.constant 0 : index
    %get3A_26 = vector.load %arg5[%get3A_24, %get3A_25] : memref<1x512xf32, #tpu.memory_space<vmem>>, vector<1x512xf32>
    %add3A_27 = vector.broadcast %get3A_26 : vector<1x512xf32> to vector<1000x512xf32>
    %add3A_28 = arith.addf %dot_general3A_23, %add3A_27 : vector<1000x512xf32>
    %swap3A = arith.constant 0 : index
    %swap3A_29 = arith.constant 0 : index
    %swap3A_30 = vector.load %arg6[%swap3A, %swap3A_29] : memref<1000x512xf32, #tpu.memory_space<vmem>>, vector<1000x512xf32>
    tpu.vector_store %arg6[%swap3A, %swap3A_29], %add3A_28 {strides = array<i32>} : memref<1000x512xf32, #tpu.memory_space<vmem>>, vector<1000x512xf32>,
    return
  }
  func.func @transform_0(%arg0: i32) -> (i32, i32, i32) {
    %c0_i32 = arith.constant 0 : i32
    %c0_i32_0 = arith.constant 0 : i32
    %c0_i32_1 = arith.constant 0 : i32
    return %c0_i32, %arg0, %c0_i32_0 : i32, i32, i32
  }
  func.func @transform_1(%arg0: i32) -> (i32, i32) {
    %c0_i32 = arith.constant 0 : i32
    %c0_i32_0 = arith.constant 0 : i32
    return %arg0, %c0_i32 : i32, i32
  }
  func.func @transform_2(%arg0: i32) -> (i32, i32) {
    %c0_i32 = arith.constant 0 : i32
    %c0_i32_0 = arith.constant 0 : i32
    %c0_i32_1 = arith.constant 0 : i32
    return %c0_i32, %c0_i32_0 : i32, i32
  }
  func.func @transform_3(%arg0: i32) -> (i32, i32) {
    %c0_i32 = arith.constant 0 : i32
    %c0_i32_0 = arith.constant 0 : i32
    %c0_i32_1 = arith.constant 0 : i32
    return %c0_i32, %c0_i32_0 : i32, i32
  }
  func.func @transform_4(%arg0: i32) -> (i32, i32) {
    %c0_i32 = arith.constant 0 : i32
    %c0_i32_0 = arith.constant 0 : i32
    %c0_i32_1 = arith.constant 0 : i32
    return %c0_i32, %c0_i32_0 : i32, i32
  }
  func.func @transform_5(%arg0: i32) -> (i32, i32) {
    %c0_i32 = arith.constant 0 : i32
    %c0_i32_0 = arith.constant 0 : i32
    return %arg0, %c0_i32 : i32, i32
  }
}

module attributes {stable_mosaic.version = 14 : i64} {
  func.func @_tc_lstm_body(%arg0: i32, %arg1: memref<2000x512xf32, #tpu.memory_space<vmem>>, %arg2: memref<128x512xf32, #tpu.memory_space<vmem>>, %arg3: memref<128x64xf32, #tpu.memory_space<vmem>>, %arg4: memref<1x64xf32, #tpu.memory_space<vmem>>, %arg5: memref<1x64xf32, #tpu.memory_space<vmem>>, %arg6: memref<1x128xf32, #tpu.memory_space<vmem>>, %arg7: memref<1x128xf32, #tpu.memory_space<vmem>>) attributes {dimension_semantics = [#tpu.dimension_semantics<arbitrary>], iteration_bounds = array<i64: 5>, scalar_prefetch = 0 : i64, scratch_operands = 2 : i64, tpu.core_type = #tpu.core_type<tc>, window_params = [{transform_indices = @transform_0, window_bounds = array<i64: 2000, 512>}, {pipeline_mode = #tpu.pipeline_mode<synchronous>, transform_indices = @transform_1, window_bounds = array<i64: 128, 512>}, {pipeline_mode = #tpu.pipeline_mode<synchronous>, transform_indices = @transform_2, window_bounds = array<i64: 128, 64>}, {pipeline_mode = #tpu.pipeline_mode<synchronous>, transform_indices = @transform_3, window_bounds = array<i64: 1, 64>}, {pipeline_mode = #tpu.pipeline_mode<synchronous>, transform_indices = @transform_4, window_bounds = array<i64: 1, 64>}]} {
    %eq3A = arith.constant 0 : i32
    %eq3A_0 = arith.cmpi eq, %arg0, %eq3A : i32
    %convert_element_type3A = arith.extui %eq3A_0 : i1 to i32
    %cond3A = arith.constant 0 : i32
    %cond3A_1 = arith.cmpi ne, %convert_element_type3A, %cond3A : i32
    scf.if %cond3A_1 {
      %broadcast_in_dim3A = arith.constant 0.000000e+00 : f32
      %broadcast_in_dim3A_22 = vector.broadcast %broadcast_in_dim3A : f32 to vector<1x128xf32>
      %swap3A_23 = arith.constant 0 : index
      %swap3A_24 = arith.constant 0 : index
      %swap3A_25 = vector.load %arg6[%swap3A_23, %swap3A_24] : memref<1x128xf32, #tpu.memory_space<vmem>>, vector<1x128xf32>
      tpu.vector_store %arg6[%swap3A_23, %swap3A_24], %broadcast_in_dim3A_22 {strides = array<i32>} : memref<1x128xf32, #tpu.memory_space<vmem>>, vector<1x128xf32>,
      %broadcast_in_dim3A_26 = arith.constant 0.000000e+00 : f32
      %broadcast_in_dim3A_27 = vector.broadcast %broadcast_in_dim3A_26 : f32 to vector<1x128xf32>
      %swap3A_28 = arith.constant 0 : index
      %swap3A_29 = arith.constant 0 : index
      %swap3A_30 = vector.load %arg7[%swap3A_28, %swap3A_29] : memref<1x128xf32, #tpu.memory_space<vmem>>, vector<1x128xf32>
      tpu.vector_store %arg7[%swap3A_28, %swap3A_29], %broadcast_in_dim3A_27 {strides = array<i32>} : memref<1x128xf32, #tpu.memory_space<vmem>>, vector<1x128xf32>,
    } else {
    }
    %get3A = arith.constant 0 : index
    %get3A_2 = arith.constant 0 : index
    %get3A_3 = vector.load %arg6[%get3A, %get3A_2] : memref<1x128xf32, #tpu.memory_space<vmem>>, vector<1x128xf32>
    %get3A_4 = arith.constant 0 : index
    %get3A_5 = arith.constant 0 : index
    %get3A_6 = vector.load %arg7[%get3A_4, %get3A_5] : memref<1x128xf32, #tpu.memory_space<vmem>>, vector<1x128xf32>
    %scan3A = arith.constant 0 : i32
    %scan3A_7 = arith.constant 125 : i32
    %scan3A_8 = arith.addi %scan3A, %scan3A_7 : i32
    %scan3A_9 = arith.constant 1 : i32
    %scan3A_10:2 = scf.for %scan3A_22 = %scan3A to %scan3A_8 step %scan3A_9 iter_args(%scan3A_23 = %get3A_3, %scan3A_24 = %get3A_6) -> (vector<1x128xf32>, vector<1x128xf32>)  : i32 {
      %mul3A = arith.constant 16 : i32
      %mul3A_25 = arith.muli %scan3A_22, %mul3A : i32
      %get3A_26 = arith.index_cast %mul3A_25 : i32 to index
      %get3A_27 = arith.constant 0 : index
      %get3A_28 = vector.load %arg1[%get3A_26, %get3A_27] : memref<2000x512xf32, #tpu.memory_space<vmem>>, vector<16x512xf32>
      %get3A_29 = arith.constant 0 : index
      %get3A_30 = arith.constant 0 : index
      %get3A_31 = vector.load %arg2[%get3A_29, %get3A_30] : memref<128x512xf32, #tpu.memory_space<vmem>>, vector<128x512xf32>
      %reshape3A = vector.shape_cast %scan3A_23 : vector<1x128xf32> to vector<128x1xf32>
      %mul3A_32 = vector.broadcast %reshape3A : vector<128x1xf32> to vector<128x512xf32>
      %mul3A_33 = arith.mulf %get3A_31, %mul3A_32 : vector<128x512xf32>
      %reduce_sum3A = arith.constant dense<0.000000e+00> : vector<512xf32>
      %reduce_sum3A_34 = vector.multi_reduction <add>, %mul3A_33, %reduce_sum3A [0] : vector<128x512xf32> to vector<512xf32>
      %broadcast_in_dim3A = vector.shape_cast %reduce_sum3A_34 : vector<512xf32> to vector<1x512xf32>
      %slice3A = vector.extract_strided_slice %get3A_28 {offsets = [0, 0], sizes = [1, 512], strides = [1, 1]} : vector<16x512xf32> to vector<1x512xf32>
      %add3A = arith.addf %slice3A, %broadcast_in_dim3A : vector<1x512xf32>
      %slice3A_35 = vector.extract_strided_slice %add3A {offsets = [0, 0], sizes = [1, 384], strides = [1, 1]} : vector<1x512xf32> to vector<1x384xf32>
      %tanh3A = math.tanh %slice3A_35 : vector<1x384xf32>
      %mul3A_36 = arith.constant 5.000000e-01 : f32
      %mul3A_37 = vector.broadcast %mul3A_36 : f32 to vector<1x384xf32>
      %mul3A_38 = arith.mulf %tanh3A, %mul3A_37 : vector<1x384xf32>
      %add3A_39 = arith.constant 5.000000e-01 : f32
      %add3A_40 = vector.broadcast %add3A_39 : f32 to vector<1x384xf32>
      %add3A_41 = arith.addf %mul3A_38, %add3A_40 : vector<1x384xf32>
      %slice3A_42 = vector.extract_strided_slice %add3A {offsets = [0, 384], sizes = [1, 128], strides = [1, 1]} : vector<1x512xf32> to vector<1x128xf32>
      %tanh3A_43 = math.tanh %slice3A_42 : vector<1x128xf32>
      %slice3A_44 = vector.extract_strided_slice %add3A_41 {offsets = [0, 128], sizes = [1, 128], strides = [1, 1]} : vector<1x384xf32> to vector<1x128xf32>
      %mul3A_45 = arith.mulf %slice3A_44, %scan3A_24 : vector<1x128xf32>
      %slice3A_46 = vector.extract_strided_slice %add3A_41 {offsets = [0, 0], sizes = [1, 128], strides = [1, 1]} : vector<1x384xf32> to vector<1x128xf32>
      %mul3A_47 = arith.mulf %slice3A_46, %tanh3A_43 : vector<1x128xf32>
      %add3A_48 = arith.addf %mul3A_45, %mul3A_47 : vector<1x128xf32>
      %slice3A_49 = vector.extract_strided_slice %add3A_41 {offsets = [0, 256], sizes = [1, 128], strides = [1, 1]} : vector<1x384xf32> to vector<1x128xf32>
      %tanh3A_50 = math.tanh %add3A_48 : vector<1x128xf32>
      %mul3A_51 = arith.mulf %slice3A_49, %tanh3A_50 : vector<1x128xf32>
      %get3A_52 = arith.constant 0 : index
      %get3A_53 = arith.constant 0 : index
      %get3A_54 = vector.load %arg2[%get3A_52, %get3A_53] : memref<128x512xf32, #tpu.memory_space<vmem>>, vector<128x512xf32>
      %reshape3A_55 = vector.shape_cast %mul3A_51 : vector<1x128xf32> to vector<128x1xf32>
      %mul3A_56 = vector.broadcast %reshape3A_55 : vector<128x1xf32> to vector<128x512xf32>
      %mul3A_57 = arith.mulf %get3A_54, %mul3A_56 : vector<128x512xf32>
      %reduce_sum3A_58 = arith.constant dense<0.000000e+00> : vector<512xf32>
      %reduce_sum3A_59 = vector.multi_reduction <add>, %mul3A_57, %reduce_sum3A_58 [0] : vector<128x512xf32> to vector<512xf32>
      %broadcast_in_dim3A_60 = vector.shape_cast %reduce_sum3A_59 : vector<512xf32> to vector<1x512xf32>
      %slice3A_61 = vector.extract_strided_slice %get3A_28 {offsets = [1, 0], sizes = [1, 512], strides = [1, 1]} : vector<16x512xf32> to vector<1x512xf32>
      %add3A_62 = arith.addf %slice3A_61, %broadcast_in_dim3A_60 : vector<1x512xf32>
      %slice3A_63 = vector.extract_strided_slice %add3A_62 {offsets = [0, 0], sizes = [1, 384], strides = [1, 1]} : vector<1x512xf32> to vector<1x384xf32>
      %tanh3A_64 = math.tanh %slice3A_63 : vector<1x384xf32>
      %mul3A_65 = arith.constant 5.000000e-01 : f32
      %mul3A_66 = vector.broadcast %mul3A_65 : f32 to vector<1x384xf32>
      %mul3A_67 = arith.mulf %tanh3A_64, %mul3A_66 : vector<1x384xf32>
      %add3A_68 = arith.constant 5.000000e-01 : f32
      %add3A_69 = vector.broadcast %add3A_68 : f32 to vector<1x384xf32>
      %add3A_70 = arith.addf %mul3A_67, %add3A_69 : vector<1x384xf32>
      %slice3A_71 = vector.extract_strided_slice %add3A_62 {offsets = [0, 384], sizes = [1, 128], strides = [1, 1]} : vector<1x512xf32> to vector<1x128xf32>
      %tanh3A_72 = math.tanh %slice3A_71 : vector<1x128xf32>
      %slice3A_73 = vector.extract_strided_slice %add3A_70 {offsets = [0, 128], sizes = [1, 128], strides = [1, 1]} : vector<1x384xf32> to vector<1x128xf32>
      %mul3A_74 = arith.mulf %slice3A_73, %add3A_48 : vector<1x128xf32>
      %slice3A_75 = vector.extract_strided_slice %add3A_70 {offsets = [0, 0], sizes = [1, 128], strides = [1, 1]} : vector<1x384xf32> to vector<1x128xf32>
      %mul3A_76 = arith.mulf %slice3A_75, %tanh3A_72 : vector<1x128xf32>
      %add3A_77 = arith.addf %mul3A_74, %mul3A_76 : vector<1x128xf32>
      %slice3A_78 = vector.extract_strided_slice %add3A_70 {offsets = [0, 256], sizes = [1, 128], strides = [1, 1]} : vector<1x384xf32> to vector<1x128xf32>
      %tanh3A_79 = math.tanh %add3A_77 : vector<1x128xf32>
      %mul3A_80 = arith.mulf %slice3A_78, %tanh3A_79 : vector<1x128xf32>
      %get3A_81 = arith.constant 0 : index
      %get3A_82 = arith.constant 0 : index
      %get3A_83 = vector.load %arg2[%get3A_81, %get3A_82] : memref<128x512xf32, #tpu.memory_space<vmem>>, vector<128x512xf32>
      %reshape3A_84 = vector.shape_cast %mul3A_80 : vector<1x128xf32> to vector<128x1xf32>
      %mul3A_85 = vector.broadcast %reshape3A_84 : vector<128x1xf32> to vector<128x512xf32>
      %mul3A_86 = arith.mulf %get3A_83, %mul3A_85 : vector<128x512xf32>
      %reduce_sum3A_87 = arith.constant dense<0.000000e+00> : vector<512xf32>
      %reduce_sum3A_88 = vector.multi_reduction <add>, %mul3A_86, %reduce_sum3A_87 [0] : vector<128x512xf32> to vector<512xf32>
      %broadcast_in_dim3A_89 = vector.shape_cast %reduce_sum3A_88 : vector<512xf32> to vector<1x512xf32>
      %slice3A_90 = vector.extract_strided_slice %get3A_28 {offsets = [2, 0], sizes = [1, 512], strides = [1, 1]} : vector<16x512xf32> to vector<1x512xf32>
      %add3A_91 = arith.addf %slice3A_90, %broadcast_in_dim3A_89 : vector<1x512xf32>
      %slice3A_92 = vector.extract_strided_slice %add3A_91 {offsets = [0, 0], sizes = [1, 384], strides = [1, 1]} : vector<1x512xf32> to vector<1x384xf32>
      %tanh3A_93 = math.tanh %slice3A_92 : vector<1x384xf32>
      %mul3A_94 = arith.constant 5.000000e-01 : f32
      %mul3A_95 = vector.broadcast %mul3A_94 : f32 to vector<1x384xf32>
      %mul3A_96 = arith.mulf %tanh3A_93, %mul3A_95 : vector<1x384xf32>
      %add3A_97 = arith.constant 5.000000e-01 : f32
      %add3A_98 = vector.broadcast %add3A_97 : f32 to vector<1x384xf32>
      %add3A_99 = arith.addf %mul3A_96, %add3A_98 : vector<1x384xf32>
      %slice3A_100 = vector.extract_strided_slice %add3A_91 {offsets = [0, 384], sizes = [1, 128], strides = [1, 1]} : vector<1x512xf32> to vector<1x128xf32>
      %tanh3A_101 = math.tanh %slice3A_100 : vector<1x128xf32>
      %slice3A_102 = vector.extract_strided_slice %add3A_99 {offsets = [0, 128], sizes = [1, 128], strides = [1, 1]} : vector<1x384xf32> to vector<1x128xf32>
      %mul3A_103 = arith.mulf %slice3A_102, %add3A_77 : vector<1x128xf32>
      %slice3A_104 = vector.extract_strided_slice %add3A_99 {offsets = [0, 0], sizes = [1, 128], strides = [1, 1]} : vector<1x384xf32> to vector<1x128xf32>
      %mul3A_105 = arith.mulf %slice3A_104, %tanh3A_101 : vector<1x128xf32>
      %add3A_106 = arith.addf %mul3A_103, %mul3A_105 : vector<1x128xf32>
      %slice3A_107 = vector.extract_strided_slice %add3A_99 {offsets = [0, 256], sizes = [1, 128], strides = [1, 1]} : vector<1x384xf32> to vector<1x128xf32>
      %tanh3A_108 = math.tanh %add3A_106 : vector<1x128xf32>
      %mul3A_109 = arith.mulf %slice3A_107, %tanh3A_108 : vector<1x128xf32>
      %get3A_110 = arith.constant 0 : index
      %get3A_111 = arith.constant 0 : index
      %get3A_112 = vector.load %arg2[%get3A_110, %get3A_111] : memref<128x512xf32, #tpu.memory_space<vmem>>, vector<128x512xf32>
      %reshape3A_113 = vector.shape_cast %mul3A_109 : vector<1x128xf32> to vector<128x1xf32>
      %mul3A_114 = vector.broadcast %reshape3A_113 : vector<128x1xf32> to vector<128x512xf32>
      %mul3A_115 = arith.mulf %get3A_112, %mul3A_114 : vector<128x512xf32>
      %reduce_sum3A_116 = arith.constant dense<0.000000e+00> : vector<512xf32>
      %reduce_sum3A_117 = vector.multi_reduction <add>, %mul3A_115, %reduce_sum3A_116 [0] : vector<128x512xf32> to vector<512xf32>
      %broadcast_in_dim3A_118 = vector.shape_cast %reduce_sum3A_117 : vector<512xf32> to vector<1x512xf32>
      %slice3A_119 = vector.extract_strided_slice %get3A_28 {offsets = [3, 0], sizes = [1, 512], strides = [1, 1]} : vector<16x512xf32> to vector<1x512xf32>
      %add3A_120 = arith.addf %slice3A_119, %broadcast_in_dim3A_118 : vector<1x512xf32>
      %slice3A_121 = vector.extract_strided_slice %add3A_120 {offsets = [0, 0], sizes = [1, 384], strides = [1, 1]} : vector<1x512xf32> to vector<1x384xf32>
      %tanh3A_122 = math.tanh %slice3A_121 : vector<1x384xf32>
      %mul3A_123 = arith.constant 5.000000e-01 : f32
      %mul3A_124 = vector.broadcast %mul3A_123 : f32 to vector<1x384xf32>
      %mul3A_125 = arith.mulf %tanh3A_122, %mul3A_124 : vector<1x384xf32>
      %add3A_126 = arith.constant 5.000000e-01 : f32
      %add3A_127 = vector.broadcast %add3A_126 : f32 to vector<1x384xf32>
      %add3A_128 = arith.addf %mul3A_125, %add3A_127 : vector<1x384xf32>
      %slice3A_129 = vector.extract_strided_slice %add3A_120 {offsets = [0, 384], sizes = [1, 128], strides = [1, 1]} : vector<1x512xf32> to vector<1x128xf32>
      %tanh3A_130 = math.tanh %slice3A_129 : vector<1x128xf32>
      %slice3A_131 = vector.extract_strided_slice %add3A_128 {offsets = [0, 128], sizes = [1, 128], strides = [1, 1]} : vector<1x384xf32> to vector<1x128xf32>
      %mul3A_132 = arith.mulf %slice3A_131, %add3A_106 : vector<1x128xf32>
      %slice3A_133 = vector.extract_strided_slice %add3A_128 {offsets = [0, 0], sizes = [1, 128], strides = [1, 1]} : vector<1x384xf32> to vector<1x128xf32>
      %mul3A_134 = arith.mulf %slice3A_133, %tanh3A_130 : vector<1x128xf32>
      %add3A_135 = arith.addf %mul3A_132, %mul3A_134 : vector<1x128xf32>
      %slice3A_136 = vector.extract_strided_slice %add3A_128 {offsets = [0, 256], sizes = [1, 128], strides = [1, 1]} : vector<1x384xf32> to vector<1x128xf32>
      %tanh3A_137 = math.tanh %add3A_135 : vector<1x128xf32>
      %mul3A_138 = arith.mulf %slice3A_136, %tanh3A_137 : vector<1x128xf32>
      %get3A_139 = arith.constant 0 : index
      %get3A_140 = arith.constant 0 : index
      %get3A_141 = vector.load %arg2[%get3A_139, %get3A_140] : memref<128x512xf32, #tpu.memory_space<vmem>>, vector<128x512xf32>
      %reshape3A_142 = vector.shape_cast %mul3A_138 : vector<1x128xf32> to vector<128x1xf32>
      %mul3A_143 = vector.broadcast %reshape3A_142 : vector<128x1xf32> to vector<128x512xf32>
      %mul3A_144 = arith.mulf %get3A_141, %mul3A_143 : vector<128x512xf32>
      %reduce_sum3A_145 = arith.constant dense<0.000000e+00> : vector<512xf32>
      %reduce_sum3A_146 = vector.multi_reduction <add>, %mul3A_144, %reduce_sum3A_145 [0] : vector<128x512xf32> to vector<512xf32>
      %broadcast_in_dim3A_147 = vector.shape_cast %reduce_sum3A_146 : vector<512xf32> to vector<1x512xf32>
      %slice3A_148 = vector.extract_strided_slice %get3A_28 {offsets = [4, 0], sizes = [1, 512], strides = [1, 1]} : vector<16x512xf32> to vector<1x512xf32>
      %add3A_149 = arith.addf %slice3A_148, %broadcast_in_dim3A_147 : vector<1x512xf32>
      %slice3A_150 = vector.extract_strided_slice %add3A_149 {offsets = [0, 0], sizes = [1, 384], strides = [1, 1]} : vector<1x512xf32> to vector<1x384xf32>
      %tanh3A_151 = math.tanh %slice3A_150 : vector<1x384xf32>
      %mul3A_152 = arith.constant 5.000000e-01 : f32
      %mul3A_153 = vector.broadcast %mul3A_152 : f32 to vector<1x384xf32>
      %mul3A_154 = arith.mulf %tanh3A_151, %mul3A_153 : vector<1x384xf32>
      %add3A_155 = arith.constant 5.000000e-01 : f32
      %add3A_156 = vector.broadcast %add3A_155 : f32 to vector<1x384xf32>
      %add3A_157 = arith.addf %mul3A_154, %add3A_156 : vector<1x384xf32>
      %slice3A_158 = vector.extract_strided_slice %add3A_149 {offsets = [0, 384], sizes = [1, 128], strides = [1, 1]} : vector<1x512xf32> to vector<1x128xf32>
      %tanh3A_159 = math.tanh %slice3A_158 : vector<1x128xf32>
      %slice3A_160 = vector.extract_strided_slice %add3A_157 {offsets = [0, 128], sizes = [1, 128], strides = [1, 1]} : vector<1x384xf32> to vector<1x128xf32>
      %mul3A_161 = arith.mulf %slice3A_160, %add3A_135 : vector<1x128xf32>
      %slice3A_162 = vector.extract_strided_slice %add3A_157 {offsets = [0, 0], sizes = [1, 128], strides = [1, 1]} : vector<1x384xf32> to vector<1x128xf32>
      %mul3A_163 = arith.mulf %slice3A_162, %tanh3A_159 : vector<1x128xf32>
      %add3A_164 = arith.addf %mul3A_161, %mul3A_163 : vector<1x128xf32>
      %slice3A_165 = vector.extract_strided_slice %add3A_157 {offsets = [0, 256], sizes = [1, 128], strides = [1, 1]} : vector<1x384xf32> to vector<1x128xf32>
      %tanh3A_166 = math.tanh %add3A_164 : vector<1x128xf32>
      %mul3A_167 = arith.mulf %slice3A_165, %tanh3A_166 : vector<1x128xf32>
      %get3A_168 = arith.constant 0 : index
      %get3A_169 = arith.constant 0 : index
      %get3A_170 = vector.load %arg2[%get3A_168, %get3A_169] : memref<128x512xf32, #tpu.memory_space<vmem>>, vector<128x512xf32>
      %reshape3A_171 = vector.shape_cast %mul3A_167 : vector<1x128xf32> to vector<128x1xf32>
      %mul3A_172 = vector.broadcast %reshape3A_171 : vector<128x1xf32> to vector<128x512xf32>
      %mul3A_173 = arith.mulf %get3A_170, %mul3A_172 : vector<128x512xf32>
      %reduce_sum3A_174 = arith.constant dense<0.000000e+00> : vector<512xf32>
      %reduce_sum3A_175 = vector.multi_reduction <add>, %mul3A_173, %reduce_sum3A_174 [0] : vector<128x512xf32> to vector<512xf32>
      %broadcast_in_dim3A_176 = vector.shape_cast %reduce_sum3A_175 : vector<512xf32> to vector<1x512xf32>
      %slice3A_177 = vector.extract_strided_slice %get3A_28 {offsets = [5, 0], sizes = [1, 512], strides = [1, 1]} : vector<16x512xf32> to vector<1x512xf32>
      %add3A_178 = arith.addf %slice3A_177, %broadcast_in_dim3A_176 : vector<1x512xf32>
      %slice3A_179 = vector.extract_strided_slice %add3A_178 {offsets = [0, 0], sizes = [1, 384], strides = [1, 1]} : vector<1x512xf32> to vector<1x384xf32>
      %tanh3A_180 = math.tanh %slice3A_179 : vector<1x384xf32>
      %mul3A_181 = arith.constant 5.000000e-01 : f32
      %mul3A_182 = vector.broadcast %mul3A_181 : f32 to vector<1x384xf32>
      %mul3A_183 = arith.mulf %tanh3A_180, %mul3A_182 : vector<1x384xf32>
      %add3A_184 = arith.constant 5.000000e-01 : f32
      %add3A_185 = vector.broadcast %add3A_184 : f32 to vector<1x384xf32>
      %add3A_186 = arith.addf %mul3A_183, %add3A_185 : vector<1x384xf32>
      %slice3A_187 = vector.extract_strided_slice %add3A_178 {offsets = [0, 384], sizes = [1, 128], strides = [1, 1]} : vector<1x512xf32> to vector<1x128xf32>
      %tanh3A_188 = math.tanh %slice3A_187 : vector<1x128xf32>
      %slice3A_189 = vector.extract_strided_slice %add3A_186 {offsets = [0, 128], sizes = [1, 128], strides = [1, 1]} : vector<1x384xf32> to vector<1x128xf32>
      %mul3A_190 = arith.mulf %slice3A_189, %add3A_164 : vector<1x128xf32>
      %slice3A_191 = vector.extract_strided_slice %add3A_186 {offsets = [0, 0], sizes = [1, 128], strides = [1, 1]} : vector<1x384xf32> to vector<1x128xf32>
      %mul3A_192 = arith.mulf %slice3A_191, %tanh3A_188 : vector<1x128xf32>
      %add3A_193 = arith.addf %mul3A_190, %mul3A_192 : vector<1x128xf32>
      %slice3A_194 = vector.extract_strided_slice %add3A_186 {offsets = [0, 256], sizes = [1, 128], strides = [1, 1]} : vector<1x384xf32> to vector<1x128xf32>
      %tanh3A_195 = math.tanh %add3A_193 : vector<1x128xf32>
      %mul3A_196 = arith.mulf %slice3A_194, %tanh3A_195 : vector<1x128xf32>
      %get3A_197 = arith.constant 0 : index
      %get3A_198 = arith.constant 0 : index
      %get3A_199 = vector.load %arg2[%get3A_197, %get3A_198] : memref<128x512xf32, #tpu.memory_space<vmem>>, vector<128x512xf32>
      %reshape3A_200 = vector.shape_cast %mul3A_196 : vector<1x128xf32> to vector<128x1xf32>
      %mul3A_201 = vector.broadcast %reshape3A_200 : vector<128x1xf32> to vector<128x512xf32>
      %mul3A_202 = arith.mulf %get3A_199, %mul3A_201 : vector<128x512xf32>
      %reduce_sum3A_203 = arith.constant dense<0.000000e+00> : vector<512xf32>
      %reduce_sum3A_204 = vector.multi_reduction <add>, %mul3A_202, %reduce_sum3A_203 [0] : vector<128x512xf32> to vector<512xf32>
      %broadcast_in_dim3A_205 = vector.shape_cast %reduce_sum3A_204 : vector<512xf32> to vector<1x512xf32>
      %slice3A_206 = vector.extract_strided_slice %get3A_28 {offsets = [6, 0], sizes = [1, 512], strides = [1, 1]} : vector<16x512xf32> to vector<1x512xf32>
      %add3A_207 = arith.addf %slice3A_206, %broadcast_in_dim3A_205 : vector<1x512xf32>
      %slice3A_208 = vector.extract_strided_slice %add3A_207 {offsets = [0, 0], sizes = [1, 384], strides = [1, 1]} : vector<1x512xf32> to vector<1x384xf32>
      %tanh3A_209 = math.tanh %slice3A_208 : vector<1x384xf32>
      %mul3A_210 = arith.constant 5.000000e-01 : f32
      %mul3A_211 = vector.broadcast %mul3A_210 : f32 to vector<1x384xf32>
      %mul3A_212 = arith.mulf %tanh3A_209, %mul3A_211 : vector<1x384xf32>
      %add3A_213 = arith.constant 5.000000e-01 : f32
      %add3A_214 = vector.broadcast %add3A_213 : f32 to vector<1x384xf32>
      %add3A_215 = arith.addf %mul3A_212, %add3A_214 : vector<1x384xf32>
      %slice3A_216 = vector.extract_strided_slice %add3A_207 {offsets = [0, 384], sizes = [1, 128], strides = [1, 1]} : vector<1x512xf32> to vector<1x128xf32>
      %tanh3A_217 = math.tanh %slice3A_216 : vector<1x128xf32>
      %slice3A_218 = vector.extract_strided_slice %add3A_215 {offsets = [0, 128], sizes = [1, 128], strides = [1, 1]} : vector<1x384xf32> to vector<1x128xf32>
      %mul3A_219 = arith.mulf %slice3A_218, %add3A_193 : vector<1x128xf32>
      %slice3A_220 = vector.extract_strided_slice %add3A_215 {offsets = [0, 0], sizes = [1, 128], strides = [1, 1]} : vector<1x384xf32> to vector<1x128xf32>
      %mul3A_221 = arith.mulf %slice3A_220, %tanh3A_217 : vector<1x128xf32>
      %add3A_222 = arith.addf %mul3A_219, %mul3A_221 : vector<1x128xf32>
      %slice3A_223 = vector.extract_strided_slice %add3A_215 {offsets = [0, 256], sizes = [1, 128], strides = [1, 1]} : vector<1x384xf32> to vector<1x128xf32>
      %tanh3A_224 = math.tanh %add3A_222 : vector<1x128xf32>
      %mul3A_225 = arith.mulf %slice3A_223, %tanh3A_224 : vector<1x128xf32>
      %get3A_226 = arith.constant 0 : index
      %get3A_227 = arith.constant 0 : index
      %get3A_228 = vector.load %arg2[%get3A_226, %get3A_227] : memref<128x512xf32, #tpu.memory_space<vmem>>, vector<128x512xf32>
      %reshape3A_229 = vector.shape_cast %mul3A_225 : vector<1x128xf32> to vector<128x1xf32>
      %mul3A_230 = vector.broadcast %reshape3A_229 : vector<128x1xf32> to vector<128x512xf32>
      %mul3A_231 = arith.mulf %get3A_228, %mul3A_230 : vector<128x512xf32>
      %reduce_sum3A_232 = arith.constant dense<0.000000e+00> : vector<512xf32>
      %reduce_sum3A_233 = vector.multi_reduction <add>, %mul3A_231, %reduce_sum3A_232 [0] : vector<128x512xf32> to vector<512xf32>
      %broadcast_in_dim3A_234 = vector.shape_cast %reduce_sum3A_233 : vector<512xf32> to vector<1x512xf32>
      %slice3A_235 = vector.extract_strided_slice %get3A_28 {offsets = [7, 0], sizes = [1, 512], strides = [1, 1]} : vector<16x512xf32> to vector<1x512xf32>
      %add3A_236 = arith.addf %slice3A_235, %broadcast_in_dim3A_234 : vector<1x512xf32>
      %slice3A_237 = vector.extract_strided_slice %add3A_236 {offsets = [0, 0], sizes = [1, 384], strides = [1, 1]} : vector<1x512xf32> to vector<1x384xf32>
      %tanh3A_238 = math.tanh %slice3A_237 : vector<1x384xf32>
      %mul3A_239 = arith.constant 5.000000e-01 : f32
      %mul3A_240 = vector.broadcast %mul3A_239 : f32 to vector<1x384xf32>
      %mul3A_241 = arith.mulf %tanh3A_238, %mul3A_240 : vector<1x384xf32>
      %add3A_242 = arith.constant 5.000000e-01 : f32
      %add3A_243 = vector.broadcast %add3A_242 : f32 to vector<1x384xf32>
      %add3A_244 = arith.addf %mul3A_241, %add3A_243 : vector<1x384xf32>
      %slice3A_245 = vector.extract_strided_slice %add3A_236 {offsets = [0, 384], sizes = [1, 128], strides = [1, 1]} : vector<1x512xf32> to vector<1x128xf32>
      %tanh3A_246 = math.tanh %slice3A_245 : vector<1x128xf32>
      %slice3A_247 = vector.extract_strided_slice %add3A_244 {offsets = [0, 128], sizes = [1, 128], strides = [1, 1]} : vector<1x384xf32> to vector<1x128xf32>
      %mul3A_248 = arith.mulf %slice3A_247, %add3A_222 : vector<1x128xf32>
      %slice3A_249 = vector.extract_strided_slice %add3A_244 {offsets = [0, 0], sizes = [1, 128], strides = [1, 1]} : vector<1x384xf32> to vector<1x128xf32>
      %mul3A_250 = arith.mulf %slice3A_249, %tanh3A_246 : vector<1x128xf32>
      %add3A_251 = arith.addf %mul3A_248, %mul3A_250 : vector<1x128xf32>
      %slice3A_252 = vector.extract_strided_slice %add3A_244 {offsets = [0, 256], sizes = [1, 128], strides = [1, 1]} : vector<1x384xf32> to vector<1x128xf32>
      %tanh3A_253 = math.tanh %add3A_251 : vector<1x128xf32>
      %mul3A_254 = arith.mulf %slice3A_252, %tanh3A_253 : vector<1x128xf32>
      %get3A_255 = arith.constant 0 : index
      %get3A_256 = arith.constant 0 : index
      %get3A_257 = vector.load %arg2[%get3A_255, %get3A_256] : memref<128x512xf32, #tpu.memory_space<vmem>>, vector<128x512xf32>
      %reshape3A_258 = vector.shape_cast %mul3A_254 : vector<1x128xf32> to vector<128x1xf32>
      %mul3A_259 = vector.broadcast %reshape3A_258 : vector<128x1xf32> to vector<128x512xf32>
      %mul3A_260 = arith.mulf %get3A_257, %mul3A_259 : vector<128x512xf32>
      %reduce_sum3A_261 = arith.constant dense<0.000000e+00> : vector<512xf32>
      %reduce_sum3A_262 = vector.multi_reduction <add>, %mul3A_260, %reduce_sum3A_261 [0] : vector<128x512xf32> to vector<512xf32>
      %broadcast_in_dim3A_263 = vector.shape_cast %reduce_sum3A_262 : vector<512xf32> to vector<1x512xf32>
      %slice3A_264 = vector.extract_strided_slice %get3A_28 {offsets = [8, 0], sizes = [1, 512], strides = [1, 1]} : vector<16x512xf32> to vector<1x512xf32>
      %add3A_265 = arith.addf %slice3A_264, %broadcast_in_dim3A_263 : vector<1x512xf32>
      %slice3A_266 = vector.extract_strided_slice %add3A_265 {offsets = [0, 0], sizes = [1, 384], strides = [1, 1]} : vector<1x512xf32> to vector<1x384xf32>
      %tanh3A_267 = math.tanh %slice3A_266 : vector<1x384xf32>
      %mul3A_268 = arith.constant 5.000000e-01 : f32
      %mul3A_269 = vector.broadcast %mul3A_268 : f32 to vector<1x384xf32>
      %mul3A_270 = arith.mulf %tanh3A_267, %mul3A_269 : vector<1x384xf32>
      %add3A_271 = arith.constant 5.000000e-01 : f32
      %add3A_272 = vector.broadcast %add3A_271 : f32 to vector<1x384xf32>
      %add3A_273 = arith.addf %mul3A_270, %add3A_272 : vector<1x384xf32>
      %slice3A_274 = vector.extract_strided_slice %add3A_265 {offsets = [0, 384], sizes = [1, 128], strides = [1, 1]} : vector<1x512xf32> to vector<1x128xf32>
      %tanh3A_275 = math.tanh %slice3A_274 : vector<1x128xf32>
      %slice3A_276 = vector.extract_strided_slice %add3A_273 {offsets = [0, 128], sizes = [1, 128], strides = [1, 1]} : vector<1x384xf32> to vector<1x128xf32>
      %mul3A_277 = arith.mulf %slice3A_276, %add3A_251 : vector<1x128xf32>
      %slice3A_278 = vector.extract_strided_slice %add3A_273 {offsets = [0, 0], sizes = [1, 128], strides = [1, 1]} : vector<1x384xf32> to vector<1x128xf32>
      %mul3A_279 = arith.mulf %slice3A_278, %tanh3A_275 : vector<1x128xf32>
      %add3A_280 = arith.addf %mul3A_277, %mul3A_279 : vector<1x128xf32>
      %slice3A_281 = vector.extract_strided_slice %add3A_273 {offsets = [0, 256], sizes = [1, 128], strides = [1, 1]} : vector<1x384xf32> to vector<1x128xf32>
      %tanh3A_282 = math.tanh %add3A_280 : vector<1x128xf32>
      %mul3A_283 = arith.mulf %slice3A_281, %tanh3A_282 : vector<1x128xf32>
      %get3A_284 = arith.constant 0 : index
      %get3A_285 = arith.constant 0 : index
      %get3A_286 = vector.load %arg2[%get3A_284, %get3A_285] : memref<128x512xf32, #tpu.memory_space<vmem>>, vector<128x512xf32>
      %reshape3A_287 = vector.shape_cast %mul3A_283 : vector<1x128xf32> to vector<128x1xf32>
      %mul3A_288 = vector.broadcast %reshape3A_287 : vector<128x1xf32> to vector<128x512xf32>
      %mul3A_289 = arith.mulf %get3A_286, %mul3A_288 : vector<128x512xf32>
      %reduce_sum3A_290 = arith.constant dense<0.000000e+00> : vector<512xf32>
      %reduce_sum3A_291 = vector.multi_reduction <add>, %mul3A_289, %reduce_sum3A_290 [0] : vector<128x512xf32> to vector<512xf32>
      %broadcast_in_dim3A_292 = vector.shape_cast %reduce_sum3A_291 : vector<512xf32> to vector<1x512xf32>
      %slice3A_293 = vector.extract_strided_slice %get3A_28 {offsets = [9, 0], sizes = [1, 512], strides = [1, 1]} : vector<16x512xf32> to vector<1x512xf32>
      %add3A_294 = arith.addf %slice3A_293, %broadcast_in_dim3A_292 : vector<1x512xf32>
      %slice3A_295 = vector.extract_strided_slice %add3A_294 {offsets = [0, 0], sizes = [1, 384], strides = [1, 1]} : vector<1x512xf32> to vector<1x384xf32>
      %tanh3A_296 = math.tanh %slice3A_295 : vector<1x384xf32>
      %mul3A_297 = arith.constant 5.000000e-01 : f32
      %mul3A_298 = vector.broadcast %mul3A_297 : f32 to vector<1x384xf32>
      %mul3A_299 = arith.mulf %tanh3A_296, %mul3A_298 : vector<1x384xf32>
      %add3A_300 = arith.constant 5.000000e-01 : f32
      %add3A_301 = vector.broadcast %add3A_300 : f32 to vector<1x384xf32>
      %add3A_302 = arith.addf %mul3A_299, %add3A_301 : vector<1x384xf32>
      %slice3A_303 = vector.extract_strided_slice %add3A_294 {offsets = [0, 384], sizes = [1, 128], strides = [1, 1]} : vector<1x512xf32> to vector<1x128xf32>
      %tanh3A_304 = math.tanh %slice3A_303 : vector<1x128xf32>
      %slice3A_305 = vector.extract_strided_slice %add3A_302 {offsets = [0, 128], sizes = [1, 128], strides = [1, 1]} : vector<1x384xf32> to vector<1x128xf32>
      %mul3A_306 = arith.mulf %slice3A_305, %add3A_280 : vector<1x128xf32>
      %slice3A_307 = vector.extract_strided_slice %add3A_302 {offsets = [0, 0], sizes = [1, 128], strides = [1, 1]} : vector<1x384xf32> to vector<1x128xf32>
      %mul3A_308 = arith.mulf %slice3A_307, %tanh3A_304 : vector<1x128xf32>
      %add3A_309 = arith.addf %mul3A_306, %mul3A_308 : vector<1x128xf32>
      %slice3A_310 = vector.extract_strided_slice %add3A_302 {offsets = [0, 256], sizes = [1, 128], strides = [1, 1]} : vector<1x384xf32> to vector<1x128xf32>
      %tanh3A_311 = math.tanh %add3A_309 : vector<1x128xf32>
      %mul3A_312 = arith.mulf %slice3A_310, %tanh3A_311 : vector<1x128xf32>
      %get3A_313 = arith.constant 0 : index
      %get3A_314 = arith.constant 0 : index
      %get3A_315 = vector.load %arg2[%get3A_313, %get3A_314] : memref<128x512xf32, #tpu.memory_space<vmem>>, vector<128x512xf32>
      %reshape3A_316 = vector.shape_cast %mul3A_312 : vector<1x128xf32> to vector<128x1xf32>
      %mul3A_317 = vector.broadcast %reshape3A_316 : vector<128x1xf32> to vector<128x512xf32>
      %mul3A_318 = arith.mulf %get3A_315, %mul3A_317 : vector<128x512xf32>
      %reduce_sum3A_319 = arith.constant dense<0.000000e+00> : vector<512xf32>
      %reduce_sum3A_320 = vector.multi_reduction <add>, %mul3A_318, %reduce_sum3A_319 [0] : vector<128x512xf32> to vector<512xf32>
      %broadcast_in_dim3A_321 = vector.shape_cast %reduce_sum3A_320 : vector<512xf32> to vector<1x512xf32>
      %slice3A_322 = vector.extract_strided_slice %get3A_28 {offsets = [10, 0], sizes = [1, 512], strides = [1, 1]} : vector<16x512xf32> to vector<1x512xf32>
      %add3A_323 = arith.addf %slice3A_322, %broadcast_in_dim3A_321 : vector<1x512xf32>
      %slice3A_324 = vector.extract_strided_slice %add3A_323 {offsets = [0, 0], sizes = [1, 384], strides = [1, 1]} : vector<1x512xf32> to vector<1x384xf32>
      %tanh3A_325 = math.tanh %slice3A_324 : vector<1x384xf32>
      %mul3A_326 = arith.constant 5.000000e-01 : f32
      %mul3A_327 = vector.broadcast %mul3A_326 : f32 to vector<1x384xf32>
      %mul3A_328 = arith.mulf %tanh3A_325, %mul3A_327 : vector<1x384xf32>
      %add3A_329 = arith.constant 5.000000e-01 : f32
      %add3A_330 = vector.broadcast %add3A_329 : f32 to vector<1x384xf32>
      %add3A_331 = arith.addf %mul3A_328, %add3A_330 : vector<1x384xf32>
      %slice3A_332 = vector.extract_strided_slice %add3A_323 {offsets = [0, 384], sizes = [1, 128], strides = [1, 1]} : vector<1x512xf32> to vector<1x128xf32>
      %tanh3A_333 = math.tanh %slice3A_332 : vector<1x128xf32>
      %slice3A_334 = vector.extract_strided_slice %add3A_331 {offsets = [0, 128], sizes = [1, 128], strides = [1, 1]} : vector<1x384xf32> to vector<1x128xf32>
      %mul3A_335 = arith.mulf %slice3A_334, %add3A_309 : vector<1x128xf32>
      %slice3A_336 = vector.extract_strided_slice %add3A_331 {offsets = [0, 0], sizes = [1, 128], strides = [1, 1]} : vector<1x384xf32> to vector<1x128xf32>
      %mul3A_337 = arith.mulf %slice3A_336, %tanh3A_333 : vector<1x128xf32>
      %add3A_338 = arith.addf %mul3A_335, %mul3A_337 : vector<1x128xf32>
      %slice3A_339 = vector.extract_strided_slice %add3A_331 {offsets = [0, 256], sizes = [1, 128], strides = [1, 1]} : vector<1x384xf32> to vector<1x128xf32>
      %tanh3A_340 = math.tanh %add3A_338 : vector<1x128xf32>
      %mul3A_341 = arith.mulf %slice3A_339, %tanh3A_340 : vector<1x128xf32>
      %get3A_342 = arith.constant 0 : index
      %get3A_343 = arith.constant 0 : index
      %get3A_344 = vector.load %arg2[%get3A_342, %get3A_343] : memref<128x512xf32, #tpu.memory_space<vmem>>, vector<128x512xf32>
      %reshape3A_345 = vector.shape_cast %mul3A_341 : vector<1x128xf32> to vector<128x1xf32>
      %mul3A_346 = vector.broadcast %reshape3A_345 : vector<128x1xf32> to vector<128x512xf32>
      %mul3A_347 = arith.mulf %get3A_344, %mul3A_346 : vector<128x512xf32>
      %reduce_sum3A_348 = arith.constant dense<0.000000e+00> : vector<512xf32>
      %reduce_sum3A_349 = vector.multi_reduction <add>, %mul3A_347, %reduce_sum3A_348 [0] : vector<128x512xf32> to vector<512xf32>
      %broadcast_in_dim3A_350 = vector.shape_cast %reduce_sum3A_349 : vector<512xf32> to vector<1x512xf32>
      %slice3A_351 = vector.extract_strided_slice %get3A_28 {offsets = [11, 0], sizes = [1, 512], strides = [1, 1]} : vector<16x512xf32> to vector<1x512xf32>
      %add3A_352 = arith.addf %slice3A_351, %broadcast_in_dim3A_350 : vector<1x512xf32>
      %slice3A_353 = vector.extract_strided_slice %add3A_352 {offsets = [0, 0], sizes = [1, 384], strides = [1, 1]} : vector<1x512xf32> to vector<1x384xf32>
      %tanh3A_354 = math.tanh %slice3A_353 : vector<1x384xf32>
      %mul3A_355 = arith.constant 5.000000e-01 : f32
      %mul3A_356 = vector.broadcast %mul3A_355 : f32 to vector<1x384xf32>
      %mul3A_357 = arith.mulf %tanh3A_354, %mul3A_356 : vector<1x384xf32>
      %add3A_358 = arith.constant 5.000000e-01 : f32
      %add3A_359 = vector.broadcast %add3A_358 : f32 to vector<1x384xf32>
      %add3A_360 = arith.addf %mul3A_357, %add3A_359 : vector<1x384xf32>
      %slice3A_361 = vector.extract_strided_slice %add3A_352 {offsets = [0, 384], sizes = [1, 128], strides = [1, 1]} : vector<1x512xf32> to vector<1x128xf32>
      %tanh3A_362 = math.tanh %slice3A_361 : vector<1x128xf32>
      %slice3A_363 = vector.extract_strided_slice %add3A_360 {offsets = [0, 128], sizes = [1, 128], strides = [1, 1]} : vector<1x384xf32> to vector<1x128xf32>
      %mul3A_364 = arith.mulf %slice3A_363, %add3A_338 : vector<1x128xf32>
      %slice3A_365 = vector.extract_strided_slice %add3A_360 {offsets = [0, 0], sizes = [1, 128], strides = [1, 1]} : vector<1x384xf32> to vector<1x128xf32>
      %mul3A_366 = arith.mulf %slice3A_365, %tanh3A_362 : vector<1x128xf32>
      %add3A_367 = arith.addf %mul3A_364, %mul3A_366 : vector<1x128xf32>
      %slice3A_368 = vector.extract_strided_slice %add3A_360 {offsets = [0, 256], sizes = [1, 128], strides = [1, 1]} : vector<1x384xf32> to vector<1x128xf32>
      %tanh3A_369 = math.tanh %add3A_367 : vector<1x128xf32>
      %mul3A_370 = arith.mulf %slice3A_368, %tanh3A_369 : vector<1x128xf32>
      %get3A_371 = arith.constant 0 : index
      %get3A_372 = arith.constant 0 : index
      %get3A_373 = vector.load %arg2[%get3A_371, %get3A_372] : memref<128x512xf32, #tpu.memory_space<vmem>>, vector<128x512xf32>
      %reshape3A_374 = vector.shape_cast %mul3A_370 : vector<1x128xf32> to vector<128x1xf32>
      %mul3A_375 = vector.broadcast %reshape3A_374 : vector<128x1xf32> to vector<128x512xf32>
      %mul3A_376 = arith.mulf %get3A_373, %mul3A_375 : vector<128x512xf32>
      %reduce_sum3A_377 = arith.constant dense<0.000000e+00> : vector<512xf32>
      %reduce_sum3A_378 = vector.multi_reduction <add>, %mul3A_376, %reduce_sum3A_377 [0] : vector<128x512xf32> to vector<512xf32>
      %broadcast_in_dim3A_379 = vector.shape_cast %reduce_sum3A_378 : vector<512xf32> to vector<1x512xf32>
      %slice3A_380 = vector.extract_strided_slice %get3A_28 {offsets = [12, 0], sizes = [1, 512], strides = [1, 1]} : vector<16x512xf32> to vector<1x512xf32>
      %add3A_381 = arith.addf %slice3A_380, %broadcast_in_dim3A_379 : vector<1x512xf32>
      %slice3A_382 = vector.extract_strided_slice %add3A_381 {offsets = [0, 0], sizes = [1, 384], strides = [1, 1]} : vector<1x512xf32> to vector<1x384xf32>
      %tanh3A_383 = math.tanh %slice3A_382 : vector<1x384xf32>
      %mul3A_384 = arith.constant 5.000000e-01 : f32
      %mul3A_385 = vector.broadcast %mul3A_384 : f32 to vector<1x384xf32>
      %mul3A_386 = arith.mulf %tanh3A_383, %mul3A_385 : vector<1x384xf32>
      %add3A_387 = arith.constant 5.000000e-01 : f32
      %add3A_388 = vector.broadcast %add3A_387 : f32 to vector<1x384xf32>
      %add3A_389 = arith.addf %mul3A_386, %add3A_388 : vector<1x384xf32>
      %slice3A_390 = vector.extract_strided_slice %add3A_381 {offsets = [0, 384], sizes = [1, 128], strides = [1, 1]} : vector<1x512xf32> to vector<1x128xf32>
      %tanh3A_391 = math.tanh %slice3A_390 : vector<1x128xf32>
      %slice3A_392 = vector.extract_strided_slice %add3A_389 {offsets = [0, 128], sizes = [1, 128], strides = [1, 1]} : vector<1x384xf32> to vector<1x128xf32>
      %mul3A_393 = arith.mulf %slice3A_392, %add3A_367 : vector<1x128xf32>
      %slice3A_394 = vector.extract_strided_slice %add3A_389 {offsets = [0, 0], sizes = [1, 128], strides = [1, 1]} : vector<1x384xf32> to vector<1x128xf32>
      %mul3A_395 = arith.mulf %slice3A_394, %tanh3A_391 : vector<1x128xf32>
      %add3A_396 = arith.addf %mul3A_393, %mul3A_395 : vector<1x128xf32>
      %slice3A_397 = vector.extract_strided_slice %add3A_389 {offsets = [0, 256], sizes = [1, 128], strides = [1, 1]} : vector<1x384xf32> to vector<1x128xf32>
      %tanh3A_398 = math.tanh %add3A_396 : vector<1x128xf32>
      %mul3A_399 = arith.mulf %slice3A_397, %tanh3A_398 : vector<1x128xf32>
      %get3A_400 = arith.constant 0 : index
      %get3A_401 = arith.constant 0 : index
      %get3A_402 = vector.load %arg2[%get3A_400, %get3A_401] : memref<128x512xf32, #tpu.memory_space<vmem>>, vector<128x512xf32>
      %reshape3A_403 = vector.shape_cast %mul3A_399 : vector<1x128xf32> to vector<128x1xf32>
      %mul3A_404 = vector.broadcast %reshape3A_403 : vector<128x1xf32> to vector<128x512xf32>
      %mul3A_405 = arith.mulf %get3A_402, %mul3A_404 : vector<128x512xf32>
      %reduce_sum3A_406 = arith.constant dense<0.000000e+00> : vector<512xf32>
      %reduce_sum3A_407 = vector.multi_reduction <add>, %mul3A_405, %reduce_sum3A_406 [0] : vector<128x512xf32> to vector<512xf32>
      %broadcast_in_dim3A_408 = vector.shape_cast %reduce_sum3A_407 : vector<512xf32> to vector<1x512xf32>
      %slice3A_409 = vector.extract_strided_slice %get3A_28 {offsets = [13, 0], sizes = [1, 512], strides = [1, 1]} : vector<16x512xf32> to vector<1x512xf32>
      %add3A_410 = arith.addf %slice3A_409, %broadcast_in_dim3A_408 : vector<1x512xf32>
      %slice3A_411 = vector.extract_strided_slice %add3A_410 {offsets = [0, 0], sizes = [1, 384], strides = [1, 1]} : vector<1x512xf32> to vector<1x384xf32>
      %tanh3A_412 = math.tanh %slice3A_411 : vector<1x384xf32>
      %mul3A_413 = arith.constant 5.000000e-01 : f32
      %mul3A_414 = vector.broadcast %mul3A_413 : f32 to vector<1x384xf32>
      %mul3A_415 = arith.mulf %tanh3A_412, %mul3A_414 : vector<1x384xf32>
      %add3A_416 = arith.constant 5.000000e-01 : f32
      %add3A_417 = vector.broadcast %add3A_416 : f32 to vector<1x384xf32>
      %add3A_418 = arith.addf %mul3A_415, %add3A_417 : vector<1x384xf32>
      %slice3A_419 = vector.extract_strided_slice %add3A_410 {offsets = [0, 384], sizes = [1, 128], strides = [1, 1]} : vector<1x512xf32> to vector<1x128xf32>
      %tanh3A_420 = math.tanh %slice3A_419 : vector<1x128xf32>
      %slice3A_421 = vector.extract_strided_slice %add3A_418 {offsets = [0, 128], sizes = [1, 128], strides = [1, 1]} : vector<1x384xf32> to vector<1x128xf32>
      %mul3A_422 = arith.mulf %slice3A_421, %add3A_396 : vector<1x128xf32>
      %slice3A_423 = vector.extract_strided_slice %add3A_418 {offsets = [0, 0], sizes = [1, 128], strides = [1, 1]} : vector<1x384xf32> to vector<1x128xf32>
      %mul3A_424 = arith.mulf %slice3A_423, %tanh3A_420 : vector<1x128xf32>
      %add3A_425 = arith.addf %mul3A_422, %mul3A_424 : vector<1x128xf32>
      %slice3A_426 = vector.extract_strided_slice %add3A_418 {offsets = [0, 256], sizes = [1, 128], strides = [1, 1]} : vector<1x384xf32> to vector<1x128xf32>
      %tanh3A_427 = math.tanh %add3A_425 : vector<1x128xf32>
      %mul3A_428 = arith.mulf %slice3A_426, %tanh3A_427 : vector<1x128xf32>
      %get3A_429 = arith.constant 0 : index
      %get3A_430 = arith.constant 0 : index
      %get3A_431 = vector.load %arg2[%get3A_429, %get3A_430] : memref<128x512xf32, #tpu.memory_space<vmem>>, vector<128x512xf32>
      %reshape3A_432 = vector.shape_cast %mul3A_428 : vector<1x128xf32> to vector<128x1xf32>
      %mul3A_433 = vector.broadcast %reshape3A_432 : vector<128x1xf32> to vector<128x512xf32>
      %mul3A_434 = arith.mulf %get3A_431, %mul3A_433 : vector<128x512xf32>
      %reduce_sum3A_435 = arith.constant dense<0.000000e+00> : vector<512xf32>
      %reduce_sum3A_436 = vector.multi_reduction <add>, %mul3A_434, %reduce_sum3A_435 [0] : vector<128x512xf32> to vector<512xf32>
      %broadcast_in_dim3A_437 = vector.shape_cast %reduce_sum3A_436 : vector<512xf32> to vector<1x512xf32>
      %slice3A_438 = vector.extract_strided_slice %get3A_28 {offsets = [14, 0], sizes = [1, 512], strides = [1, 1]} : vector<16x512xf32> to vector<1x512xf32>
      %add3A_439 = arith.addf %slice3A_438, %broadcast_in_dim3A_437 : vector<1x512xf32>
      %slice3A_440 = vector.extract_strided_slice %add3A_439 {offsets = [0, 0], sizes = [1, 384], strides = [1, 1]} : vector<1x512xf32> to vector<1x384xf32>
      %tanh3A_441 = math.tanh %slice3A_440 : vector<1x384xf32>
      %mul3A_442 = arith.constant 5.000000e-01 : f32
      %mul3A_443 = vector.broadcast %mul3A_442 : f32 to vector<1x384xf32>
      %mul3A_444 = arith.mulf %tanh3A_441, %mul3A_443 : vector<1x384xf32>
      %add3A_445 = arith.constant 5.000000e-01 : f32
      %add3A_446 = vector.broadcast %add3A_445 : f32 to vector<1x384xf32>
      %add3A_447 = arith.addf %mul3A_444, %add3A_446 : vector<1x384xf32>
      %slice3A_448 = vector.extract_strided_slice %add3A_439 {offsets = [0, 384], sizes = [1, 128], strides = [1, 1]} : vector<1x512xf32> to vector<1x128xf32>
      %tanh3A_449 = math.tanh %slice3A_448 : vector<1x128xf32>
      %slice3A_450 = vector.extract_strided_slice %add3A_447 {offsets = [0, 128], sizes = [1, 128], strides = [1, 1]} : vector<1x384xf32> to vector<1x128xf32>
      %mul3A_451 = arith.mulf %slice3A_450, %add3A_425 : vector<1x128xf32>
      %slice3A_452 = vector.extract_strided_slice %add3A_447 {offsets = [0, 0], sizes = [1, 128], strides = [1, 1]} : vector<1x384xf32> to vector<1x128xf32>
      %mul3A_453 = arith.mulf %slice3A_452, %tanh3A_449 : vector<1x128xf32>
      %add3A_454 = arith.addf %mul3A_451, %mul3A_453 : vector<1x128xf32>
      %slice3A_455 = vector.extract_strided_slice %add3A_447 {offsets = [0, 256], sizes = [1, 128], strides = [1, 1]} : vector<1x384xf32> to vector<1x128xf32>
      %tanh3A_456 = math.tanh %add3A_454 : vector<1x128xf32>
      %mul3A_457 = arith.mulf %slice3A_455, %tanh3A_456 : vector<1x128xf32>
      %get3A_458 = arith.constant 0 : index
      %get3A_459 = arith.constant 0 : index
      %get3A_460 = vector.load %arg2[%get3A_458, %get3A_459] : memref<128x512xf32, #tpu.memory_space<vmem>>, vector<128x512xf32>
      %reshape3A_461 = vector.shape_cast %mul3A_457 : vector<1x128xf32> to vector<128x1xf32>
      %mul3A_462 = vector.broadcast %reshape3A_461 : vector<128x1xf32> to vector<128x512xf32>
      %mul3A_463 = arith.mulf %get3A_460, %mul3A_462 : vector<128x512xf32>
      %reduce_sum3A_464 = arith.constant dense<0.000000e+00> : vector<512xf32>
      %reduce_sum3A_465 = vector.multi_reduction <add>, %mul3A_463, %reduce_sum3A_464 [0] : vector<128x512xf32> to vector<512xf32>
      %broadcast_in_dim3A_466 = vector.shape_cast %reduce_sum3A_465 : vector<512xf32> to vector<1x512xf32>
      %slice3A_467 = vector.extract_strided_slice %get3A_28 {offsets = [15, 0], sizes = [1, 512], strides = [1, 1]} : vector<16x512xf32> to vector<1x512xf32>
      %add3A_468 = arith.addf %slice3A_467, %broadcast_in_dim3A_466 : vector<1x512xf32>
      %slice3A_469 = vector.extract_strided_slice %add3A_468 {offsets = [0, 0], sizes = [1, 384], strides = [1, 1]} : vector<1x512xf32> to vector<1x384xf32>
      %tanh3A_470 = math.tanh %slice3A_469 : vector<1x384xf32>
      %mul3A_471 = arith.constant 5.000000e-01 : f32
      %mul3A_472 = vector.broadcast %mul3A_471 : f32 to vector<1x384xf32>
      %mul3A_473 = arith.mulf %tanh3A_470, %mul3A_472 : vector<1x384xf32>
      %add3A_474 = arith.constant 5.000000e-01 : f32
      %add3A_475 = vector.broadcast %add3A_474 : f32 to vector<1x384xf32>
      %add3A_476 = arith.addf %mul3A_473, %add3A_475 : vector<1x384xf32>
      %slice3A_477 = vector.extract_strided_slice %add3A_468 {offsets = [0, 384], sizes = [1, 128], strides = [1, 1]} : vector<1x512xf32> to vector<1x128xf32>
      %tanh3A_478 = math.tanh %slice3A_477 : vector<1x128xf32>
      %slice3A_479 = vector.extract_strided_slice %add3A_476 {offsets = [0, 128], sizes = [1, 128], strides = [1, 1]} : vector<1x384xf32> to vector<1x128xf32>
      %mul3A_480 = arith.mulf %slice3A_479, %add3A_454 : vector<1x128xf32>
      %slice3A_481 = vector.extract_strided_slice %add3A_476 {offsets = [0, 0], sizes = [1, 128], strides = [1, 1]} : vector<1x384xf32> to vector<1x128xf32>
      %mul3A_482 = arith.mulf %slice3A_481, %tanh3A_478 : vector<1x128xf32>
      %add3A_483 = arith.addf %mul3A_480, %mul3A_482 : vector<1x128xf32>
      %slice3A_484 = vector.extract_strided_slice %add3A_476 {offsets = [0, 256], sizes = [1, 128], strides = [1, 1]} : vector<1x384xf32> to vector<1x128xf32>
      %tanh3A_485 = math.tanh %add3A_483 : vector<1x128xf32>
      %mul3A_486 = arith.mulf %slice3A_484, %tanh3A_485 : vector<1x128xf32>
      scf.yield %mul3A_486, %add3A_483 : vector<1x128xf32>, vector<1x128xf32>
    }
    %scan3A_11 = arith.constant 125 : i32
    %swap3A = arith.constant 0 : index
    %swap3A_12 = arith.constant 0 : index
    %swap3A_13 = vector.load %arg6[%swap3A, %swap3A_12] : memref<1x128xf32, #tpu.memory_space<vmem>>, vector<1x128xf32>
    tpu.vector_store %arg6[%swap3A, %swap3A_12], %scan3A_10#0 {strides = array<i32>} : memref<1x128xf32, #tpu.memory_space<vmem>>, vector<1x128xf32>,
    %swap3A_14 = arith.constant 0 : index
    %swap3A_15 = arith.constant 0 : index
    %swap3A_16 = vector.load %arg7[%swap3A_14, %swap3A_15] : memref<1x128xf32, #tpu.memory_space<vmem>>, vector<1x128xf32>
    tpu.vector_store %arg7[%swap3A_14, %swap3A_15], %scan3A_10#1 {strides = array<i32>} : memref<1x128xf32, #tpu.memory_space<vmem>>, vector<1x128xf32>,
    %eq3A_17 = arith.constant 4 : i32
    %eq3A_18 = arith.cmpi eq, %arg0, %eq3A_17 : i32
    %convert_element_type3A_19 = arith.extui %eq3A_18 : i1 to i32
    %cond3A_20 = arith.constant 0 : i32
    %cond3A_21 = arith.cmpi ne, %convert_element_type3A_19, %cond3A_20 : i32
    scf.if %cond3A_21 {
      %get3A_22 = arith.constant 0 : index
      %get3A_23 = arith.constant 0 : index
      %get3A_24 = vector.load %arg3[%get3A_22, %get3A_23] : memref<128x64xf32, #tpu.memory_space<vmem>>, vector<128x64xf32>
      %dot_general3A = arith.constant dense<0.000000e+00> : vector<1x64xf32>
      %dot_general3A_25 = tpu.matmul %scan3A_10#0, %get3A_24, %dot_general3A {dimension_numbers = #tpu.dot_dimension_numbers<[1], [0], [0], [1], [0, 0, 1, 1], [], []>, transpose_lhs_hint = false} : vector<1x128xf32>, vector<128x64xf32>, vector<1x64xf32> -> vector<1x64xf32>
      %get3A_26 = arith.constant 0 : index
      %get3A_27 = arith.constant 0 : index
      %get3A_28 = vector.load %arg4[%get3A_26, %get3A_27] : memref<1x64xf32, #tpu.memory_space<vmem>>, vector<1x64xf32>
      %add3A = arith.addf %dot_general3A_25, %get3A_28 : vector<1x64xf32>
      %swap3A_29 = arith.constant 0 : index
      %swap3A_30 = arith.constant 0 : index
      %swap3A_31 = vector.load %arg5[%swap3A_29, %swap3A_30] : memref<1x64xf32, #tpu.memory_space<vmem>>, vector<1x64xf32>
      tpu.vector_store %arg5[%swap3A_29, %swap3A_30], %add3A {strides = array<i32>} : memref<1x64xf32, #tpu.memory_space<vmem>>, vector<1x64xf32>,
    } else {
    }
    return
  }
  func.func @transform_0(%arg0: i32) -> (i32, i32) {
    %c0_i32 = arith.constant 0 : i32
    %c0_i32_0 = arith.constant 0 : i32
    return %arg0, %c0_i32 : i32, i32
  }
  func.func @transform_1(%arg0: i32) -> (i32, i32) {
    %c0_i32 = arith.constant 0 : i32
    %c0_i32_0 = arith.constant 0 : i32
    %c0_i32_1 = arith.constant 0 : i32
    return %c0_i32, %c0_i32_0 : i32, i32
  }
  func.func @transform_2(%arg0: i32) -> (i32, i32) {
    %c0_i32 = arith.constant 0 : i32
    %c0_i32_0 = arith.constant 0 : i32
    %c0_i32_1 = arith.constant 0 : i32
    return %c0_i32, %c0_i32_0 : i32, i32
  }
  func.func @transform_3(%arg0: i32) -> (i32, i32) {
    %c0_i32 = arith.constant 0 : i32
    %c0_i32_0 = arith.constant 0 : i32
    %c0_i32_1 = arith.constant 0 : i32
    return %c0_i32, %c0_i32_0 : i32, i32
  }
  func.func @transform_4(%arg0: i32) -> (i32, i32) {
    %c0_i32 = arith.constant 0 : i32
    %c0_i32_0 = arith.constant 0 : i32
    %c0_i32_1 = arith.constant 0 : i32
    return %c0_i32, %c0_i32_0 : i32, i32
  }
}

</mosaic_0001>

<sc_bundles>
// kernel: kernel.11.cloned.1.call-start
scs
__scs_entry_jumppad:
0x0: {  	(pc) =	sbr.rel $0x88, $3  }
0x1: {  	(tag) =	ssettag $0x0;
	lr =	simm.s32 $0x1  }
0x2: {  	[smem:$0x3F95] =	sst lr;
	_ =	strace $0xD0000000  }
0x3: {  	_ = 	snop  }
0x4: {  	_ = 	snop  }
0x5: {  	_ = 	snop  }
0x6: {  	_ = 	snop  }
0x7: {  	_ = 	snop  }
__scs_overlays_trampoline_lowered:
0x8: {  	[smem:$0x3FA4] =	sst s0  }
0x9: {  	[smem:$0x3FA5] =	sst s1  }
0xa: {  	[smem:$0x3FA6] =	sst s2  }
0xb: {  	[smem:$0x3FA7] =	sst s3  }
0xc: {  	[smem:$0x3FA8] =	sst s4  }
0xd: {  	[smem:$0x3FA9] =	sst s5  }
0xe: {  	[smem:$0x3FAA] =	sst s6  }
0xf: {  	[smem:$0x3FAB] =	sst s7  }
0x10: {  	[smem:$0x3FAC] =	sst s8  }
0x11: {  	[smem:$0x3FAD] =	sst s9;
	s0 =	simm.s32 @!p0 $0x0  }
0x12: {  	s1 =	sld [smem:$0x3F93];
	s0 =	simm.s32 @p0 $0x1  }
0x13: {  	[smem:$0x3FAE] =	sst s0;
	s0 =	simm.s32 @!p1 $0x0  }
0x14: {  	s2 =	sld [smem:$0x3F92];
	s0 =	simm.s32 @p1 $0x1  }
0x15: {  	[smem:$0x3FAF] =	sst s0;
	s0 =	simm.s32 @!p2 $0x0  }
0x16: {  	s3 =	sld [smem:$0x3FDB];
	s0 =	simm.s32 @p2 $0x1  }
0x17: {  	s4 =	simm.s32 $0x1BF5;
	[smem:$0x3FB1] =	sst s0  }
0x18: {  	s0 =	sld [smem:$0x3F94];
	_ =	swait.ge [sflag:s4], $0x0  }
0x19: {  	s7 =	sld [smem:$0x3F95]  }
0x1a: {  	s8 =	sadd.s32 $0xFFFFE003, lr  }
0x1b: {  	s9 =	sadd.s32 $0xFFFFFEF7, lr;
	s5 =	simm.s32 $0xFFFFFFFF;
	p2 =	slt.u32 s8, $0xFFFFF086  }
0x1c: {  	p1 =	slt.u32 s9, $0xF7A;
	s5 =	simm.s32 @!p2 $0x0  }
0x1d: {  	s5 =	simm.s32 @p1 $0x1;
	p0 =	seq.s32 s7, s2  }
0x1e: {  	s7 =	smul.u32 @!p0 $0xF7A, s2;
	p2 =	seq.s32 @!p0 s5, $0x0  }
0x1f: {  	s9 =	smul.u32 $0xF7A, s1;
	s8 =	simm.s32 @!p0 $0x1BF5;
	p2 =	por !p2, p0  }
0x20: {  	[sflag:s8] =	ssyncset.s32 @!p0 $0xFFFFF086;
	s6 =	sadd.s32 @!p0 s3, s7;
	s7 =	simm.s32 @!p0 $0x108  }
0x21: {  	s3 =	sadd.s32 s3, s9;
	s6 =	sadd.s32 @!p0 $0x88, s6;
	s7 =	simm.s32 @p2 $0x1082  }
0x22: {  	[simem:s7], [sflag:s8] =	dma.local @!p0 [hbm:s6], $0xF7A  }
0x23: {  	s9 =	sor.u32 $0xD0000000, s2;
	s6 =	simm.s32 $0x108;
	_ =	swait.ge @!p0 [sflag:s8], $0x0  }
0x24: {  	s3 =	sadd.s32 $0x88, s3;
	s6 =	simm.s32 @!p1 $0x1082;
	[sflag:s4] =	ssyncset.s32 $0xFFFFF086  }
0x25: {  	[simem:s6], [sflag:s4] =	dma.local [hbm:s3], $0xF7A  }
0x26: {  	[smem:$0x3F95] =	sst s1;
	(tag) =	ssettag s2;
	_ =	strace s9  }
0x27: {  	s1 =	sld [smem:$0x3FA5]  }
0x28: {  	s2 =	sld [smem:$0x3FA6]  }
0x29: {  	s4 =	sld [smem:$0x3FA8]  }
0x2a: {  	p0 =	seq.s32 s5, $0x0;
	s5 =	sld [smem:$0x3FA9]  }
0x2b: {  	s6 =	sld [smem:$0x3FAA]  }
0x2c: {  	s7 =	sld [smem:$0x3FAB]  }
0x2d: {  	s3 =	simm.s32 $0x108;
	s8 =	sld [smem:$0x3FAC]  }
0x2e: {  	s3 =	simm.s32 @!p0 $0x1082;
	s9 =	sld [smem:$0x3FAD]  }
0x2f: {  	lr =	sadd.s32 s0, s3;
	s0 =	sld [smem:$0x3FA4]  }
0x30: {  	s3 =	sld [smem:$0x3FA7]  }
0x31: {  	[smem:$0x3FB0] =	sst s10  }
0x32: {  	s10 =	sld [smem:$0x3FAE];
	_ =	sdelay $0x3  }
0x33: {  	p0 =	seq.s32 s10, $0x1;
	s10 =	sld [smem:$0x3FB0];
	_ =	sdelay $0x3  }
0x34: {  	[smem:$0x3FB0] =	sst s10  }
0x35: {  	s10 =	sld [smem:$0x3FAF];
	_ =	sdelay $0x3  }
0x36: {  	p1 =	seq.s32 s10, $0x1;
	s10 =	sld [smem:$0x3FB0];
	_ =	sdelay $0x3  }
0x37: {  	[smem:$0x3FB0] =	sst s10  }
0x38: {  	s10 =	sld [smem:$0x3FB1]  }
0x39: {  	_ = 	snop;
	(pc) =	sbr.ind lr, $3  }
0x3a: {  	_ = 	snop  }
0x3b: {  	_ = 	snop  }
0x3c: {  	p2 =	seq.s32 s10, $0x1;
	s10 =	sld [smem:$0x3FB0]  }
0x3d: {  	_ =	shalt  }
0x3e: {  	_ =	shalt  }
0x3f: {  	_ =	shalt  }
0x40: {  	_ =	shalt  }
0x41: {  	_ =	shalt  }
0x42: {  	_ =	shalt  }
0x43: {  	_ =	shalt  }
0x44: {  	_ =	shalt  }
0x45: {  	_ =	shalt  }
0x46: {  	_ =	shalt  }
0x47: {  	_ =	shalt  }
0x48: {  	_ =	shalt  }
0x49: {  	_ =	shalt  }
0x4a: {  	_ =	shalt  }
0x4b: {  	_ =	shalt  }
0x4c: {  	_ =	shalt  }
0x4d: {  	_ =	shalt  }
0x4e: {  	_ =	shalt  }
0x4f: {  	_ =	shalt  }
0x50: {  	_ =	shalt  }
0x51: {  	_ =	shalt  }
0x52: {  	_ =	shalt  }
0x53: {  	_ =	shalt  }
0x54: {  	_ =	shalt  }
0x55: {  	_ =	shalt  }
0x56: {  	_ =	shalt  }
0x57: {  	_ =	shalt  }
0x58: {  	_ =	shalt  }
0x59: {  	_ =	shalt  }
0x5a: {  	_ =	shalt  }
0x5b: {  	_ =	shalt  }
0x5c: {  	_ =	shalt  }
0x5d: {  	_ =	shalt  }
0x5e: {  	_ =	shalt  }
0x5f: {  	_ =	shalt  }
0x60: {  	_ =	shalt  }
0x61: {  	_ =	shalt  }
0x62: {  	_ =	shalt  }
0x63: {  	_ =	shalt  }
0x64: {  	_ =	shalt  }
0x65: {  	_ =	shalt  }
0x66: {  	_ =	shalt  }
0x67: {  	_ =	shalt  }
0x68: {  	_ =	shalt  }
0x69: {  	_ =	shalt  }
0x6a: {  	_ =	shalt  }
0x6b: {  	_ =	shalt  }
0x6c: {  	_ =	shalt  }
0x6d: {  	_ =	shalt  }
0x6e: {  	_ =	shalt  }
0x6f: {  	_ =	shalt  }
0x70: {  	_ =	shalt  }
0x71: {  	_ =	shalt  }
0x72: {  	_ =	shalt  }
0x73: {  	_ =	shalt  }
0x74: {  	_ =	shalt  }
0x75: {  	_ =	shalt  }
0x76: {  	_ =	shalt  }
0x77: {  	_ =	shalt  }
0x78: {  	_ =	shalt  }
0x79: {  	_ =	shalt  }
0x7a: {  	_ =	shalt  }
0x7b: {  	_ =	shalt  }
0x7c: {  	_ =	shalt  }
0x7d: {  	_ =	shalt  }
0x7e: {  	_ =	shalt  }
0x7f: {  	_ =	shalt  }
0x80: {  	_ =	shalt  }
0x81: {  	_ =	shalt  }
0x82: {  	_ =	shalt  }
0x83: {  	_ =	shalt  }
0x84: {  	_ =	shalt  }
0x85: {  	_ =	shalt  }
0x86: {  	_ =	shalt  }
0x87: {  	_ =	shalt  }
.Lfunc_end0:
.L_simem_size_0:
called_computation_lowered:
.L_overlay_start_0:
0x88: {  	s2 =	sld [smem:$0x3FD9]  }
0x89: {  	s3 =	sld [smem:$0x3FFE];
	_ =	sdelay $0x1  }
0x8a: {  	s1 =	srdreg.scid  }
0x8b: {  	s0 =	sand.u32 $0x1, s1  }
0x8c: {  	s16 =	sshll.u32 s0, $0xA;
	s2 =	sadd.s32 s3, s2  }
0x8d: {  	s2 =	sadd.s32 s2, s16  }
0x8e: {  	[smem:$0x3FBC] =	sst s2  }
0x8f: {  	_ = 	snop  }
0x90: {  	(tm) =	ssettm $0x1  }
0x91: {  	s17 =	sld [smem:$0x3FFB];
	_ =	sdelay $0x3  }
0x92: {  	_ =	strace s17  }
0x93: {  	s2 =	sld [smem:$0x3FFC];
	_ =	sdelay $0x3  }
0x94: {  	_ =	strace s2  }
0x95: {  	s2 =	sld [smem:$0x3FFD];
	_ =	sdelay $0x3  }
0x96: {  	_ =	strace s2  }
0x97: {  	_ =	strace $0x8FFFFFFF  }
0x98: {  	s18 =	sld [smem:$0x3FDB];
	_ =	sdelay $0x1  }
0x99: {  	s19 =	simm.s32 $_scs_section_size  }
0x9a: {  	s4 =	simm.s32 $_size__tile_overlayer_lowered;
	s5 =	simm.s32 $_tile_overlayer_lowered  }
0x9b: {  	s22 =	simm.s32 $0x1BFF;
	s21 =	sshll.u32 s5, $0x1;
	s2 =	sadd.s32 s19, s18  }
0x9c: {  	s6 =	simm.s32 $0x0;
	s20 =	sshll.u32 s4, $0x1;
	s4 =	sadd.s32 s21, s2  }
0x9d: {  	[timem:s6], [sflag:s22] =	dma.local [hbm:s4], s20  }
0x9e: {  	_ =	swait.ge [sflag:s22], s20  }
0x9f: {  	s3 =	ssub.s32 $0x0, s20;
	[sflag:s22] =	ssyncset.done $0x0  }
0xa0: {  	[sflag:s22] =	ssyncadd.s32 s3;
	_ =	sdelay $0x1  }
0xa1: {  	s23 =	simm.s32 $0x1B8B  }
0xa2: {  	_ =	swait.ge [sflag:s23], $0x1  }
0xa3: {  	[sflag:s23] =	ssyncset.done $0x0  }
0xa4: {  	s25 =	simm.s32 $0x1B8E;
	s24 =	sld [smem:$0x3FFE];
	[sflag:s23] =	ssyncadd.s32 $0xFFFFFFFF  }
0xa5: {  	s26 =	simm.s32 $execute0_lowered;
	[smem:$0x3FD2] =	sst s25  }
0xa6: {  	s4 =	sshll.u32 s26, $0x1;
	_ =	strace $0x80000046;
	[dreg:$0x1] =	wrdreg $0xFFFFFFFF  }
0xa7: {  	s28 =	simm.s32 $_size_execute0_lowered;
	s2 =	sadd.s32 s2, s4;
	[dreg:$0x0] =	wrdreg $0x0  }
0xa8: {  	s4 =	sshll.u32 s28, $0x1;
	[dreg:$0x2] =	wrdreg s2  }
0xa9: {  	[dreg:$0x3] =	wrdreg s4  }
0xaa: {  	[dreg:$0x4] =	wrdreg $0xC0  }
0xab: {  	_ =	task [dreg:s6], $0x5FFFF  }
0xac: {  	[dreg:$0x1] =	wrdreg $0xFFFFFFFF  }
0xad: {  	[dreg:$0x0] =	wrdreg $0x60  }
0xae: {  	[dreg:$0x2] =	wrdreg s24  }
0xaf: {  	[dreg:$0x3] =	wrdreg $0x52000  }
0xb0: {  	[dreg:$0x4] =	wrdreg $0x9  }
0xb1: {  	_ =	task.clear_ibuf [dreg:s6], $0x5FFFF;
	_ =	strace $0x90000046  }
0xb2: {  	s29 =	simm.s32 $0x9;
	_ =	strace $0x80000048  }
0xb3: {  	_ =	swait.ge [sflag:s29], $0x1  }
0xb4: {  	[sflag:s29] =	ssyncadd.s32 $0xFFFFFFFF  }
0xb5: {  	_ =	strace $0x90000048  }
0xb6: {  	_ =	sfence  }
0xb7: {  	s30 =	sld [smem:$0x0];
	_ =	sdelay $0x2  }
0xb8: {  	s31 =	sshll.u32 s1, $0xD;
	s1 =	sshrl.u32 s1, $0x2  }
0xb9: {  	s3 =	sand.u32 $0x4000, s31;
	s1 =	sadd.s32 s1, s30  }
0xba: {  	s0 =	sor.u32 s3, s0;
	s1 =	sshll.u32 s1, $0x11  }
0xbb: {  	s0 =	sor.u32 s1, s0  }
0xbc: {  	s0 =	sadd.s32 $0x8F2B, s0  }
0xbd: {  	[sflag:s0] =	ssyncadd.remote.s32 $0x1  }
0xbe: {  	_ =	sfence.sel $0xFFFF  }
0xbf: {  	[dreg:$0x0] =	wrdreg $0xFFFFFFFF;
	(pc) =	sbr.abs _section_cstart, $3  }
0xc0: {  	[dreg:$0x1] =	wrdreg $0xFFFFFFFF  }
0xc1: {  	_ =	task.clear_ibuf [dreg:s6], $0x2FFFF;
	_ =	strace $0x9FFFFFFF  }
0xc2: {  	(tm) =	ssettm $0x7FFFFFFF  }
0xc3: {  	_ =	shalt  }
tec
execute0_lowered:
.L_overlay_start_1:
0x0: {  	(tag) =	ssettag $0x1  }
0x1: {  	s0 =	rddreg [dreg:$0x0]  }
0x2: {  	s1 =	rddreg [dreg:$0x1];
	s2 =	simm.s32 $0x0;
	s3 =	srdreg.scid  }
0x3: {  	s13 =	stileid.u32;
	s28 =	simm.s32 $0x100;
	s29 =	simm.s32 $0x180  }
0x4: {  	s30 =	simm.s32 $0x1;
	s31 =	simm.s32 $0x50;
	[smem:$0x7FF] =	sst s2  }
0x5: {  	s4 =	sadd.s32 $0xC600, s0;
	s5 =	sadd.s32 $0x2800, s0;
	s6 =	sadd.s32 $0x17000, s0  }
0x6: {  	s7 =	sadd.s32 $0x16400, s0;
	s3 =	sand.u32 $0x1, s3;
	s9 =	smul.u32 $0x4E000, s13  }
0x7: {  	s18 =	sshll.u32 s13, $0x1;
	s10 =	sadd.s32 $0x16A00, s0;
	s23 =	smul.u32 $0x13800, s13  }
0x8: {  	s0 =	sadd.s32 $0x19800, s0;
	s21 =	sadd.s32 $0x138000, s1;
	s12 =	smul.u32 $0x4E20, s13  }
0x9: {  	p0 =	sne.s32 s13, $0xF;
	_ =	strace $0x80000047;
	[dreg:$0x3] =	wrdreg s7  }
0xa: {  	s8 =	ssub.s32 $0x2, s3;
	[dreg:$0x4] =	wrdreg s10;
	s20 =	smul.u32 $0x138800, s3  }
0xb: {  	s7 =	sor.u32 s3, s18;
	[dreg:$0x6] =	wrdreg s21;
	s3 =	smul.u32 $0x2710, s3  }
0xc: {  	s19 =	sshrl.u32 s8, $0x1;
	s7 =	smul.u32 $0x2710, s7;
	s9 =	sshrl.u32 s9, $0x2  }
0xd: {  	s8 =	ssub.s32 s8, s19;
	s9 =	sadd.s32 s9, s1;
	s10 =	sadd.s32 s23, s20  }
0xe: {  	s3 =	sadd.s32 s3, s12;
	s23 =	simm.s32 $0x200;
	[dreg:$0x5] =	wrdreg s9  }
0xf: {  	s7 =	sshrl.u32 s7, $0x3;
	s10 =	sshrl.u32 s10, $0x3;
	s9 =	sshrl.u32 s20, $0x3  }
0x10: {  	s26 =	sadd.s32 $0x50, s3;
	s17 =	smax.u32 s8, $0x1;
	s20 =	sadd.s32 $0xA0, s3  }
0x11: {  	s3 =	simm.s32 $0x0;
	s22 =	sadd.s32 s4, s7;
	s11 =	sadd.s32 s5, s7  }
0x12: {  	s24 =	sadd.s32 $0x4D8, s7;
	s10 =	sadd.s32 s0, s10;
	s0 =	sadd.s32 s0, s9  }
0x13: {  	s25 =	sadd.s32 $0x4CE, s7;
	s7 =	sshrl.u32 s26, $0x3;
	[dreg:$0x7] =	wrdreg s22  }
0x14: {  	s26 =	simm.s32 $0x80;
	[dreg:$0x8] =	wrdreg s11;
	s14 =	sadd.s32 s4, s24  }
0x15: {  	s11 =	sadd.s32 s5, s24;
	[dreg:$0xb] =	wrdreg s10;
	s16 =	sadd.s32 $0x27000, s0  }
0x16: {  	s18 =	sadd.s32 s4, s25;
	s19 =	sadd.s32 s5, s25;
	s21 =	sadd.s32 s7, s5  }
0x17: {  	s22 =	sadd.s32 s7, s4;
	s24 =	simm.s32 $0x3;
	[dreg:$0x9] =	wrdreg s14  }
0x18: {  	s25 =	simm.s32 $0x2A00;
	s0 =	simm.s32 $0x2;
	[dreg:$0xa] =	wrdreg s11  }
.LBB2_1:
0x19: {  	s7 =	rddreg [dreg:$0x3]  }
0x1a: {  	[tilespmem:s23], [sflag:$0x3] =	stream.linear.gather [hbm4b:s7+s2], $0x2800, $0x38;
	[tilespmem:$0x18A80] =	vst v63  }
0x1b: {  	_ =	swait.ge [sflag:s24], $0x2800  }
0x1c: {  	[sflag:s24] =	ssyncset.done $0x0  }
0x1d: {  	s9 =	rddreg [dreg:$0x4];
	[sflag:s24] =	ssyncadd.s32 $0xFFFFD800  }
0x1e: {  	[tilespmem:s25], [sflag:$0x3] =	stream.linear.gather [hbm4b:s9+s2], $0x2800, $0x38;
	[tilespmem:$0x18A80] =	vst v63  }
0x1f: {  	s10 =	stileid.u32;
	_ =	swait.ge [sflag:s24], $0x2800  }
0x20: {  	s7 =	sshll.u32 s10, $0x6;
	[sflag:s24] =	ssyncset.done $0x0;
	s8 =	rddreg [dreg:$0x5]  }
0x21: {  	s7 =	sor.u32 $0x1C03, s7;
	[sflag:s24] =	ssyncadd.s32 $0xFFFFD800;
	s8 =	sshrl.u32 s8, $0x3  }
0x22: {  	[spmem:s8], [sflag:s7] =	dma.local [hbm:s6], $0x2700  }
0x23: {  	_ =	swait.ge [sflag:s24], $0x2700  }
0x24: {  	[sflag:s24] =	ssyncset.done $0x0;
	s9 =	rddreg [dreg:$0x6]  }
0x25: {  	s10 =	simm.s32 @!p0 $0x3;
	[sflag:s24] =	ssyncadd.s32 $0xFFFFD900;
	s9 =	sshrl.u32 @!p0 s9, $0x3  }
0x26: {  	[spmem:s9], [sflag:s7] =	dma.local @!p0 [hbm:s6], $0x100  }
0x27: {  	_ =	swait.ge @!p0 [sflag:s10], $0x100  }
0x28: {  	[sflag:s10] =	ssyncset.done @!p0 $0x0  }
0x29: {  	[sflag:s10] =	ssyncadd.s32 @!p0 $0xFFFFFF00  }
0x2a: {  	[bflag:$0x0] =	sbarrier.arrive $0xFFFF  }
0x2b: {  	s11 =	rddreg [dreg:$0x7]  }
0x2c: {  	[tilespmem:s2], [sflag:$0x1] =	stream.linear.gather [hbm4b:s11+s2], $0x50, $0x38;
	[tilespmem:$0x18A80] =	vst v63  }
0x2d: {  	s12 =	rddreg [dreg:$0x8]  }
0x2e: {  	[tilespmem:s26], [sflag:$0x1] =	stream.linear.gather [hbm4b:s12+s2], $0x50, $0x38;
	[tilespmem:$0x18A80] =	vst v63  }
0x2f: {  	s13 =	sadd.s32 $0x0, s22  }
0x30: {  	[tilespmem:s28], [sflag:$0x2] =	stream.linear.gather [hbm4b:s13+s2], $0x50, $0x38;
	[tilespmem:$0x18A80] =	vst v63  }
0x31: {  	s14 =	sadd.s32 $0x0, s21  }
0x32: {  	[tilespmem:s29], [sflag:$0x2] =	stream.linear.gather [hbm4b:s14+s2], $0x50, $0x38;
	[tilespmem:$0x18A80] =	vst v63  }
0x33: {  	_ =	swait.ge [sflag:s30], $0x50  }
0x34: {  	[sflag:s30] =	ssyncset.done $0x0  }
0x35: {  	[sflag:s30] =	ssyncadd.s32 $0xFFFFFFB0  }
0x36: {  	_ =	swait.ge [sflag:s30], $0x50  }
0x37: {  	[sflag:s30] =	ssyncset.done $0x0  }
0x38: {  	[sflag:s30] =	ssyncadd.s32 $0xFFFFFFB0  }
0x39: {  	[spmem:s1] =	stream.indirect.scatter.add.f32 [tilespmem:s23], [sflag:$0x3], $0x80, s2, s31, $0xb8;
	[tilespmem:$0x18A80] =	vst v63  }
0x3a: {  	_ =	swait.ge [sflag:s24], $0x2800  }
0x3b: {  	[sflag:s24] =	ssyncset.done $0x0  }
0x3c: {  	[sflag:s24] =	ssyncadd.s32 $0xFFFFD800  }
0x3d: {  	[spmem:s1] =	stream.indirect.scatter.add.f32 [tilespmem:s25], [sflag:$0x3], $0x80, s26, s31, $0xb8;
	[tilespmem:$0x18A80] =	vst v63  }
0x3e: {  	_ =	swait.ge [sflag:s24], $0x2800  }
0x3f: {  	s15 =	sshrl.u32 s20, $0x3;
	[sflag:s24] =	ssyncset.done $0x0  }
0x40: {  	s11 =	sadd.s32 s4, s15;
	[sflag:s24] =	ssyncadd.s32 $0xFFFFD800  }
0x41: {  	[tilespmem:s2], [sflag:$0x1] =	stream.linear.gather [hbm4b:s11+s2], $0x50, $0x38;
	[tilespmem:$0x18A80] =	vst v63  }
0x42: {  	s10 =	sadd.s32 s5, s15  }
0x43: {  	[tilespmem:s26], [sflag:$0x1] =	stream.linear.gather [hbm4b:s10+s2], $0x50, $0x38;
	[tilespmem:$0x18A80] =	vst v63  }
0x44: {  	_ =	swait.ge [sflag:s0], $0x50  }
0x45: {  	[sflag:s0] =	ssyncset.done $0x0  }
0x46: {  	[sflag:s0] =	ssyncadd.s32 $0xFFFFFFB0  }
0x47: {  	_ =	swait.ge [sflag:s0], $0x50  }
0x48: {  	[sflag:s0] =	ssyncset.done $0x0  }
0x49: {  	[sflag:s0] =	ssyncadd.s32 $0xFFFFFFB0  }
0x4a: {  	[spmem:s1] =	stream.indirect.scatter.add.f32 [tilespmem:s23], [sflag:$0x3], $0x80, s28, s31, $0xb8;
	[tilespmem:$0x18A80] =	vst v63  }
0x4b: {  	_ =	swait.ge [sflag:s24], $0x2800  }
0x4c: {  	[sflag:s24] =	ssyncset.done $0x0  }
0x4d: {  	[sflag:s24] =	ssyncadd.s32 $0xFFFFD800  }
0x4e: {  	[spmem:s1] =	stream.indirect.scatter.add.f32 [tilespmem:s25], [sflag:$0x3], $0x80, s29, s31, $0xb8;
	[tilespmem:$0x18A80] =	vst v63  }
0x4f: {  	s12 =	simm.s32 $0x28;
	_ =	swait.ge [sflag:s24], $0x2800  }
0x50: {  	s11 =	simm.s32 $0x14;
	s10 =	sadd.s32 $0xA0, s20;
	[sflag:s24] =	ssyncset.done $0x0  }
.LBB2_2:
0x51: {  	s14 =	sadd.s32 s11, s22  }
0x52: {  	[sflag:s24] =	ssyncadd.s32 $0xFFFFD800;
	s15 =	smov.u32 s12;
	s13 =	sadd.s32 $0x14, s12  }
0x53: {  	[tilespmem:s28], [sflag:$0x2] =	stream.linear.gather [hbm4b:s14+s2], $0x50, $0x38;
	[tilespmem:$0x18A80] =	vst v63  }
0x54: {  	p1 =	sne.s32 s12, $0x4B0;
	s12 =	sadd.s32 s11, s21;
	s11 =	smov.u32 s15  }
0x55: {  	[tilespmem:s29], [sflag:$0x2] =	stream.linear.gather [hbm4b:s12+s2], $0x50, $0x38;
	[tilespmem:$0x18A80] =	vst v63  }
0x56: {  	_ =	swait.ge [sflag:s30], $0x50  }
0x57: {  	[sflag:s30] =	ssyncset.done $0x0  }
0x58: {  	[sflag:s30] =	ssyncadd.s32 $0xFFFFFFB0  }
0x59: {  	_ =	swait.ge [sflag:s30], $0x50  }
0x5a: {  	[sflag:s30] =	ssyncset.done $0x0  }
0x5b: {  	[sflag:s30] =	ssyncadd.s32 $0xFFFFFFB0  }
0x5c: {  	[spmem:s1] =	stream.indirect.scatter.add.f32 [tilespmem:s23], [sflag:$0x3], $0x80, s2, s31, $0xb8;
	[tilespmem:$0x18A80] =	vst v63  }
0x5d: {  	_ =	swait.ge [sflag:s24], $0x2800  }
0x5e: {  	[sflag:s24] =	ssyncset.done $0x0  }
0x5f: {  	[sflag:s24] =	ssyncadd.s32 $0xFFFFD800  }
0x60: {  	[spmem:s1] =	stream.indirect.scatter.add.f32 [tilespmem:s25], [sflag:$0x3], $0x80, s26, s31, $0xb8;
	[tilespmem:$0x18A80] =	vst v63  }
0x61: {  	_ =	swait.ge [sflag:s24], $0x2800  }
0x62: {  	s12 =	sshrl.u32 s10, $0x3;
	[sflag:s24] =	ssyncset.done $0x0  }
0x63: {  	s14 =	sadd.s32 s4, s12;
	[sflag:s24] =	ssyncadd.s32 $0xFFFFD800  }
0x64: {  	[tilespmem:s2], [sflag:$0x1] =	stream.linear.gather [hbm4b:s14+s2], $0x50, $0x38;
	[tilespmem:$0x18A80] =	vst v63  }
0x65: {  	s12 =	sadd.s32 s5, s12  }
0x66: {  	[tilespmem:s26], [sflag:$0x1] =	stream.linear.gather [hbm4b:s12+s2], $0x50, $0x38;
	[tilespmem:$0x18A80] =	vst v63  }
0x67: {  	_ =	swait.ge [sflag:s0], $0x50  }
0x68: {  	[sflag:s0] =	ssyncset.done $0x0  }
0x69: {  	[sflag:s0] =	ssyncadd.s32 $0xFFFFFFB0  }
0x6a: {  	_ =	swait.ge [sflag:s0], $0x50  }
0x6b: {  	[sflag:s0] =	ssyncset.done $0x0  }
0x6c: {  	[sflag:s0] =	ssyncadd.s32 $0xFFFFFFB0  }
0x6d: {  	[spmem:s1] =	stream.indirect.scatter.add.f32 [tilespmem:s23], [sflag:$0x3], $0x80, s28, s31, $0xb8;
	[tilespmem:$0x18A80] =	vst v63  }
0x6e: {  	_ =	swait.ge [sflag:s24], $0x2800  }
.Ltmp0:
0x6f: {  	[sflag:s24] =	ssyncset.done $0x0;
	(pc) =	sbr.rel @p1 .LBB2_2-.Ltmp0, $4  }
0x70: {  	[sflag:s24] =	ssyncadd.s32 $0xFFFFD800  }
0x71: {  	[spmem:s1] =	stream.indirect.scatter.add.f32 [tilespmem:s25], [sflag:$0x3], $0x80, s29, s31, $0xb8;
	[tilespmem:$0x18A80] =	vst v63  }
0x72: {  	_ =	swait.ge [sflag:s24], $0x2800  }
0x73: {  	s10 =	sadd.s32 $0xA0, s10;
	s12 =	smov.u32 s13;
	[sflag:s24] =	ssyncset.done $0x0  }
0x74: {  	s12 =	sadd.s32 s11, s22;
	[sflag:s24] =	ssyncadd.s32 $0xFFFFD800  }
0x75: {  	[tilespmem:s28], [sflag:$0x2] =	stream.linear.gather [hbm4b:s12+s2], $0x50, $0x38;
	[tilespmem:$0x18A80] =	vst v63  }
0x76: {  	s15 =	sadd.s32 s11, s21  }
0x77: {  	[tilespmem:s29], [sflag:$0x2] =	stream.linear.gather [hbm4b:s15+s2], $0x50, $0x38;
	[tilespmem:$0x18A80] =	vst v63  }
0x78: {  	_ =	swait.ge [sflag:s30], $0x50  }
0x79: {  	[sflag:s30] =	ssyncset.done $0x0  }
0x7a: {  	[sflag:s30] =	ssyncadd.s32 $0xFFFFFFB0  }
0x7b: {  	_ =	swait.ge [sflag:s30], $0x50  }
0x7c: {  	[sflag:s30] =	ssyncset.done $0x0  }
0x7d: {  	[sflag:s30] =	ssyncadd.s32 $0xFFFFFFB0  }
0x7e: {  	[spmem:s1] =	stream.indirect.scatter.add.f32 [tilespmem:s23], [sflag:$0x3], $0x80, s2, s31, $0xb8;
	[tilespmem:$0x18A80] =	vst v63  }
0x7f: {  	_ =	swait.ge [sflag:s24], $0x2800  }
0x80: {  	[sflag:s24] =	ssyncset.done $0x0  }
0x81: {  	[sflag:s24] =	ssyncadd.s32 $0xFFFFD800  }
0x82: {  	[spmem:s1] =	stream.indirect.scatter.add.f32 [tilespmem:s25], [sflag:$0x3], $0x80, s26, s31, $0xb8;
	[tilespmem:$0x18A80] =	vst v63  }
0x83: {  	_ =	swait.ge [sflag:s24], $0x2800  }
0x84: {  	s10 =	sshrl.u32 s10, $0x3;
	[sflag:s24] =	ssyncset.done $0x0  }
0x85: {  	s12 =	sadd.s32 s4, s10;
	[sflag:s24] =	ssyncadd.s32 $0xFFFFD800  }
0x86: {  	[tilespmem:s2], [sflag:$0x1] =	stream.linear.gather [hbm4b:s12+s2], $0x50, $0x38;
	[tilespmem:$0x18A80] =	vst v63  }
0x87: {  	s10 =	sadd.s32 s5, s10  }
0x88: {  	[tilespmem:s26], [sflag:$0x1] =	stream.linear.gather [hbm4b:s10+s2], $0x50, $0x38;
	[tilespmem:$0x18A80] =	vst v63  }
0x89: {  	_ =	swait.ge [sflag:s0], $0x50  }
0x8a: {  	[sflag:s0] =	ssyncset.done $0x0  }
0x8b: {  	[sflag:s0] =	ssyncadd.s32 $0xFFFFFFB0  }
0x8c: {  	_ =	swait.ge [sflag:s0], $0x50  }
0x8d: {  	[sflag:s0] =	ssyncset.done $0x0  }
0x8e: {  	[sflag:s0] =	ssyncadd.s32 $0xFFFFFFB0  }
0x8f: {  	[spmem:s1] =	stream.indirect.scatter.add.f32 [tilespmem:s23], [sflag:$0x3], $0x80, s28, s31, $0xb8;
	[tilespmem:$0x18A80] =	vst v63  }
0x90: {  	_ =	swait.ge [sflag:s24], $0x2800  }
0x91: {  	[sflag:s24] =	ssyncset.done $0x0  }
0x92: {  	[sflag:s24] =	ssyncadd.s32 $0xFFFFD800  }
0x93: {  	[spmem:s1] =	stream.indirect.scatter.add.f32 [tilespmem:s25], [sflag:$0x3], $0x80, s29, s31, $0xb8;
	[tilespmem:$0x18A80] =	vst v63  }
0x94: {  	_ =	swait.ge [sflag:s24], $0x2800  }
0x95: {  	[sflag:s24] =	ssyncset.done $0x0  }
0x96: {  	[sflag:s24] =	ssyncadd.s32 $0xFFFFD800  }
0x97: {  	[tilespmem:s28], [sflag:$0x2] =	stream.linear.gather [hbm4b:s18+s2], $0x50, $0x38;
	[tilespmem:$0x18A80] =	vst v63  }
0x98: {  	_ = 	snop  }
0x99: {  	[tilespmem:s29], [sflag:$0x2] =	stream.linear.gather [hbm4b:s19+s2], $0x50, $0x38;
	[tilespmem:$0x18A80] =	vst v63  }
0x9a: {  	_ =	swait.ge [sflag:s30], $0x50  }
0x9b: {  	[sflag:s30] =	ssyncset.done $0x0  }
0x9c: {  	[sflag:s30] =	ssyncadd.s32 $0xFFFFFFB0  }
0x9d: {  	_ =	swait.ge [sflag:s30], $0x50  }
0x9e: {  	[sflag:s30] =	ssyncset.done $0x0  }
0x9f: {  	[sflag:s30] =	ssyncadd.s32 $0xFFFFFFB0  }
0xa0: {  	[spmem:s1] =	stream.indirect.scatter.add.f32 [tilespmem:s23], [sflag:$0x3], $0x80, s2, s31, $0xb8;
	[tilespmem:$0x18A80] =	vst v63  }
0xa1: {  	_ =	swait.ge [sflag:s24], $0x2800  }
0xa2: {  	[sflag:s24] =	ssyncset.done $0x0  }
0xa3: {  	[sflag:s24] =	ssyncadd.s32 $0xFFFFD800  }
0xa4: {  	[spmem:s1] =	stream.indirect.scatter.add.f32 [tilespmem:s25], [sflag:$0x3], $0x80, s26, s31, $0xb8;
	[tilespmem:$0x18A80] =	vst v63  }
0xa5: {  	_ =	swait.ge [sflag:s24], $0x2800  }
0xa6: {  	[sflag:s24] =	ssyncset.done $0x0  }
0xa7: {  	[sflag:s24] =	ssyncadd.s32 $0xFFFFD800  }
0xa8: {  	_ =	swait.ge [sflag:s0], $0x50  }
0xa9: {  	[sflag:s0] =	ssyncset.done $0x0  }
0xaa: {  	[sflag:s0] =	ssyncadd.s32 $0xFFFFFFB0  }
0xab: {  	_ =	swait.ge [sflag:s0], $0x50  }
0xac: {  	[sflag:s0] =	ssyncset.done $0x0  }
0xad: {  	[sflag:s0] =	ssyncadd.s32 $0xFFFFFFB0  }
0xae: {  	[spmem:s1] =	stream.indirect.scatter.add.f32 [tilespmem:s23], [sflag:$0x3], $0x80, s28, s31, $0xb8;
	[tilespmem:$0x18A80] =	vst v63  }
0xaf: {  	_ =	swait.ge [sflag:s24], $0x2800  }
0xb0: {  	[sflag:s24] =	ssyncset.done $0x0  }
0xb1: {  	[sflag:s24] =	ssyncadd.s32 $0xFFFFD800  }
0xb2: {  	[spmem:s1] =	stream.indirect.scatter.add.f32 [tilespmem:s25], [sflag:$0x3], $0x80, s29, s31, $0xb8;
	[tilespmem:$0x18A80] =	vst v63  }
0xb3: {  	_ =	swait.ge [sflag:s24], $0x2800  }
0xb4: {  	[sflag:s24] =	ssyncset.done $0x0  }
0xb5: {  	s13 =	rddreg [dreg:$0x9];
	[sflag:s24] =	ssyncadd.s32 $0xFFFFD800  }
0xb6: {  	[tilespmem:s2], [sflag:$0x3] =	stream.linear.gather [hbm4b:s13+s2], $0x50, $0x38;
	[tilespmem:$0x18A80] =	vst v63  }
0xb7: {  	_ =	swait.ge [sflag:s24], $0x50  }
0xb8: {  	[sflag:s24] =	ssyncset.done $0x0  }
0xb9: {  	s14 =	rddreg [dreg:$0xa];
	[sflag:s24] =	ssyncadd.s32 $0xFFFFFFB0  }
0xba: {  	[tilespmem:s26], [sflag:$0x3] =	stream.linear.gather [hbm4b:s14+s2], $0x50, $0x38;
	[tilespmem:$0x18A80] =	vst v63  }
0xbb: {  	_ =	swait.ge [sflag:s24], $0x50  }
0xbc: {  	[sflag:s24] =	ssyncset.done $0x0  }
0xbd: {  	[sflag:s24] =	ssyncadd.s32 $0xFFFFFFB0  }
0xbe: {  	[spmem:s1] =	stream.indirect.scatter.add.f32 [tilespmem:s23], [sflag:$0x3], $0x80, s2, s31, $0xb8;
	[tilespmem:$0x18A80] =	vst v63  }
0xbf: {  	_ =	swait.ge [sflag:s24], $0x2800  }
0xc0: {  	[sflag:s24] =	ssyncset.done $0x0  }
0xc1: {  	[sflag:s24] =	ssyncadd.s32 $0xFFFFD800  }
0xc2: {  	[spmem:s1] =	stream.indirect.scatter.add.f32 [tilespmem:s25], [sflag:$0x3], $0x80, s26, s31, $0xb8;
	[tilespmem:$0x18A80] =	vst v63  }
0xc3: {  	_ =	swait.ge [sflag:s24], $0x2800  }
0xc4: {  	[sflag:s24] =	ssyncset.done $0x0  }
0xc5: {  	[sflag:s24] =	ssyncadd.s32 $0xFFFFD800  }
0xc6: {  	[bflag:$0x0] =	sbarrier.arrive $0xFFFF  }
0xc7: {  	s15 =	rddreg [dreg:$0xb]  }
0xc8: {  	[hbm:s15], [sflag:s7] =	dma.local [spmem:s8], $0x2700  }
0xc9: {  	_ =	swait.ge [sflag:s24], $0x2700  }
0xca: {  	s3 =	sadd.s32 $0x1, s3;
	[sflag:s24] =	ssyncset.done $0x0  }
0xcb: {  	p1 =	sne.s32 s3, s17;
	[sflag:s24] =	ssyncadd.s32 $0xFFFFD900  }
0xcc: {  	[hbm:s16], [sflag:s7] =	dma.local @!p0 [spmem:s9], $0x100  }
.Ltmp1:
0xcd: {  	_ = 	snop;
	(pc) =	sbr.rel @p1 .LBB2_1-.Ltmp1, $4  }
0xce: {  	s7 =	simm.s32 @!p0 $0x3  }
0xcf: {  	_ =	swait.ge @!p0 [sflag:s7], $0x100  }
0xd0: {  	[sflag:s7] =	ssyncset.done @!p0 $0x0  }
0xd1: {  	[sflag:s7] =	ssyncadd.s32 @!p0 $0xFFFFFF00  }
0xd2: {  	_ =	sfence.sel $0x180000  }
0xd3: {  	[bflag:$0x0] =	sbarrier.arrive $0xFFFF  }
0xd4: {  	_ =	strace $0x90000047  }
0xd5: {  	s0 =	stileid.u32;
	[bflag:$0x2] =	sbarrier.arrive $0xFFFF  }
0xd6: {  	p0 =	sne.s32 s0, $0x0;
	s0 =	rddreg [dreg:$0x2]  }
0xd7: {  	s0 =	sadd.s32 @!p0 $0x100000, s0  }
0xd8: {  	[sflag:s0] =	ssyncadd.tile.s32 @!p0 $0x1;
	_ =	shalt  }
.Lfunc_end2:
_tile_overlayer_lowered:
.L_overlay_start_2:
0xd9: {  	(tag) =	ssettag $0x2  }
0xda: {  	s0 =	rddreg [dreg:$0x0];
	s2 =	stileid.u32  }
0xdb: {  	s1 =	rddreg [dreg:$0x1];
	p0 =	sne.s32 s2, $0x0  }
0xdc: {  	s3 =	rddreg [dreg:$0x2];
	[bflag:$0x3] =	sbarrier.arrive $0xFFFF;
	s2 =	simm.s32 @!p0 $0x1C03  }
0xdd: {  	[timem:s3], [sflag:s2] =	dma.local @!p0 [hbm:s0], s1  }
0xde: {  	s0 =	simm.s32 @!p0 $0x3  }
0xdf: {  	_ =	swait.ge @!p0 [sflag:s0], s1  }
0xe0: {  	s1 =	ssub.s32 @!p0 $0x0, s1;
	[sflag:s0] =	ssyncset.done @!p0 $0x0  }
0xe1: {  	[sflag:s0] =	ssyncadd.s32 @!p0 s1  }
0xe2: {  	[bflag:$0x3] =	sbarrier.arrive $0xFFFF  }
0xe3: {  	_ =	shalt  }

// kernel: kernel.14.cloned.1.call-start
scs
__scs_entry_jumppad:
0x0: {  	(pc) =	sbr.rel $0x88, $3  }
0x1: {  	(tag) =	ssettag $0x0;
	lr =	simm.s32 $0x1  }
0x2: {  	[smem:$0x3F95] =	sst lr;
	_ =	strace $0xD0000000  }
0x3: {  	_ = 	snop  }
0x4: {  	_ = 	snop  }
0x5: {  	_ = 	snop  }
0x6: {  	_ = 	snop  }
0x7: {  	_ = 	snop  }
__scs_overlays_trampoline_lowered:
0x8: {  	[smem:$0x3FA4] =	sst s0  }
0x9: {  	[smem:$0x3FA5] =	sst s1  }
0xa: {  	[smem:$0x3FA6] =	sst s2  }
0xb: {  	[smem:$0x3FA7] =	sst s3  }
0xc: {  	[smem:$0x3FA8] =	sst s4  }
0xd: {  	[smem:$0x3FA9] =	sst s5  }
0xe: {  	[smem:$0x3FAA] =	sst s6  }
0xf: {  	[smem:$0x3FAB] =	sst s7  }
0x10: {  	[smem:$0x3FAC] =	sst s8  }
0x11: {  	[smem:$0x3FAD] =	sst s9;
	s0 =	simm.s32 @!p0 $0x0  }
0x12: {  	s1 =	sld [smem:$0x3F93];
	s0 =	simm.s32 @p0 $0x1  }
0x13: {  	[smem:$0x3FAE] =	sst s0;
	s0 =	simm.s32 @!p1 $0x0  }
0x14: {  	s2 =	sld [smem:$0x3F92];
	s0 =	simm.s32 @p1 $0x1  }
0x15: {  	[smem:$0x3FAF] =	sst s0;
	s0 =	simm.s32 @!p2 $0x0  }
0x16: {  	s3 =	sld [smem:$0x3FDB];
	s0 =	simm.s32 @p2 $0x1  }
0x17: {  	s4 =	simm.s32 $0x1BF5;
	[smem:$0x3FB1] =	sst s0  }
0x18: {  	s0 =	sld [smem:$0x3F94];
	_ =	swait.ge [sflag:s4], $0x0  }
0x19: {  	s7 =	sld [smem:$0x3F95]  }
0x1a: {  	s8 =	sadd.s32 $0xFFFFE003, lr  }
0x1b: {  	s9 =	sadd.s32 $0xFFFFFEF7, lr;
	s5 =	simm.s32 $0xFFFFFFFF;
	p2 =	slt.u32 s8, $0xFFFFF086  }
0x1c: {  	p1 =	slt.u32 s9, $0xF7A;
	s5 =	simm.s32 @!p2 $0x0  }
0x1d: {  	s5 =	simm.s32 @p1 $0x1;
	p0 =	seq.s32 s7, s2  }
0x1e: {  	s7 =	smul.u32 @!p0 $0xF7A, s2;
	p2 =	seq.s32 @!p0 s5, $0x0  }
0x1f: {  	s9 =	smul.u32 $0xF7A, s1;
	s8 =	simm.s32 @!p0 $0x1BF5;
	p2 =	por !p2, p0  }
0x20: {  	[sflag:s8] =	ssyncset.s32 @!p0 $0xFFFFF086;
	s6 =	sadd.s32 @!p0 s3, s7;
	s7 =	simm.s32 @!p0 $0x108  }
0x21: {  	s3 =	sadd.s32 s3, s9;
	s6 =	sadd.s32 @!p0 $0x88, s6;
	s7 =	simm.s32 @p2 $0x1082  }
0x22: {  	[simem:s7], [sflag:s8] =	dma.local @!p0 [hbm:s6], $0xF7A  }
0x23: {  	s9 =	sor.u32 $0xD0000000, s2;
	s6 =	simm.s32 $0x108;
	_ =	swait.ge @!p0 [sflag:s8], $0x0  }
0x24: {  	s3 =	sadd.s32 $0x88, s3;
	s6 =	simm.s32 @!p1 $0x1082;
	[sflag:s4] =	ssyncset.s32 $0xFFFFF086  }
0x25: {  	[simem:s6], [sflag:s4] =	dma.local [hbm:s3], $0xF7A  }
0x26: {  	[smem:$0x3F95] =	sst s1;
	(tag) =	ssettag s2;
	_ =	strace s9  }
0x27: {  	s1 =	sld [smem:$0x3FA5]  }
0x28: {  	s2 =	sld [smem:$0x3FA6]  }
0x29: {  	s4 =	sld [smem:$0x3FA8]  }
0x2a: {  	p0 =	seq.s32 s5, $0x0;
	s5 =	sld [smem:$0x3FA9]  }
0x2b: {  	s6 =	sld [smem:$0x3FAA]  }
0x2c: {  	s7 =	sld [smem:$0x3FAB]  }
0x2d: {  	s3 =	simm.s32 $0x108;
	s8 =	sld [smem:$0x3FAC]  }
0x2e: {  	s3 =	simm.s32 @!p0 $0x1082;
	s9 =	sld [smem:$0x3FAD]  }
0x2f: {  	lr =	sadd.s32 s0, s3;
	s0 =	sld [smem:$0x3FA4]  }
0x30: {  	s3 =	sld [smem:$0x3FA7]  }
0x31: {  	[smem:$0x3FB0] =	sst s10  }
0x32: {  	s10 =	sld [smem:$0x3FAE];
	_ =	sdelay $0x3  }
0x33: {  	p0 =	seq.s32 s10, $0x1;
	s10 =	sld [smem:$0x3FB0];
	_ =	sdelay $0x3  }
0x34: {  	[smem:$0x3FB0] =	sst s10  }
0x35: {  	s10 =	sld [smem:$0x3FAF];
	_ =	sdelay $0x3  }
0x36: {  	p1 =	seq.s32 s10, $0x1;
	s10 =	sld [smem:$0x3FB0];
	_ =	sdelay $0x3  }
0x37: {  	[smem:$0x3FB0] =	sst s10  }
0x38: {  	s10 =	sld [smem:$0x3FB1]  }
0x39: {  	_ = 	snop;
	(pc) =	sbr.ind lr, $3  }
0x3a: {  	_ = 	snop  }
0x3b: {  	_ = 	snop  }
0x3c: {  	p2 =	seq.s32 s10, $0x1;
	s10 =	sld [smem:$0x3FB0]  }
0x3d: {  	_ =	shalt  }
0x3e: {  	_ =	shalt  }
0x3f: {  	_ =	shalt  }
0x40: {  	_ =	shalt  }
0x41: {  	_ =	shalt  }
0x42: {  	_ =	shalt  }
0x43: {  	_ =	shalt  }
0x44: {  	_ =	shalt  }
0x45: {  	_ =	shalt  }
0x46: {  	_ =	shalt  }
0x47: {  	_ =	shalt  }
0x48: {  	_ =	shalt  }
0x49: {  	_ =	shalt  }
0x4a: {  	_ =	shalt  }
0x4b: {  	_ =	shalt  }
0x4c: {  	_ =	shalt  }
0x4d: {  	_ =	shalt  }
0x4e: {  	_ =	shalt  }
0x4f: {  	_ =	shalt  }
0x50: {  	_ =	shalt  }
0x51: {  	_ =	shalt  }
0x52: {  	_ =	shalt  }
0x53: {  	_ =	shalt  }
0x54: {  	_ =	shalt  }
0x55: {  	_ =	shalt  }
0x56: {  	_ =	shalt  }
0x57: {  	_ =	shalt  }
0x58: {  	_ =	shalt  }
0x59: {  	_ =	shalt  }
0x5a: {  	_ =	shalt  }
0x5b: {  	_ =	shalt  }
0x5c: {  	_ =	shalt  }
0x5d: {  	_ =	shalt  }
0x5e: {  	_ =	shalt  }
0x5f: {  	_ =	shalt  }
0x60: {  	_ =	shalt  }
0x61: {  	_ =	shalt  }
0x62: {  	_ =	shalt  }
0x63: {  	_ =	shalt  }
0x64: {  	_ =	shalt  }
0x65: {  	_ =	shalt  }
0x66: {  	_ =	shalt  }
0x67: {  	_ =	shalt  }
0x68: {  	_ =	shalt  }
0x69: {  	_ =	shalt  }
0x6a: {  	_ =	shalt  }
0x6b: {  	_ =	shalt  }
0x6c: {  	_ =	shalt  }
0x6d: {  	_ =	shalt  }
0x6e: {  	_ =	shalt  }
0x6f: {  	_ =	shalt  }
0x70: {  	_ =	shalt  }
0x71: {  	_ =	shalt  }
0x72: {  	_ =	shalt  }
0x73: {  	_ =	shalt  }
0x74: {  	_ =	shalt  }
0x75: {  	_ =	shalt  }
0x76: {  	_ =	shalt  }
0x77: {  	_ =	shalt  }
0x78: {  	_ =	shalt  }
0x79: {  	_ =	shalt  }
0x7a: {  	_ =	shalt  }
0x7b: {  	_ =	shalt  }
0x7c: {  	_ =	shalt  }
0x7d: {  	_ =	shalt  }
0x7e: {  	_ =	shalt  }
0x7f: {  	_ =	shalt  }
0x80: {  	_ =	shalt  }
0x81: {  	_ =	shalt  }
0x82: {  	_ =	shalt  }
0x83: {  	_ =	shalt  }
0x84: {  	_ =	shalt  }
0x85: {  	_ =	shalt  }
0x86: {  	_ =	shalt  }
0x87: {  	_ =	shalt  }
.Lfunc_end0:
.L_simem_size_0:
called_computation.1_lowered:
.L_overlay_start_0:
0x88: {  	s2 =	sld [smem:$0x3FD9]  }
0x89: {  	s3 =	sld [smem:$0x3FFE];
	_ =	sdelay $0x1  }
0x8a: {  	s1 =	srdreg.scid  }
0x8b: {  	s0 =	sand.u32 $0x1, s1  }
0x8c: {  	s16 =	sshll.u32 s0, $0xA;
	s2 =	sadd.s32 s3, s2  }
0x8d: {  	s2 =	sadd.s32 s2, s16  }
0x8e: {  	[smem:$0x3FBC] =	sst s2  }
0x8f: {  	_ = 	snop  }
0x90: {  	(tm) =	ssettm $0x1  }
0x91: {  	s17 =	sld [smem:$0x3FFB];
	_ =	sdelay $0x3  }
0x92: {  	_ =	strace s17  }
0x93: {  	s2 =	sld [smem:$0x3FFC];
	_ =	sdelay $0x3  }
0x94: {  	_ =	strace s2  }
0x95: {  	s2 =	sld [smem:$0x3FFD];
	_ =	sdelay $0x3  }
0x96: {  	_ =	strace s2  }
0x97: {  	_ =	strace $0x8FFFFFFF  }
0x98: {  	s18 =	sld [smem:$0x3FDB];
	_ =	sdelay $0x1  }
0x99: {  	s19 =	simm.s32 $_scs_section_size  }
0x9a: {  	s4 =	simm.s32 $_size__tile_overlayer_lowered;
	s5 =	simm.s32 $_tile_overlayer_lowered  }
0x9b: {  	s22 =	simm.s32 $0x1BFF;
	s21 =	sshll.u32 s5, $0x1;
	s2 =	sadd.s32 s19, s18  }
0x9c: {  	s6 =	simm.s32 $0x0;
	s20 =	sshll.u32 s4, $0x1;
	s4 =	sadd.s32 s21, s2  }
0x9d: {  	[timem:s6], [sflag:s22] =	dma.local [hbm:s4], s20  }
0x9e: {  	_ =	swait.ge [sflag:s22], s20  }
0x9f: {  	s3 =	ssub.s32 $0x0, s20;
	[sflag:s22] =	ssyncset.done $0x0  }
0xa0: {  	[sflag:s22] =	ssyncadd.s32 s3;
	_ =	sdelay $0x1  }
0xa1: {  	s23 =	simm.s32 $0x1B8B  }
0xa2: {  	_ =	swait.ge [sflag:s23], $0x1  }
0xa3: {  	[sflag:s23] =	ssyncset.done $0x0  }
0xa4: {  	s25 =	simm.s32 $0x1B8E;
	s24 =	sld [smem:$0x3FFE];
	[sflag:s23] =	ssyncadd.s32 $0xFFFFFFFF  }
0xa5: {  	s26 =	simm.s32 $execute0_lowered;
	[smem:$0x3FD2] =	sst s25  }
0xa6: {  	s4 =	sshll.u32 s26, $0x1;
	_ =	strace $0x80000049;
	[dreg:$0x1] =	wrdreg $0xFFFFFFFF  }
0xa7: {  	s28 =	simm.s32 $_size_execute0_lowered;
	s2 =	sadd.s32 s2, s4;
	[dreg:$0x0] =	wrdreg $0x0  }
0xa8: {  	s4 =	sshll.u32 s28, $0x1;
	[dreg:$0x2] =	wrdreg s2  }
0xa9: {  	[dreg:$0x3] =	wrdreg s4  }
0xaa: {  	[dreg:$0x4] =	wrdreg $0xC0  }
0xab: {  	_ =	task [dreg:s6], $0x5FFFF  }
0xac: {  	[dreg:$0x1] =	wrdreg $0xFFFFFFFF  }
0xad: {  	[dreg:$0x0] =	wrdreg $0x60  }
0xae: {  	[dreg:$0x2] =	wrdreg s24  }
0xaf: {  	[dreg:$0x3] =	wrdreg $0x52000  }
0xb0: {  	[dreg:$0x4] =	wrdreg $0x9  }
0xb1: {  	_ =	task.clear_ibuf [dreg:s6], $0x5FFFF;
	_ =	strace $0x90000049  }
0xb2: {  	s29 =	simm.s32 $0x9;
	_ =	strace $0x8000004B  }
0xb3: {  	_ =	swait.ge [sflag:s29], $0x1  }
0xb4: {  	[sflag:s29] =	ssyncadd.s32 $0xFFFFFFFF  }
0xb5: {  	_ =	strace $0x9000004B  }
0xb6: {  	_ =	sfence  }
0xb7: {  	s30 =	sld [smem:$0x0];
	_ =	sdelay $0x2  }
0xb8: {  	s31 =	sshll.u32 s1, $0xD;
	s1 =	sshrl.u32 s1, $0x2  }
0xb9: {  	s3 =	sand.u32 $0x4000, s31;
	s1 =	sadd.s32 s1, s30  }
0xba: {  	s0 =	sor.u32 s3, s0;
	s1 =	sshll.u32 s1, $0x11  }
0xbb: {  	s0 =	sor.u32 s1, s0  }
0xbc: {  	s0 =	sadd.s32 $0x8F2B, s0  }
0xbd: {  	[sflag:s0] =	ssyncadd.remote.s32 $0x1  }
0xbe: {  	_ =	sfence.sel $0xFFFF  }
0xbf: {  	[dreg:$0x0] =	wrdreg $0xFFFFFFFF;
	(pc) =	sbr.abs _section_cstart, $3  }
0xc0: {  	[dreg:$0x1] =	wrdreg $0xFFFFFFFF  }
0xc1: {  	_ =	task.clear_ibuf [dreg:s6], $0x2FFFF;
	_ =	strace $0x9FFFFFFF  }
0xc2: {  	(tm) =	ssettm $0x7FFFFFFF  }
0xc3: {  	_ =	shalt  }
tec
execute0_lowered:
.L_overlay_start_1:
0x0: {  	(tag) =	ssettag $0x1  }
0x1: {  	s0 =	rddreg [dreg:$0x0]  }
0x2: {  	s1 =	rddreg [dreg:$0x1];
	s2 =	simm.s32 $0x0  }
0x3: {  	s4 =	srdreg.scid;
	s15 =	stileid.u32;
	s28 =	simm.s32 $0x2900  }
0x4: {  	s29 =	simm.s32 $0x2980;
	s30 =	simm.s32 $0x4;
	s31 =	simm.s32 $0x2A00  }
0x5: {  	[smem:$0x7FF] =	sst s2;
	s3 =	sadd.s32 $0xC600, s0;
	s5 =	sadd.s32 $0x2800, s0  }
0x6: {  	s6 =	sadd.s32 $0x19800, s0;
	s7 =	sadd.s32 $0x17000, s0;
	s4 =	sand.u32 $0x1, s4  }
0x7: {  	s8 =	sshll.u32 s15, $0x1;
	s9 =	smul.u32 $0x4E000, s15;
	s0 =	sadd.s32 $0x40A00, s0  }
0x8: {  	s17 =	sshll.u32 s15, $0x6;
	s12 =	sadd.s32 $0x138000, s1;
	s20 =	smul.u32 $0x13800, s15  }
0x9: {  	s14 =	smul.u32 $0x4E20, s15;
	p0 =	sne.s32 s15, $0xF;
	_ =	strace $0x8000004A  }
0xa: {  	s10 =	ssub.s32 $0x2, s4;
	s8 =	sor.u32 s4, s8;
	s18 =	smul.u32 $0x138800, s4  }
0xb: {  	[dreg:$0x4] =	wrdreg s12;
	s4 =	smul.u32 $0x2710, s4;
	s11 =	sshrl.u32 s10, $0x1  }
0xc: {  	s8 =	smul.u32 $0x2710, s8;
	s9 =	sshrl.u32 s9, $0x2;
	s10 =	ssub.s32 s10, s11  }
0xd: {  	s9 =	sadd.s32 s9, s1;
	s23 =	sadd.s32 s20, s18;
	s11 =	sshrl.u32 s18, $0x3  }
0xe: {  	s4 =	sadd.s32 s4, s14;
	[dreg:$0x3] =	wrdreg s9;
	s9 =	sor.u32 $0x1C06, s17  }
0xf: {  	s8 =	sshrl.u32 s8, $0x3;
	s11 =	sadd.s32 s0, s11;
	s24 =	sadd.s32 $0xF0, s4  }
0x10: {  	s19 =	sadd.s32 s3, s8;
	s13 =	sadd.s32 s5, s8;
	s21 =	sadd.s32 $0xA, s8  }
0x11: {  	s8 =	sadd.s32 $0x4D8, s8;
	s25 =	sadd.s32 $0x27000, s11;
	s26 =	sshrl.u32 s24, $0x3  }
0x12: {  	s24 =	simm.s32 $0x80;
	s11 =	simm.s32 $0x0;
	[dreg:$0x5] =	wrdreg s19  }
0x13: {  	[dreg:$0x6] =	wrdreg s13;
	s16 =	sadd.s32 s3, s21;
	s13 =	sadd.s32 s5, s21  }
0x14: {  	s22 =	sadd.s32 s3, s8;
	s8 =	sadd.s32 s5, s8;
	[dreg:$0xc] =	wrdreg s25  }
0x15: {  	s19 =	smax.u32 s10, $0x1;
	s20 =	sadd.s32 s26, s5;
	[dreg:$0x7] =	wrdreg s16  }
0x16: {  	s21 =	sadd.s32 s26, s3;
	s25 =	simm.s32 $0x50;
	[dreg:$0x8] =	wrdreg s13  }
0x17: {  	s26 =	simm.s32 $0x100;
	s10 =	simm.s32 $0x5;
	[dreg:$0x9] =	wrdreg s22  }
0x18: {  	[dreg:$0xa] =	wrdreg s8;
	s8 =	sshrl.u32 s23, $0x3;
	s22 =	sadd.s32 $0xA0, s4  }
0x19: {  	s23 =	simm.s32 $0x6;
	s4 =	simm.s32 $0x2;
	s0 =	sadd.s32 s0, s8  }
0x1a: {  	s8 =	simm.s32 $0x3;
	[dreg:$0xb] =	wrdreg s0;
	s0 =	simm.s32 $0x1  }
.LBB2_1:
0x1b: {  	s12 =	rddreg [dreg:$0x3]  }
0x1c: {  	s12 =	sshrl.u32 s12, $0x3  }
0x1d: {  	[spmem:s12], [sflag:s9] =	dma.local [hbm:s7], $0x2700  }
0x1e: {  	_ =	swait.ge [sflag:s23], $0x2700  }
0x1f: {  	[sflag:s23] =	ssyncset.done $0x0;
	s13 =	rddreg [dreg:$0x4]  }
0x20: {  	s14 =	simm.s32 @!p0 $0x6;
	[sflag:s23] =	ssyncadd.s32 $0xFFFFD900;
	s13 =	sshrl.u32 @!p0 s13, $0x3  }
0x21: {  	[spmem:s13], [sflag:s9] =	dma.local @!p0 [hbm:s7], $0x100  }
0x22: {  	_ =	swait.ge @!p0 [sflag:s14], $0x100  }
0x23: {  	[sflag:s14] =	ssyncset.done @!p0 $0x0  }
0x24: {  	[sflag:s14] =	ssyncadd.s32 @!p0 $0xFFFFFF00  }
0x25: {  	[bflag:$0x0] =	sbarrier.arrive $0xFFFF  }
0x26: {  	s17 =	rddreg [dreg:$0x5]  }
0x27: {  	[tilespmem:s2], [sflag:$0x6] =	stream.linear.gather [hbm4b:s17+s2], $0x50, $0x38;
	[tilespmem:$0x18A80] =	vst v63  }
0x28: {  	_ =	swait.ge [sflag:s23], $0x50  }
0x29: {  	[sflag:s23] =	ssyncset.done $0x0  }
0x2a: {  	s18 =	rddreg [dreg:$0x6];
	[sflag:s23] =	ssyncadd.s32 $0xFFFFFFB0  }
0x2b: {  	[tilespmem:s24], [sflag:$0x6] =	stream.linear.gather [hbm4b:s18+s2], $0x50, $0x38;
	[tilespmem:$0x18A80] =	vst v63  }
0x2c: {  	_ =	swait.ge [sflag:s23], $0x50  }
0x2d: {  	[sflag:s23] =	ssyncset.done $0x0  }
0x2e: {  	[sflag:s23] =	ssyncadd.s32 $0xFFFFFFB0  }
0x2f: {  	[tilespmem:s26], [sflag:$0x1] =	stream.indirect.gather [hbm4b:s6+s25], $0x80, s2, s25, $0xb8;
	[tilespmem:$0x18A80] =	vst v63  }
0x30: {  	s15 =	rddreg [dreg:$0x7]  }
0x31: {  	[tilespmem:s28], [sflag:$0x4] =	stream.linear.gather [hbm4b:s15+s2], $0x50, $0x38;
	[tilespmem:$0x18A80] =	vst v63  }
0x32: {  	s16 =	rddreg [dreg:$0x8]  }
0x33: {  	[tilespmem:s29], [sflag:$0x4] =	stream.linear.gather [hbm4b:s16+s2], $0x50, $0x38;
	[tilespmem:$0x18A80] =	vst v63  }
0x34: {  	_ =	swait.ge [sflag:s30], $0x50  }
0x35: {  	[sflag:s30] =	ssyncset.done $0x0  }
0x36: {  	[sflag:s30] =	ssyncadd.s32 $0xFFFFFFB0  }
0x37: {  	_ =	swait.ge [sflag:s30], $0x50  }
0x38: {  	[sflag:s30] =	ssyncset.done $0x0  }
0x39: {  	[sflag:s30] =	ssyncadd.s32 $0xFFFFFFB0  }
0x3a: {  	[tilespmem:s31], [sflag:$0x2] =	stream.indirect.gather [hbm4b:s6+s25], $0x80, s28, s25, $0xb8;
	[tilespmem:$0x18A80] =	vst v63  }
0x3b: {  	_ =	swait.ge [sflag:s0], $0x2800  }
0x3c: {  	[sflag:s0] =	ssyncset.done $0x0  }
0x3d: {  	[sflag:s0] =	ssyncadd.s32 $0xFFFFD800  }
0x3e: {  	[spmem:s1] =	stream.indirect.scatter.add.f32 [tilespmem:s26], [sflag:$0x6], $0x80, s24, s25, $0xb8;
	[tilespmem:$0x18A80] =	vst v63  }
0x3f: {  	_ =	swait.ge [sflag:s23], $0x2800  }
0x40: {  	s17 =	sshrl.u32 s22, $0x3;
	[sflag:s23] =	ssyncset.done $0x0  }
0x41: {  	s15 =	sadd.s32 s3, s17;
	[sflag:s23] =	ssyncadd.s32 $0xFFFFD800  }
0x42: {  	[tilespmem:s2], [sflag:$0x3] =	stream.linear.gather [hbm4b:s15+s2], $0x50, $0x38;
	[tilespmem:$0x18A80] =	vst v63  }
0x43: {  	s14 =	sadd.s32 s5, s17  }
0x44: {  	[tilespmem:s24], [sflag:$0x3] =	stream.linear.gather [hbm4b:s14+s2], $0x50, $0x38;
	[tilespmem:$0x18A80] =	vst v63  }
0x45: {  	_ =	swait.ge [sflag:s4], $0x2800  }
0x46: {  	[sflag:s4] =	ssyncset.done $0x0  }
0x47: {  	[sflag:s4] =	ssyncadd.s32 $0xFFFFD800  }
0x48: {  	[spmem:s1] =	stream.indirect.scatter.add.f32 [tilespmem:s31], [sflag:$0x5], $0x80, s29, s25, $0xb8;
	[tilespmem:$0x18A80] =	vst v63  }
0x49: {  	_ =	swait.ge [sflag:s8], $0x50  }
0x4a: {  	[sflag:s8] =	ssyncset.done $0x0  }
0x4b: {  	[sflag:s8] =	ssyncadd.s32 $0xFFFFFFB0  }
0x4c: {  	_ =	swait.ge [sflag:s8], $0x50  }
0x4d: {  	[sflag:s8] =	ssyncset.done $0x0  }
0x4e: {  	[sflag:s8] =	ssyncadd.s32 $0xFFFFFFB0  }
0x4f: {  	[tilespmem:s26], [sflag:$0x1] =	stream.indirect.gather [hbm4b:s6+s25], $0x80, s2, s25, $0xb8;
	[tilespmem:$0x18A80] =	vst v63  }
0x50: {  	_ =	swait.ge [sflag:s10], $0x2800  }
0x51: {  	s18 =	sadd.s32 $0x0, s21;
	s16 =	sadd.s32 $0x0, s20;
	[sflag:s10] =	ssyncset.done $0x0  }
0x52: {  	s15 =	sadd.s32 $0xA0, s22;
	s14 =	simm.s32 $0x14;
	[sflag:s10] =	ssyncadd.s32 $0xFFFFD800  }
0x53: {  	[tilespmem:s28], [sflag:$0x4] =	stream.linear.gather [hbm4b:s18+s2], $0x50, $0x38;
	[tilespmem:$0x18A80] =	vst v63  }
.LBB2_2:
0x54: {  	[tilespmem:s29], [sflag:$0x4] =	stream.linear.gather [hbm4b:s16+s2], $0x50, $0x38;
	[tilespmem:$0x18A80] =	vst v63  }
0x55: {  	s16 =	smov.u32 s14  }
0x56: {  	p1 =	sne.s32 s14, $0x4B0;
	s14 =	sadd.s32 $0x14, s14;
	_ =	swait.ge [sflag:s30], $0x50  }
0x57: {  	[sflag:s30] =	ssyncset.done $0x0  }
0x58: {  	[sflag:s30] =	ssyncadd.s32 $0xFFFFFFB0  }
0x59: {  	_ =	swait.ge [sflag:s30], $0x50  }
0x5a: {  	[sflag:s30] =	ssyncset.done $0x0  }
0x5b: {  	[sflag:s30] =	ssyncadd.s32 $0xFFFFFFB0  }
0x5c: {  	[tilespmem:s31], [sflag:$0x2] =	stream.indirect.gather [hbm4b:s6+s25], $0x80, s28, s25, $0xb8;
	[tilespmem:$0x18A80] =	vst v63  }
0x5d: {  	_ =	swait.ge [sflag:s0], $0x2800  }
0x5e: {  	[sflag:s0] =	ssyncset.done $0x0  }
0x5f: {  	[sflag:s0] =	ssyncadd.s32 $0xFFFFD800  }
0x60: {  	[spmem:s1] =	stream.indirect.scatter.add.f32 [tilespmem:s26], [sflag:$0x6], $0x80, s24, s25, $0xb8;
	[tilespmem:$0x18A80] =	vst v63  }
0x61: {  	_ =	swait.ge [sflag:s23], $0x2800  }
0x62: {  	s17 =	sshrl.u32 s15, $0x3;
	[sflag:s23] =	ssyncset.done $0x0  }
0x63: {  	s18 =	sadd.s32 s3, s17;
	[sflag:s23] =	ssyncadd.s32 $0xFFFFD800  }
0x64: {  	[tilespmem:s2], [sflag:$0x3] =	stream.linear.gather [hbm4b:s18+s2], $0x50, $0x38;
	[tilespmem:$0x18A80] =	vst v63  }
0x65: {  	s17 =	sadd.s32 s5, s17  }
0x66: {  	[tilespmem:s24], [sflag:$0x3] =	stream.linear.gather [hbm4b:s17+s2], $0x50, $0x38;
	[tilespmem:$0x18A80] =	vst v63  }
0x67: {  	_ =	swait.ge [sflag:s4], $0x2800  }
0x68: {  	[sflag:s4] =	ssyncset.done $0x0  }
0x69: {  	[sflag:s4] =	ssyncadd.s32 $0xFFFFD800  }
0x6a: {  	[spmem:s1] =	stream.indirect.scatter.add.f32 [tilespmem:s31], [sflag:$0x5], $0x80, s29, s25, $0xb8;
	[tilespmem:$0x18A80] =	vst v63  }
0x6b: {  	_ =	swait.ge [sflag:s8], $0x50  }
0x6c: {  	[sflag:s8] =	ssyncset.done $0x0  }
0x6d: {  	[sflag:s8] =	ssyncadd.s32 $0xFFFFFFB0  }
0x6e: {  	_ =	swait.ge [sflag:s8], $0x50  }
0x6f: {  	[sflag:s8] =	ssyncset.done $0x0  }
0x70: {  	[sflag:s8] =	ssyncadd.s32 $0xFFFFFFB0  }
0x71: {  	[tilespmem:s26], [sflag:$0x1] =	stream.indirect.gather [hbm4b:s6+s25], $0x80, s2, s25, $0xb8;
	[tilespmem:$0x18A80] =	vst v63  }
.Ltmp0:
0x72: {  	_ =	swait.ge [sflag:s10], $0x2800;
	(pc) =	sbr.rel @p1 .LBB2_2-.Ltmp0, $4  }
0x73: {  	[sflag:s10] =	ssyncset.done $0x0  }
0x74: {  	s17 =	sadd.s32 s16, s21;
	[sflag:s10] =	ssyncadd.s32 $0xFFFFD800  }
0x75: {  	[tilespmem:s28], [sflag:$0x4] =	stream.linear.gather [hbm4b:s17+s2], $0x50, $0x38;
	[tilespmem:$0x18A80] =	vst v63  }
0x76: {  	s15 =	sadd.s32 $0xA0, s15;
	s16 =	sadd.s32 s16, s20  }
0x77: {  	[tilespmem:s29], [sflag:$0x4] =	stream.linear.gather [hbm4b:s16+s2], $0x50, $0x38;
	[tilespmem:$0x18A80] =	vst v63  }
0x78: {  	_ =	swait.ge [sflag:s30], $0x50  }
0x79: {  	[sflag:s30] =	ssyncset.done $0x0  }
0x7a: {  	[sflag:s30] =	ssyncadd.s32 $0xFFFFFFB0  }
0x7b: {  	_ =	swait.ge [sflag:s30], $0x50  }
0x7c: {  	[sflag:s30] =	ssyncset.done $0x0  }
0x7d: {  	[sflag:s30] =	ssyncadd.s32 $0xFFFFFFB0  }
0x7e: {  	[tilespmem:s31], [sflag:$0x2] =	stream.indirect.gather [hbm4b:s6+s25], $0x80, s28, s25, $0xb8;
	[tilespmem:$0x18A80] =	vst v63  }
0x7f: {  	_ =	swait.ge [sflag:s0], $0x2800  }
0x80: {  	[sflag:s0] =	ssyncset.done $0x0  }
0x81: {  	[sflag:s0] =	ssyncadd.s32 $0xFFFFD800  }
0x82: {  	[spmem:s1] =	stream.indirect.scatter.add.f32 [tilespmem:s26], [sflag:$0x6], $0x80, s24, s25, $0xb8;
	[tilespmem:$0x18A80] =	vst v63  }
0x83: {  	_ =	swait.ge [sflag:s23], $0x2800  }
0x84: {  	[sflag:s23] =	ssyncset.done $0x0  }
0x85: {  	[sflag:s23] =	ssyncadd.s32 $0xFFFFD800  }
0x86: {  	_ =	swait.ge [sflag:s4], $0x2800  }
0x87: {  	[sflag:s4] =	ssyncset.done $0x0  }
0x88: {  	[sflag:s4] =	ssyncadd.s32 $0xFFFFD800  }
0x89: {  	[spmem:s1] =	stream.indirect.scatter.add.f32 [tilespmem:s31], [sflag:$0x5], $0x80, s29, s25, $0xb8;
	[tilespmem:$0x18A80] =	vst v63  }
0x8a: {  	_ =	swait.ge [sflag:s10], $0x2800  }
0x8b: {  	[sflag:s10] =	ssyncset.done $0x0  }
0x8c: {  	s14 =	rddreg [dreg:$0x9];
	[sflag:s10] =	ssyncadd.s32 $0xFFFFD800  }
0x8d: {  	[tilespmem:s28], [sflag:$0x6] =	stream.linear.gather [hbm4b:s14+s2], $0x50, $0x38;
	[tilespmem:$0x18A80] =	vst v63  }
0x8e: {  	_ =	swait.ge [sflag:s23], $0x50  }
0x8f: {  	[sflag:s23] =	ssyncset.done $0x0  }
0x90: {  	s17 =	rddreg [dreg:$0xa];
	[sflag:s23] =	ssyncadd.s32 $0xFFFFFFB0  }
0x91: {  	[tilespmem:s29], [sflag:$0x6] =	stream.linear.gather [hbm4b:s17+s2], $0x50, $0x38;
	[tilespmem:$0x18A80] =	vst v63  }
0x92: {  	_ =	swait.ge [sflag:s23], $0x50  }
0x93: {  	[sflag:s23] =	ssyncset.done $0x0  }
0x94: {  	[sflag:s23] =	ssyncadd.s32 $0xFFFFFFB0  }
0x95: {  	[tilespmem:s31], [sflag:$0x2] =	stream.indirect.gather [hbm4b:s6+s25], $0x80, s28, s25, $0xb8;
	[tilespmem:$0x18A80] =	vst v63  }
0x96: {  	_ =	swait.ge [sflag:s4], $0x2800  }
0x97: {  	[sflag:s4] =	ssyncset.done $0x0  }
0x98: {  	[sflag:s4] =	ssyncadd.s32 $0xFFFFD800  }
0x99: {  	[spmem:s1] =	stream.indirect.scatter.add.f32 [tilespmem:s31], [sflag:$0x6], $0x80, s29, s25, $0xb8;
	[tilespmem:$0x18A80] =	vst v63  }
0x9a: {  	_ =	swait.ge [sflag:s23], $0x2800  }
0x9b: {  	[sflag:s23] =	ssyncset.done $0x0  }
0x9c: {  	[sflag:s23] =	ssyncadd.s32 $0xFFFFD800  }
0x9d: {  	[bflag:$0x0] =	sbarrier.arrive $0xFFFF  }
0x9e: {  	s18 =	rddreg [dreg:$0xb]  }
0x9f: {  	[hbm:s18], [sflag:s9] =	dma.local [spmem:s12], $0x2700  }
0xa0: {  	_ =	swait.ge [sflag:s23], $0x2700  }
0xa1: {  	s11 =	sadd.s32 $0x1, s11;
	[sflag:s23] =	ssyncset.done $0x0  }
0xa2: {  	p1 =	sne.s32 s11, s19;
	s12 =	rddreg [dreg:$0xc];
	[sflag:s23] =	ssyncadd.s32 $0xFFFFD900  }
0xa3: {  	[hbm:s12], [sflag:s9] =	dma.local @!p0 [spmem:s13], $0x100  }
.Ltmp1:
0xa4: {  	_ = 	snop;
	(pc) =	sbr.rel @p1 .LBB2_1-.Ltmp1, $4  }
0xa5: {  	s12 =	simm.s32 @!p0 $0x6  }
0xa6: {  	_ =	swait.ge @!p0 [sflag:s12], $0x100  }
0xa7: {  	[sflag:s12] =	ssyncset.done @!p0 $0x0  }
0xa8: {  	[sflag:s12] =	ssyncadd.s32 @!p0 $0xFFFFFF00  }
0xa9: {  	_ =	sfence.sel $0x180000  }
0xaa: {  	[bflag:$0x0] =	sbarrier.arrive $0xFFFF  }
0xab: {  	_ =	strace $0x9000004A  }
0xac: {  	s0 =	stileid.u32;
	[bflag:$0x2] =	sbarrier.arrive $0xFFFF  }
0xad: {  	p0 =	sne.s32 s0, $0x0;
	s0 =	rddreg [dreg:$0x2]  }
0xae: {  	s0 =	sadd.s32 @!p0 $0x100000, s0  }
0xaf: {  	[sflag:s0] =	ssyncadd.tile.s32 @!p0 $0x1;
	_ =	shalt  }
.Lfunc_end2:
_tile_overlayer_lowered:
.L_overlay_start_2:
0xb0: {  	(tag) =	ssettag $0x2  }
0xb1: {  	s0 =	rddreg [dreg:$0x0];
	s2 =	stileid.u32  }
0xb2: {  	s1 =	rddreg [dreg:$0x1];
	p0 =	sne.s32 s2, $0x0  }
0xb3: {  	s3 =	rddreg [dreg:$0x2];
	[bflag:$0x3] =	sbarrier.arrive $0xFFFF;
	s2 =	simm.s32 @!p0 $0x1C06  }
0xb4: {  	[timem:s3], [sflag:s2] =	dma.local @!p0 [hbm:s0], s1  }
0xb5: {  	s0 =	simm.s32 @!p0 $0x6  }
0xb6: {  	_ =	swait.ge @!p0 [sflag:s0], s1  }
0xb7: {  	s1 =	ssub.s32 @!p0 $0x0, s1;
	[sflag:s0] =	ssyncset.done @!p0 $0x0  }
0xb8: {  	[sflag:s0] =	ssyncadd.s32 @!p0 s1  }
0xb9: {  	[bflag:$0x3] =	sbarrier.arrive $0xFFFF  }
0xba: {  	_ =	shalt  }

// kernel: kernel.17.cloned.1.call-start
scs
__scs_entry_jumppad:
0x0: {  	(pc) =	sbr.rel $0x88, $3  }
0x1: {  	(tag) =	ssettag $0x0;
	lr =	simm.s32 $0x1  }
0x2: {  	[smem:$0x3F95] =	sst lr;
	_ =	strace $0xD0000000  }
0x3: {  	_ = 	snop  }
0x4: {  	_ = 	snop  }
0x5: {  	_ = 	snop  }
0x6: {  	_ = 	snop  }
0x7: {  	_ = 	snop  }
__scs_overlays_trampoline_lowered:
0x8: {  	[smem:$0x3FA4] =	sst s0  }
0x9: {  	[smem:$0x3FA5] =	sst s1  }
0xa: {  	[smem:$0x3FA6] =	sst s2  }
0xb: {  	[smem:$0x3FA7] =	sst s3  }
0xc: {  	[smem:$0x3FA8] =	sst s4  }
0xd: {  	[smem:$0x3FA9] =	sst s5  }
0xe: {  	[smem:$0x3FAA] =	sst s6  }
0xf: {  	[smem:$0x3FAB] =	sst s7  }
0x10: {  	[smem:$0x3FAC] =	sst s8  }
0x11: {  	[smem:$0x3FAD] =	sst s9;
	s0 =	simm.s32 @!p0 $0x0  }
0x12: {  	s1 =	sld [smem:$0x3F93];
	s0 =	simm.s32 @p0 $0x1  }
0x13: {  	[smem:$0x3FAE] =	sst s0;
	s0 =	simm.s32 @!p1 $0x0  }
0x14: {  	s2 =	sld [smem:$0x3F92];
	s0 =	simm.s32 @p1 $0x1  }
0x15: {  	[smem:$0x3FAF] =	sst s0;
	s0 =	simm.s32 @!p2 $0x0  }
0x16: {  	s3 =	sld [smem:$0x3FDB];
	s0 =	simm.s32 @p2 $0x1  }
0x17: {  	s4 =	simm.s32 $0x1BF5;
	[smem:$0x3FB1] =	sst s0  }
0x18: {  	s0 =	sld [smem:$0x3F94];
	_ =	swait.ge [sflag:s4], $0x0  }
0x19: {  	s7 =	sld [smem:$0x3F95]  }
0x1a: {  	s8 =	sadd.s32 $0xFFFFE003, lr  }
0x1b: {  	s9 =	sadd.s32 $0xFFFFFEF7, lr;
	s5 =	simm.s32 $0xFFFFFFFF;
	p2 =	slt.u32 s8, $0xFFFFF086  }
0x1c: {  	p1 =	slt.u32 s9, $0xF7A;
	s5 =	simm.s32 @!p2 $0x0  }
0x1d: {  	s5 =	simm.s32 @p1 $0x1;
	p0 =	seq.s32 s7, s2  }
0x1e: {  	s7 =	smul.u32 @!p0 $0xF7A, s2;
	p2 =	seq.s32 @!p0 s5, $0x0  }
0x1f: {  	s9 =	smul.u32 $0xF7A, s1;
	s8 =	simm.s32 @!p0 $0x1BF5;
	p2 =	por !p2, p0  }
0x20: {  	[sflag:s8] =	ssyncset.s32 @!p0 $0xFFFFF086;
	s6 =	sadd.s32 @!p0 s3, s7;
	s7 =	simm.s32 @!p0 $0x108  }
0x21: {  	s3 =	sadd.s32 s3, s9;
	s6 =	sadd.s32 @!p0 $0x88, s6;
	s7 =	simm.s32 @p2 $0x1082  }
0x22: {  	[simem:s7], [sflag:s8] =	dma.local @!p0 [hbm:s6], $0xF7A  }
0x23: {  	s9 =	sor.u32 $0xD0000000, s2;
	s6 =	simm.s32 $0x108;
	_ =	swait.ge @!p0 [sflag:s8], $0x0  }
0x24: {  	s3 =	sadd.s32 $0x88, s3;
	s6 =	simm.s32 @!p1 $0x1082;
	[sflag:s4] =	ssyncset.s32 $0xFFFFF086  }
0x25: {  	[simem:s6], [sflag:s4] =	dma.local [hbm:s3], $0xF7A  }
0x26: {  	[smem:$0x3F95] =	sst s1;
	(tag) =	ssettag s2;
	_ =	strace s9  }
0x27: {  	s1 =	sld [smem:$0x3FA5]  }
0x28: {  	s2 =	sld [smem:$0x3FA6]  }
0x29: {  	s4 =	sld [smem:$0x3FA8]  }
0x2a: {  	p0 =	seq.s32 s5, $0x0;
	s5 =	sld [smem:$0x3FA9]  }
0x2b: {  	s6 =	sld [smem:$0x3FAA]  }
0x2c: {  	s7 =	sld [smem:$0x3FAB]  }
0x2d: {  	s3 =	simm.s32 $0x108;
	s8 =	sld [smem:$0x3FAC]  }
0x2e: {  	s3 =	simm.s32 @!p0 $0x1082;
	s9 =	sld [smem:$0x3FAD]  }
0x2f: {  	lr =	sadd.s32 s0, s3;
	s0 =	sld [smem:$0x3FA4]  }
0x30: {  	s3 =	sld [smem:$0x3FA7]  }
0x31: {  	[smem:$0x3FB0] =	sst s10  }
0x32: {  	s10 =	sld [smem:$0x3FAE];
	_ =	sdelay $0x3  }
0x33: {  	p0 =	seq.s32 s10, $0x1;
	s10 =	sld [smem:$0x3FB0];
	_ =	sdelay $0x3  }
0x34: {  	[smem:$0x3FB0] =	sst s10  }
0x35: {  	s10 =	sld [smem:$0x3FAF];
	_ =	sdelay $0x3  }
0x36: {  	p1 =	seq.s32 s10, $0x1;
	s10 =	sld [smem:$0x3FB0];
	_ =	sdelay $0x3  }
0x37: {  	[smem:$0x3FB0] =	sst s10  }
0x38: {  	s10 =	sld [smem:$0x3FB1]  }
0x39: {  	_ = 	snop;
	(pc) =	sbr.ind lr, $3  }
0x3a: {  	_ = 	snop  }
0x3b: {  	_ = 	snop  }
0x3c: {  	p2 =	seq.s32 s10, $0x1;
	s10 =	sld [smem:$0x3FB0]  }
0x3d: {  	_ =	shalt  }
0x3e: {  	_ =	shalt  }
0x3f: {  	_ =	shalt  }
0x40: {  	_ =	shalt  }
0x41: {  	_ =	shalt  }
0x42: {  	_ =	shalt  }
0x43: {  	_ =	shalt  }
0x44: {  	_ =	shalt  }
0x45: {  	_ =	shalt  }
0x46: {  	_ =	shalt  }
0x47: {  	_ =	shalt  }
0x48: {  	_ =	shalt  }
0x49: {  	_ =	shalt  }
0x4a: {  	_ =	shalt  }
0x4b: {  	_ =	shalt  }
0x4c: {  	_ =	shalt  }
0x4d: {  	_ =	shalt  }
0x4e: {  	_ =	shalt  }
0x4f: {  	_ =	shalt  }
0x50: {  	_ =	shalt  }
0x51: {  	_ =	shalt  }
0x52: {  	_ =	shalt  }
0x53: {  	_ =	shalt  }
0x54: {  	_ =	shalt  }
0x55: {  	_ =	shalt  }
0x56: {  	_ =	shalt  }
0x57: {  	_ =	shalt  }
0x58: {  	_ =	shalt  }
0x59: {  	_ =	shalt  }
0x5a: {  	_ =	shalt  }
0x5b: {  	_ =	shalt  }
0x5c: {  	_ =	shalt  }
0x5d: {  	_ =	shalt  }
0x5e: {  	_ =	shalt  }
0x5f: {  	_ =	shalt  }
0x60: {  	_ =	shalt  }
0x61: {  	_ =	shalt  }
0x62: {  	_ =	shalt  }
0x63: {  	_ =	shalt  }
0x64: {  	_ =	shalt  }
0x65: {  	_ =	shalt  }
0x66: {  	_ =	shalt  }
0x67: {  	_ =	shalt  }
0x68: {  	_ =	shalt  }
0x69: {  	_ =	shalt  }
0x6a: {  	_ =	shalt  }
0x6b: {  	_ =	shalt  }
0x6c: {  	_ =	shalt  }
0x6d: {  	_ =	shalt  }
0x6e: {  	_ =	shalt  }
0x6f: {  	_ =	shalt  }
0x70: {  	_ =	shalt  }
0x71: {  	_ =	shalt  }
0x72: {  	_ =	shalt  }
0x73: {  	_ =	shalt  }
0x74: {  	_ =	shalt  }
0x75: {  	_ =	shalt  }
0x76: {  	_ =	shalt  }
0x77: {  	_ =	shalt  }
0x78: {  	_ =	shalt  }
0x79: {  	_ =	shalt  }
0x7a: {  	_ =	shalt  }
0x7b: {  	_ =	shalt  }
0x7c: {  	_ =	shalt  }
0x7d: {  	_ =	shalt  }
0x7e: {  	_ =	shalt  }
0x7f: {  	_ =	shalt  }
0x80: {  	_ =	shalt  }
0x81: {  	_ =	shalt  }
0x82: {  	_ =	shalt  }
0x83: {  	_ =	shalt  }
0x84: {  	_ =	shalt  }
0x85: {  	_ =	shalt  }
0x86: {  	_ =	shalt  }
0x87: {  	_ =	shalt  }
.Lfunc_end0:
.L_simem_size_0:
called_computation.2_lowered:
.L_overlay_start_0:
0x88: {  	s2 =	sld [smem:$0x3FD9]  }
0x89: {  	s3 =	sld [smem:$0x3FFE];
	_ =	sdelay $0x1  }
0x8a: {  	s1 =	srdreg.scid  }
0x8b: {  	s0 =	sand.u32 $0x1, s1  }
0x8c: {  	s16 =	sshll.u32 s0, $0xA;
	s2 =	sadd.s32 s3, s2  }
0x8d: {  	s2 =	sadd.s32 s2, s16  }
0x8e: {  	[smem:$0x3FBC] =	sst s2  }
0x8f: {  	_ = 	snop  }
0x90: {  	(tm) =	ssettm $0x1  }
0x91: {  	s17 =	sld [smem:$0x3FFB];
	_ =	sdelay $0x3  }
0x92: {  	_ =	strace s17  }
0x93: {  	s2 =	sld [smem:$0x3FFC];
	_ =	sdelay $0x3  }
0x94: {  	_ =	strace s2  }
0x95: {  	s2 =	sld [smem:$0x3FFD];
	_ =	sdelay $0x3  }
0x96: {  	_ =	strace s2  }
0x97: {  	_ =	strace $0x8FFFFFFF  }
0x98: {  	s18 =	sld [smem:$0x3FDB];
	_ =	sdelay $0x1  }
0x99: {  	s19 =	simm.s32 $_scs_section_size  }
0x9a: {  	s4 =	simm.s32 $_size__tile_overlayer_lowered;
	s5 =	simm.s32 $_tile_overlayer_lowered  }
0x9b: {  	s22 =	simm.s32 $0x1BFF;
	s21 =	sshll.u32 s5, $0x1;
	s2 =	sadd.s32 s19, s18  }
0x9c: {  	s6 =	simm.s32 $0x0;
	s20 =	sshll.u32 s4, $0x1;
	s4 =	sadd.s32 s21, s2  }
0x9d: {  	[timem:s6], [sflag:s22] =	dma.local [hbm:s4], s20  }
0x9e: {  	_ =	swait.ge [sflag:s22], s20  }
0x9f: {  	s3 =	ssub.s32 $0x0, s20;
	[sflag:s22] =	ssyncset.done $0x0  }
0xa0: {  	[sflag:s22] =	ssyncadd.s32 s3;
	_ =	sdelay $0x1  }
0xa1: {  	s23 =	simm.s32 $0x1B8B  }
0xa2: {  	_ =	swait.ge [sflag:s23], $0x1  }
0xa3: {  	[sflag:s23] =	ssyncset.done $0x0  }
0xa4: {  	s25 =	simm.s32 $0x1B8E;
	s24 =	sld [smem:$0x3FFE];
	[sflag:s23] =	ssyncadd.s32 $0xFFFFFFFF  }
0xa5: {  	s26 =	simm.s32 $execute0_lowered;
	[smem:$0x3FD2] =	sst s25  }
0xa6: {  	s4 =	sshll.u32 s26, $0x1;
	_ =	strace $0x8000004C;
	[dreg:$0x1] =	wrdreg $0xFFFFFFFF  }
0xa7: {  	s28 =	simm.s32 $_size_execute0_lowered;
	s2 =	sadd.s32 s2, s4;
	[dreg:$0x0] =	wrdreg $0x0  }
0xa8: {  	s4 =	sshll.u32 s28, $0x1;
	[dreg:$0x2] =	wrdreg s2  }
0xa9: {  	[dreg:$0x3] =	wrdreg s4  }
0xaa: {  	[dreg:$0x4] =	wrdreg $0xC0  }
0xab: {  	_ =	task [dreg:s6], $0x5FFFF  }
0xac: {  	[dreg:$0x1] =	wrdreg $0xFFFFFFFF  }
0xad: {  	[dreg:$0x0] =	wrdreg $0x60  }
0xae: {  	[dreg:$0x2] =	wrdreg s24  }
0xaf: {  	[dreg:$0x3] =	wrdreg $0x52000  }
0xb0: {  	[dreg:$0x4] =	wrdreg $0x9  }
0xb1: {  	_ =	task.clear_ibuf [dreg:s6], $0x5FFFF;
	_ =	strace $0x9000004C  }
0xb2: {  	s29 =	simm.s32 $0x9;
	_ =	strace $0x8000004E  }
0xb3: {  	_ =	swait.ge [sflag:s29], $0x1  }
0xb4: {  	[sflag:s29] =	ssyncadd.s32 $0xFFFFFFFF  }
0xb5: {  	_ =	strace $0x9000004E  }
0xb6: {  	_ =	sfence  }
0xb7: {  	s30 =	sld [smem:$0x0];
	_ =	sdelay $0x2  }
0xb8: {  	s31 =	sshll.u32 s1, $0xD;
	s1 =	sshrl.u32 s1, $0x2  }
0xb9: {  	s3 =	sand.u32 $0x4000, s31;
	s1 =	sadd.s32 s1, s30  }
0xba: {  	s0 =	sor.u32 s3, s0;
	s1 =	sshll.u32 s1, $0x11  }
0xbb: {  	s0 =	sor.u32 s1, s0  }
0xbc: {  	s0 =	sadd.s32 $0x8F2B, s0  }
0xbd: {  	[sflag:s0] =	ssyncadd.remote.s32 $0x1  }
0xbe: {  	_ =	sfence.sel $0xFFFF  }
0xbf: {  	[dreg:$0x0] =	wrdreg $0xFFFFFFFF;
	(pc) =	sbr.abs _section_cstart, $3  }
0xc0: {  	[dreg:$0x1] =	wrdreg $0xFFFFFFFF  }
0xc1: {  	_ =	task.clear_ibuf [dreg:s6], $0x2FFFF;
	_ =	strace $0x9FFFFFFF  }
0xc2: {  	(tm) =	ssettm $0x7FFFFFFF  }
0xc3: {  	_ =	shalt  }
tec
execute0_lowered:
.L_overlay_start_1:
0x0: {  	(tag) =	ssettag $0x1  }
0x1: {  	s0 =	rddreg [dreg:$0x0]  }
0x2: {  	s1 =	rddreg [dreg:$0x1];
	s2 =	simm.s32 $0x0  }
0x3: {  	s4 =	srdreg.scid;
	s15 =	stileid.u32;
	s28 =	simm.s32 $0x2900  }
0x4: {  	s29 =	simm.s32 $0x2980;
	s30 =	simm.s32 $0x4;
	s31 =	simm.s32 $0x2A00  }
0x5: {  	[smem:$0x7FF] =	sst s2;
	s3 =	sadd.s32 $0xC600, s0;
	s5 =	sadd.s32 $0x2800, s0  }
0x6: {  	s6 =	sadd.s32 $0x19800, s0;
	s7 =	sadd.s32 $0x17000, s0;
	s4 =	sand.u32 $0x1, s4  }
0x7: {  	s8 =	sshll.u32 s15, $0x1;
	s9 =	smul.u32 $0x4E000, s15;
	s0 =	sadd.s32 $0x40A00, s0  }
0x8: {  	s17 =	sshll.u32 s15, $0x6;
	s12 =	sadd.s32 $0x138000, s1;
	s20 =	smul.u32 $0x13800, s15  }
0x9: {  	s14 =	smul.u32 $0x4E20, s15;
	p0 =	sne.s32 s15, $0xF;
	_ =	strace $0x8000004D  }
0xa: {  	s10 =	ssub.s32 $0x2, s4;
	s8 =	sor.u32 s4, s8;
	s18 =	smul.u32 $0x138800, s4  }
0xb: {  	[dreg:$0x4] =	wrdreg s12;
	s4 =	smul.u32 $0x2710, s4;
	s11 =	sshrl.u32 s10, $0x1  }
0xc: {  	s8 =	smul.u32 $0x2710, s8;
	s9 =	sshrl.u32 s9, $0x2;
	s10 =	ssub.s32 s10, s11  }
0xd: {  	s9 =	sadd.s32 s9, s1;
	s23 =	sadd.s32 s20, s18;
	s11 =	sshrl.u32 s18, $0x3  }
0xe: {  	s4 =	sadd.s32 s4, s14;
	[dreg:$0x3] =	wrdreg s9;
	s9 =	sor.u32 $0x1C06, s17  }
0xf: {  	s8 =	sshrl.u32 s8, $0x3;
	s11 =	sadd.s32 s0, s11;
	s24 =	sadd.s32 $0xF0, s4  }
0x10: {  	s19 =	sadd.s32 s3, s8;
	s13 =	sadd.s32 s5, s8;
	s21 =	sadd.s32 $0xA, s8  }
0x11: {  	s8 =	sadd.s32 $0x4D8, s8;
	s25 =	sadd.s32 $0x27000, s11;
	s26 =	sshrl.u32 s24, $0x3  }
0x12: {  	s24 =	simm.s32 $0x80;
	s11 =	simm.s32 $0x0;
	[dreg:$0x5] =	wrdreg s19  }
0x13: {  	[dreg:$0x6] =	wrdreg s13;
	s16 =	sadd.s32 s3, s21;
	s13 =	sadd.s32 s5, s21  }
0x14: {  	s22 =	sadd.s32 s3, s8;
	s8 =	sadd.s32 s5, s8;
	[dreg:$0xc] =	wrdreg s25  }
0x15: {  	s19 =	smax.u32 s10, $0x1;
	s20 =	sadd.s32 s26, s5;
	[dreg:$0x7] =	wrdreg s16  }
0x16: {  	s21 =	sadd.s32 s26, s3;
	s25 =	simm.s32 $0x50;
	[dreg:$0x8] =	wrdreg s13  }
0x17: {  	s26 =	simm.s32 $0x100;
	s10 =	simm.s32 $0x5;
	[dreg:$0x9] =	wrdreg s22  }
0x18: {  	[dreg:$0xa] =	wrdreg s8;
	s8 =	sshrl.u32 s23, $0x3;
	s22 =	sadd.s32 $0xA0, s4  }
0x19: {  	s23 =	simm.s32 $0x6;
	s4 =	simm.s32 $0x2;
	s0 =	sadd.s32 s0, s8  }
0x1a: {  	s8 =	simm.s32 $0x3;
	[dreg:$0xb] =	wrdreg s0;
	s0 =	simm.s32 $0x1  }
.LBB2_1:
0x1b: {  	s12 =	rddreg [dreg:$0x3]  }
0x1c: {  	s12 =	sshrl.u32 s12, $0x3  }
0x1d: {  	[spmem:s12], [sflag:s9] =	dma.local [hbm:s7], $0x2700  }
0x1e: {  	_ =	swait.ge [sflag:s23], $0x2700  }
0x1f: {  	[sflag:s23] =	ssyncset.done $0x0;
	s13 =	rddreg [dreg:$0x4]  }
0x20: {  	s14 =	simm.s32 @!p0 $0x6;
	[sflag:s23] =	ssyncadd.s32 $0xFFFFD900;
	s13 =	sshrl.u32 @!p0 s13, $0x3  }
0x21: {  	[spmem:s13], [sflag:s9] =	dma.local @!p0 [hbm:s7], $0x100  }
0x22: {  	_ =	swait.ge @!p0 [sflag:s14], $0x100  }
0x23: {  	[sflag:s14] =	ssyncset.done @!p0 $0x0  }
0x24: {  	[sflag:s14] =	ssyncadd.s32 @!p0 $0xFFFFFF00  }
0x25: {  	[bflag:$0x0] =	sbarrier.arrive $0xFFFF  }
0x26: {  	s17 =	rddreg [dreg:$0x5]  }
0x27: {  	[tilespmem:s2], [sflag:$0x6] =	stream.linear.gather [hbm4b:s17+s2], $0x50, $0x38;
	[tilespmem:$0x18A80] =	vst v63  }
0x28: {  	_ =	swait.ge [sflag:s23], $0x50  }
0x29: {  	[sflag:s23] =	ssyncset.done $0x0  }
0x2a: {  	s18 =	rddreg [dreg:$0x6];
	[sflag:s23] =	ssyncadd.s32 $0xFFFFFFB0  }
0x2b: {  	[tilespmem:s24], [sflag:$0x6] =	stream.linear.gather [hbm4b:s18+s2], $0x50, $0x38;
	[tilespmem:$0x18A80] =	vst v63  }
0x2c: {  	_ =	swait.ge [sflag:s23], $0x50  }
0x2d: {  	[sflag:s23] =	ssyncset.done $0x0  }
0x2e: {  	[sflag:s23] =	ssyncadd.s32 $0xFFFFFFB0  }
0x2f: {  	[tilespmem:s26], [sflag:$0x1] =	stream.indirect.gather [hbm4b:s6+s25], $0x80, s2, s25, $0xb8;
	[tilespmem:$0x18A80] =	vst v63  }
0x30: {  	s15 =	rddreg [dreg:$0x7]  }
0x31: {  	[tilespmem:s28], [sflag:$0x4] =	stream.linear.gather [hbm4b:s15+s2], $0x50, $0x38;
	[tilespmem:$0x18A80] =	vst v63  }
0x32: {  	s16 =	rddreg [dreg:$0x8]  }
0x33: {  	[tilespmem:s29], [sflag:$0x4] =	stream.linear.gather [hbm4b:s16+s2], $0x50, $0x38;
	[tilespmem:$0x18A80] =	vst v63  }
0x34: {  	_ =	swait.ge [sflag:s30], $0x50  }
0x35: {  	[sflag:s30] =	ssyncset.done $0x0  }
0x36: {  	[sflag:s30] =	ssyncadd.s32 $0xFFFFFFB0  }
0x37: {  	_ =	swait.ge [sflag:s30], $0x50  }
0x38: {  	[sflag:s30] =	ssyncset.done $0x0  }
0x39: {  	[sflag:s30] =	ssyncadd.s32 $0xFFFFFFB0  }
0x3a: {  	[tilespmem:s31], [sflag:$0x2] =	stream.indirect.gather [hbm4b:s6+s25], $0x80, s28, s25, $0xb8;
	[tilespmem:$0x18A80] =	vst v63  }
0x3b: {  	_ =	swait.ge [sflag:s0], $0x2800  }
0x3c: {  	[sflag:s0] =	ssyncset.done $0x0  }
0x3d: {  	[sflag:s0] =	ssyncadd.s32 $0xFFFFD800  }
0x3e: {  	[spmem:s1] =	stream.indirect.scatter.add.f32 [tilespmem:s26], [sflag:$0x6], $0x80, s24, s25, $0xb8;
	[tilespmem:$0x18A80] =	vst v63  }
0x3f: {  	_ =	swait.ge [sflag:s23], $0x2800  }
0x40: {  	s17 =	sshrl.u32 s22, $0x3;
	[sflag:s23] =	ssyncset.done $0x0  }
0x41: {  	s15 =	sadd.s32 s3, s17;
	[sflag:s23] =	ssyncadd.s32 $0xFFFFD800  }
0x42: {  	[tilespmem:s2], [sflag:$0x3] =	stream.linear.gather [hbm4b:s15+s2], $0x50, $0x38;
	[tilespmem:$0x18A80] =	vst v63  }
0x43: {  	s14 =	sadd.s32 s5, s17  }
0x44: {  	[tilespmem:s24], [sflag:$0x3] =	stream.linear.gather [hbm4b:s14+s2], $0x50, $0x38;
	[tilespmem:$0x18A80] =	vst v63  }
0x45: {  	_ =	swait.ge [sflag:s4], $0x2800  }
0x46: {  	[sflag:s4] =	ssyncset.done $0x0  }
0x47: {  	[sflag:s4] =	ssyncadd.s32 $0xFFFFD800  }
0x48: {  	[spmem:s1] =	stream.indirect.scatter.add.f32 [tilespmem:s31], [sflag:$0x5], $0x80, s29, s25, $0xb8;
	[tilespmem:$0x18A80] =	vst v63  }
0x49: {  	_ =	swait.ge [sflag:s8], $0x50  }
0x4a: {  	[sflag:s8] =	ssyncset.done $0x0  }
0x4b: {  	[sflag:s8] =	ssyncadd.s32 $0xFFFFFFB0  }
0x4c: {  	_ =	swait.ge [sflag:s8], $0x50  }
0x4d: {  	[sflag:s8] =	ssyncset.done $0x0  }
0x4e: {  	[sflag:s8] =	ssyncadd.s32 $0xFFFFFFB0  }
0x4f: {  	[tilespmem:s26], [sflag:$0x1] =	stream.indirect.gather [hbm4b:s6+s25], $0x80, s2, s25, $0xb8;
	[tilespmem:$0x18A80] =	vst v63  }
0x50: {  	_ =	swait.ge [sflag:s10], $0x2800  }
0x51: {  	s18 =	sadd.s32 $0x0, s21;
	s16 =	sadd.s32 $0x0, s20;
	[sflag:s10] =	ssyncset.done $0x0  }
0x52: {  	s15 =	sadd.s32 $0xA0, s22;
	s14 =	simm.s32 $0x14;
	[sflag:s10] =	ssyncadd.s32 $0xFFFFD800  }
0x53: {  	[tilespmem:s28], [sflag:$0x4] =	stream.linear.gather [hbm4b:s18+s2], $0x50, $0x38;
	[tilespmem:$0x18A80] =	vst v63  }
.LBB2_2:
0x54: {  	[tilespmem:s29], [sflag:$0x4] =	stream.linear.gather [hbm4b:s16+s2], $0x50, $0x38;
	[tilespmem:$0x18A80] =	vst v63  }
0x55: {  	s16 =	smov.u32 s14  }
0x56: {  	p1 =	sne.s32 s14, $0x4B0;
	s14 =	sadd.s32 $0x14, s14;
	_ =	swait.ge [sflag:s30], $0x50  }
0x57: {  	[sflag:s30] =	ssyncset.done $0x0  }
0x58: {  	[sflag:s30] =	ssyncadd.s32 $0xFFFFFFB0  }
0x59: {  	_ =	swait.ge [sflag:s30], $0x50  }
0x5a: {  	[sflag:s30] =	ssyncset.done $0x0  }
0x5b: {  	[sflag:s30] =	ssyncadd.s32 $0xFFFFFFB0  }
0x5c: {  	[tilespmem:s31], [sflag:$0x2] =	stream.indirect.gather [hbm4b:s6+s25], $0x80, s28, s25, $0xb8;
	[tilespmem:$0x18A80] =	vst v63  }
0x5d: {  	_ =	swait.ge [sflag:s0], $0x2800  }
0x5e: {  	[sflag:s0] =	ssyncset.done $0x0  }
0x5f: {  	[sflag:s0] =	ssyncadd.s32 $0xFFFFD800  }
0x60: {  	[spmem:s1] =	stream.indirect.scatter.add.f32 [tilespmem:s26], [sflag:$0x6], $0x80, s24, s25, $0xb8;
	[tilespmem:$0x18A80] =	vst v63  }
0x61: {  	_ =	swait.ge [sflag:s23], $0x2800  }
0x62: {  	s17 =	sshrl.u32 s15, $0x3;
	[sflag:s23] =	ssyncset.done $0x0  }
0x63: {  	s18 =	sadd.s32 s3, s17;
	[sflag:s23] =	ssyncadd.s32 $0xFFFFD800  }
0x64: {  	[tilespmem:s2], [sflag:$0x3] =	stream.linear.gather [hbm4b:s18+s2], $0x50, $0x38;
	[tilespmem:$0x18A80] =	vst v63  }
0x65: {  	s17 =	sadd.s32 s5, s17  }
0x66: {  	[tilespmem:s24], [sflag:$0x3] =	stream.linear.gather [hbm4b:s17+s2], $0x50, $0x38;
	[tilespmem:$0x18A80] =	vst v63  }
0x67: {  	_ =	swait.ge [sflag:s4], $0x2800  }
0x68: {  	[sflag:s4] =	ssyncset.done $0x0  }
0x69: {  	[sflag:s4] =	ssyncadd.s32 $0xFFFFD800  }
0x6a: {  	[spmem:s1] =	stream.indirect.scatter.add.f32 [tilespmem:s31], [sflag:$0x5], $0x80, s29, s25, $0xb8;
	[tilespmem:$0x18A80] =	vst v63  }
0x6b: {  	_ =	swait.ge [sflag:s8], $0x50  }
0x6c: {  	[sflag:s8] =	ssyncset.done $0x0  }
0x6d: {  	[sflag:s8] =	ssyncadd.s32 $0xFFFFFFB0  }
0x6e: {  	_ =	swait.ge [sflag:s8], $0x50  }
0x6f: {  	[sflag:s8] =	ssyncset.done $0x0  }
0x70: {  	[sflag:s8] =	ssyncadd.s32 $0xFFFFFFB0  }
0x71: {  	[tilespmem:s26], [sflag:$0x1] =	stream.indirect.gather [hbm4b:s6+s25], $0x80, s2, s25, $0xb8;
	[tilespmem:$0x18A80] =	vst v63  }
.Ltmp0:
0x72: {  	_ =	swait.ge [sflag:s10], $0x2800;
	(pc) =	sbr.rel @p1 .LBB2_2-.Ltmp0, $4  }
0x73: {  	[sflag:s10] =	ssyncset.done $0x0  }
0x74: {  	s17 =	sadd.s32 s16, s21;
	[sflag:s10] =	ssyncadd.s32 $0xFFFFD800  }
0x75: {  	[tilespmem:s28], [sflag:$0x4] =	stream.linear.gather [hbm4b:s17+s2], $0x50, $0x38;
	[tilespmem:$0x18A80] =	vst v63  }
0x76: {  	s15 =	sadd.s32 $0xA0, s15;
	s16 =	sadd.s32 s16, s20  }
0x77: {  	[tilespmem:s29], [sflag:$0x4] =	stream.linear.gather [hbm4b:s16+s2], $0x50, $0x38;
	[tilespmem:$0x18A80] =	vst v63  }
0x78: {  	_ =	swait.ge [sflag:s30], $0x50  }
0x79: {  	[sflag:s30] =	ssyncset.done $0x0  }
0x7a: {  	[sflag:s30] =	ssyncadd.s32 $0xFFFFFFB0  }
0x7b: {  	_ =	swait.ge [sflag:s30], $0x50  }
0x7c: {  	[sflag:s30] =	ssyncset.done $0x0  }
0x7d: {  	[sflag:s30] =	ssyncadd.s32 $0xFFFFFFB0  }
0x7e: {  	[tilespmem:s31], [sflag:$0x2] =	stream.indirect.gather [hbm4b:s6+s25], $0x80, s28, s25, $0xb8;
	[tilespmem:$0x18A80] =	vst v63  }
0x7f: {  	_ =	swait.ge [sflag:s0], $0x2800  }
0x80: {  	[sflag:s0] =	ssyncset.done $0x0  }
0x81: {  	[sflag:s0] =	ssyncadd.s32 $0xFFFFD800  }
0x82: {  	[spmem:s1] =	stream.indirect.scatter.add.f32 [tilespmem:s26], [sflag:$0x6], $0x80, s24, s25, $0xb8;
	[tilespmem:$0x18A80] =	vst v63  }
0x83: {  	_ =	swait.ge [sflag:s23], $0x2800  }
0x84: {  	[sflag:s23] =	ssyncset.done $0x0  }
0x85: {  	[sflag:s23] =	ssyncadd.s32 $0xFFFFD800  }
0x86: {  	_ =	swait.ge [sflag:s4], $0x2800  }
0x87: {  	[sflag:s4] =	ssyncset.done $0x0  }
0x88: {  	[sflag:s4] =	ssyncadd.s32 $0xFFFFD800  }
0x89: {  	[spmem:s1] =	stream.indirect.scatter.add.f32 [tilespmem:s31], [sflag:$0x5], $0x80, s29, s25, $0xb8;
	[tilespmem:$0x18A80] =	vst v63  }
0x8a: {  	_ =	swait.ge [sflag:s10], $0x2800  }
0x8b: {  	[sflag:s10] =	ssyncset.done $0x0  }
0x8c: {  	s14 =	rddreg [dreg:$0x9];
	[sflag:s10] =	ssyncadd.s32 $0xFFFFD800  }
0x8d: {  	[tilespmem:s28], [sflag:$0x6] =	stream.linear.gather [hbm4b:s14+s2], $0x50, $0x38;
	[tilespmem:$0x18A80] =	vst v63  }
0x8e: {  	_ =	swait.ge [sflag:s23], $0x50  }
0x8f: {  	[sflag:s23] =	ssyncset.done $0x0  }
0x90: {  	s17 =	rddreg [dreg:$0xa];
	[sflag:s23] =	ssyncadd.s32 $0xFFFFFFB0  }
0x91: {  	[tilespmem:s29], [sflag:$0x6] =	stream.linear.gather [hbm4b:s17+s2], $0x50, $0x38;
	[tilespmem:$0x18A80] =	vst v63  }
0x92: {  	_ =	swait.ge [sflag:s23], $0x50  }
0x93: {  	[sflag:s23] =	ssyncset.done $0x0  }
0x94: {  	[sflag:s23] =	ssyncadd.s32 $0xFFFFFFB0  }
0x95: {  	[tilespmem:s31], [sflag:$0x2] =	stream.indirect.gather [hbm4b:s6+s25], $0x80, s28, s25, $0xb8;
	[tilespmem:$0x18A80] =	vst v63  }
0x96: {  	_ =	swait.ge [sflag:s4], $0x2800  }
0x97: {  	[sflag:s4] =	ssyncset.done $0x0  }
0x98: {  	[sflag:s4] =	ssyncadd.s32 $0xFFFFD800  }
0x99: {  	[spmem:s1] =	stream.indirect.scatter.add.f32 [tilespmem:s31], [sflag:$0x6], $0x80, s29, s25, $0xb8;
	[tilespmem:$0x18A80] =	vst v63  }
0x9a: {  	_ =	swait.ge [sflag:s23], $0x2800  }
0x9b: {  	[sflag:s23] =	ssyncset.done $0x0  }
0x9c: {  	[sflag:s23] =	ssyncadd.s32 $0xFFFFD800  }
0x9d: {  	[bflag:$0x0] =	sbarrier.arrive $0xFFFF  }
0x9e: {  	s18 =	rddreg [dreg:$0xb]  }
0x9f: {  	[hbm:s18], [sflag:s9] =	dma.local [spmem:s12], $0x2700  }
0xa0: {  	_ =	swait.ge [sflag:s23], $0x2700  }
0xa1: {  	s11 =	sadd.s32 $0x1, s11;
	[sflag:s23] =	ssyncset.done $0x0  }
0xa2: {  	p1 =	sne.s32 s11, s19;
	s12 =	rddreg [dreg:$0xc];
	[sflag:s23] =	ssyncadd.s32 $0xFFFFD900  }
0xa3: {  	[hbm:s12], [sflag:s9] =	dma.local @!p0 [spmem:s13], $0x100  }
.Ltmp1:
0xa4: {  	_ = 	snop;
	(pc) =	sbr.rel @p1 .LBB2_1-.Ltmp1, $4  }
0xa5: {  	s12 =	simm.s32 @!p0 $0x6  }
0xa6: {  	_ =	swait.ge @!p0 [sflag:s12], $0x100  }
0xa7: {  	[sflag:s12] =	ssyncset.done @!p0 $0x0  }
0xa8: {  	[sflag:s12] =	ssyncadd.s32 @!p0 $0xFFFFFF00  }
0xa9: {  	_ =	sfence.sel $0x180000  }
0xaa: {  	[bflag:$0x0] =	sbarrier.arrive $0xFFFF  }
0xab: {  	_ =	strace $0x9000004D  }
0xac: {  	s0 =	stileid.u32;
	[bflag:$0x2] =	sbarrier.arrive $0xFFFF  }
0xad: {  	p0 =	sne.s32 s0, $0x0;
	s0 =	rddreg [dreg:$0x2]  }
0xae: {  	s0 =	sadd.s32 @!p0 $0x100000, s0  }
0xaf: {  	[sflag:s0] =	ssyncadd.tile.s32 @!p0 $0x1;
	_ =	shalt  }
.Lfunc_end2:
_tile_overlayer_lowered:
.L_overlay_start_2:
0xb0: {  	(tag) =	ssettag $0x2  }
0xb1: {  	s0 =	rddreg [dreg:$0x0];
	s2 =	stileid.u32  }
0xb2: {  	s1 =	rddreg [dreg:$0x1];
	p0 =	sne.s32 s2, $0x0  }
0xb3: {  	s3 =	rddreg [dreg:$0x2];
	[bflag:$0x3] =	sbarrier.arrive $0xFFFF;
	s2 =	simm.s32 @!p0 $0x1C06  }
0xb4: {  	[timem:s3], [sflag:s2] =	dma.local @!p0 [hbm:s0], s1  }
0xb5: {  	s0 =	simm.s32 @!p0 $0x6  }
0xb6: {  	_ =	swait.ge @!p0 [sflag:s0], s1  }
0xb7: {  	s1 =	ssub.s32 @!p0 $0x0, s1;
	[sflag:s0] =	ssyncset.done @!p0 $0x0  }
0xb8: {  	[sflag:s0] =	ssyncadd.s32 @!p0 s1  }
0xb9: {  	[bflag:$0x3] =	sbarrier.arrive $0xFFFF  }
0xba: {  	_ =	shalt  }

</sc_bundles>
